<compile_context>
chip_gen: v7x
topology: tpu7x:2x2x1
jax: 0.10.2.dev20260603
libtpu: 0.0.44.dev20260713+nightly
codegen_flags: <defaults>
</compile_context>

<pallas_src>
import functools

import jax
import jax.numpy as jnp
from jax import lax
from jax.experimental import pallas as pl
from jax.experimental.pallas import tpu as pltpu
from jax.experimental.pallas import tpu_sc as plsc

N = 10000
E = 320000
F_IN = 128
H = 16
C = 40

NPAD = 10240
NC = 2
NS = 16
NW = NC * NS
CHUNK = 128
NCH_TOTAL = E // CHUNK
NCH_BASE = NCH_TOTAL // NW
NCH_EXTRA = NCH_TOTAL % NW
RPT = NPAD // NS
DEPTH = 32
GA = 16
SD = 16

RPACK = 128 // H
RB = 1024
PKR = RB // RPACK
_GRID = NPAD // RB
_PK = NPAD // RPACK


def _agg_body(with_deg, *refs):
    if with_deg:
        (ei_hbm, tbl_hbm, zacc_hbm, zdeg_hbm, ones_hbm,
         acc_out, deg_out,
         srcv, dstv, rows, onesv, degv, degrep,
         acc_sh, deg_sh, sem_g, sem_s, sem_d) = refs
    else:
        (ei_hbm, tbl_hbm, zacc_hbm,
         acc_out,
         srcv, dstv, rows, acc_sh, sem_g, sem_s) = refs

    c = lax.axis_index("c")
    s = lax.axis_index("s")
    w = c * NS + s
    row0 = NCH_BASE * w + jnp.minimum(w, NCH_EXTRA)
    nch = NCH_BASE + jnp.where(w < NCH_EXTRA, 1, 0)

    zb = s * RPT
    init_cps = [
        pltpu.make_async_copy(zacc_hbm, acc_sh.at[pl.ds(zb, RPT)], sem_g),
        pltpu.make_async_copy(ei_hbm.at[0, pl.ds(row0, NCH_BASE)],
                              srcv.at[pl.ds(0, NCH_BASE)], sem_g),
        pltpu.make_async_copy(ei_hbm.at[1, pl.ds(row0, NCH_BASE)],
                              dstv.at[pl.ds(0, NCH_BASE)], sem_g),
    ]
    if with_deg:
        init_cps += [
            pltpu.make_async_copy(zdeg_hbm, deg_sh.at[pl.ds(zb, RPT)], sem_g),
            pltpu.make_async_copy(ones_hbm, onesv, sem_g),
        ]
    for cp in init_cps:
        cp.start()

    @pl.when(w < NCH_EXTRA)
    def _():
        pltpu.sync_copy(ei_hbm.at[0, row0 + NCH_BASE], srcv.at[NCH_BASE])
        pltpu.sync_copy(ei_hbm.at[1, row0 + NCH_BASE], dstv.at[NCH_BASE])

    for cp in init_cps:
        cp.wait()

    plsc.subcore_barrier()

    def g_slot(i):
        return rows.at[pl.ds(lax.rem(i, DEPTH) * CHUNK, CHUNK)]

    for k in range(GA):
        @pl.when(k < nch)
        def _(k=k):
            pltpu.make_async_copy(tbl_hbm.at[srcv.at[k]],
                                  rows.at[pl.ds(k * CHUNK, CHUNK)],
                                  sem_g).start()

    def chunk_step(i):
        @pl.when(i >= SD)
        def _():
            pltpu.make_async_copy(g_slot(i - SD),
                                  acc_sh.at[dstv.at[i - SD]], sem_s).wait()
            if with_deg:
                pltpu.make_async_copy(onesv, deg_sh.at[dstv.at[i - SD]],
                                      sem_d).wait()

        @pl.when(i + GA < nch)
        def _():
            pltpu.make_async_copy(tbl_hbm.at[srcv.at[i + GA]],
                                  g_slot(i + GA), sem_g).start()

        pltpu.make_async_copy(tbl_hbm.at[srcv.at[i]], g_slot(i), sem_g).wait()
        pltpu.async_copy(g_slot(i), acc_sh.at[dstv.at[i]], sem_s, add=True)
        if with_deg:
            pltpu.async_copy(onesv, deg_sh.at[dstv.at[i]], sem_d, add=True)

    def step(i, carry):
        chunk_step(i)
        return carry

    lax.fori_loop(0, nch, step, 0)

    def tail(i, carry):
        @pl.when(i >= 0)
        def _():
            pltpu.make_async_copy(g_slot(i), acc_sh.at[dstv.at[i]],
                                  sem_s).wait()
            if with_deg:
                pltpu.make_async_copy(onesv, deg_sh.at[dstv.at[i]],
                                      sem_d).wait()
        return carry

    lax.fori_loop(jnp.maximum(nch - SD, 0), nch, tail, 0)

    plsc.subcore_barrier()
    pltpu.sync_copy(acc_sh.at[pl.ds(zb, RPT)], acc_out.at[c, pl.ds(zb, RPT)])
    if with_deg:
        pltpu.sync_copy(deg_sh.at[pl.ds(zb, RPT)], degv)

        def rep(i, carry):
            v = degv[pl.ds(i * H, H)]
            for k in range(H):
                degrep[i * H + k, :] = jnp.full((H,), v[k], jnp.float32)
            return carry

        lax.fori_loop(0, RPT // H, rep, 0)
        pltpu.sync_copy(degrep, deg_out.at[c, pl.ds(zb, RPT)])


def _make_agg(with_deg):
    mesh = plsc.VectorSubcoreMesh(
        core_axis_name="c", subcore_axis_name="s",
        num_cores=NC, num_subcores=NS)
    out_type = [jax.ShapeDtypeStruct((NC, NPAD, H), jnp.float32)]
    scratch = [
        pltpu.VMEM((NCH_BASE + 1, CHUNK), jnp.int32),
        pltpu.VMEM((NCH_BASE + 1, CHUNK), jnp.int32),
        pltpu.VMEM((DEPTH * CHUNK, H), jnp.float32),
    ]
    if with_deg:
        out_type.append(jax.ShapeDtypeStruct((NC, NPAD, H), jnp.float32))
        scratch += [
            pltpu.VMEM((CHUNK,), jnp.float32),
            pltpu.VMEM((RPT,), jnp.float32),
            pltpu.VMEM((RPT, H), jnp.float32),
        ]
    scratch.append(pltpu.VMEM_SHARED((NPAD, H), jnp.float32))
    if with_deg:
        scratch.append(pltpu.VMEM_SHARED((NPAD,), jnp.float32))
    scratch += [pltpu.SemaphoreType.DMA, pltpu.SemaphoreType.DMA]
    if with_deg:
        scratch.append(pltpu.SemaphoreType.DMA)
    return pl.kernel(
        functools.partial(_agg_body, with_deg),
        out_type=out_type,
        mesh=mesh,
        scratch_types=scratch,
        compiler_params=pltpu.CompilerParams(use_tc_tiling_on_sc=False),
    )


def _mm1_body(x_ref, w_ref, b_ref, ya_ref, xr_ref):
    z = jnp.dot(x_ref[...], w_ref[...], preferred_element_type=jnp.float32)
    nl = lax.broadcasted_iota(jnp.int32, (RB, 128), 0)
    li = lax.broadcasted_iota(jnp.int32, (RB, 128), 1)
    msk = jnp.where((li >> 4) == (nl & 7), 1.0, 0.0)
    msk2 = jnp.concatenate([msk, msk], axis=1)
    qi = lax.broadcasted_iota(jnp.int32, (PKR, RB), 0)
    ni = lax.broadcasted_iota(jnp.int32, (PKR, RB), 1)
    a8t = jnp.where((ni >> 3) == qi, 1.0, 0.0)
    yz = jnp.dot(a8t, z * msk2, preferred_element_type=jnp.float32)
    ya_ref[...] = yz[:, :128]
    xr_ref[...] = yz[:, 128:] + b_ref[...]


def _fuse1_body(acc_ref, deg_ref, xr_ref, h_ref):
    a = acc_ref[...]
    d = deg_ref[...]
    rinv = 1.0 / jnp.maximum(d[0] + d[1], 1.0)
    h_ref[...] = jnp.maximum((a[0] + a[1]) * rinv + xr_ref[...], 0.0)


def _fuse2_body(acc_ref, deg_ref, h_ref, w_ref, b_ref, out_ref):
    a = acc_ref[...]
    d = deg_ref[...]
    rinv = 1.0 / jnp.maximum(d[0] + d[1], 1.0)
    mean2 = (a[0] + a[1]) * rinv
    m2t = mean2.T
    ht = h_ref[...].T
    qi = lax.broadcasted_iota(jnp.int32, (PKR, RB), 0)
    ni = lax.broadcasted_iota(jnp.int32, (PKR, RB), 1)
    a8x = jnp.where(qi == (ni >> 3), 1.0, 0.0)
    li = lax.broadcasted_iota(jnp.int32, (128, RB), 0)
    nl = lax.broadcasted_iota(jnp.int32, (128, RB), 1)
    mskx = jnp.where((li >> 4) == (nl & 7), 1.0, 0.0)
    m2x = jnp.dot(m2t, a8x, preferred_element_type=jnp.float32) * mskx
    hx = jnp.dot(ht, a8x, preferred_element_type=jnp.float32) * mskx
    hw = jnp.concatenate([m2x, hx], axis=0)
    o = jnp.dot(w_ref[...], hw, preferred_element_type=jnp.float32) + b_ref[...]
    m = jnp.max(o, axis=0, keepdims=True)
    e = jnp.exp(o - m)
    lse = jnp.log(jnp.sum(e, axis=0, keepdims=True))
    out_ref[...] = (o - m) - lse


def _mm1(x, wrep, b1x):
    return pl.pallas_call(
        _mm1_body,
        grid=(_GRID,),
        in_specs=[
            pl.BlockSpec((RB, F_IN), lambda i: (i, 0)),
            pl.BlockSpec((F_IN, 256), lambda i: (0, 0)),
            pl.BlockSpec((1, 128), lambda i: (0, 0)),
        ],
        out_specs=[
            pl.BlockSpec((PKR, 128), lambda i: (i, 0)),
            pl.BlockSpec((PKR, 128), lambda i: (i, 0)),
        ],
        out_shape=[
            jax.ShapeDtypeStruct((_PK, 128), jnp.float32),
            jax.ShapeDtypeStruct((_PK, 128), jnp.float32),
        ],
    )(x, wrep, b1x)


def _fuse1(accp, degp, xrp):
    return pl.pallas_call(
        _fuse1_body,
        grid=(_GRID,),
        in_specs=[
            pl.BlockSpec((NC, PKR, 128), lambda i: (0, i, 0)),
            pl.BlockSpec((NC, PKR, 128), lambda i: (0, i, 0)),
            pl.BlockSpec((PKR, 128), lambda i: (i, 0)),
        ],
        out_specs=pl.BlockSpec((PKR, 128), lambda i: (i, 0)),
        out_shape=jax.ShapeDtypeStruct((_PK, 128), jnp.float32),
    )(accp, degp, xrp)


def _fuse2(accp2, degp, hp, w2x, b2r):
    return pl.pallas_call(
        _fuse2_body,
        grid=(_GRID,),
        in_specs=[
            pl.BlockSpec((NC, PKR, 128), lambda i: (0, i, 0)),
            pl.BlockSpec((NC, PKR, 128), lambda i: (0, i, 0)),
            pl.BlockSpec((PKR, 128), lambda i: (i, 0)),
            pl.BlockSpec((C, 256), lambda i: (0, 0)),
            pl.BlockSpec((C, 1), lambda i: (0, 0)),
        ],
        out_specs=pl.BlockSpec((C, RB), lambda i: (0, i)),
        out_shape=jax.ShapeDtypeStruct((C, N), jnp.float32),
    )(accp2, degp, hp, w2x, b2r)


_agg_with_deg = _make_agg(True)
_agg_no_deg = _make_agg(False)


@jax.jit
def kernel(x, edge_index, W1_l, W1_r, b1, W2_l, W2_r, b2):
    f32 = jnp.float32
    ei3 = edge_index.reshape(2, NCH_TOTAL, CHUNK)

    wrep = jnp.concatenate(
        [jnp.tile(W1_l, (1, RPACK)), jnp.tile(W1_r, (1, RPACK))],
        axis=1)
    b1x = jnp.tile(b1, RPACK).reshape(1, 128)
    w2x = jnp.concatenate(
        [jnp.tile(W2_l, (RPACK, 1)), jnp.tile(W2_r, (RPACK, 1))],
        axis=0).T
    b2r = b2.reshape(C, 1)

    zacc = jnp.zeros((RPT, H), f32)
    zdeg = jnp.zeros((RPT,), f32)
    ones = jnp.ones((CHUNK,), f32)

    yap, xrp = _mm1(x, wrep, b1x)
    accp, degp = _agg_with_deg(ei3, yap.reshape(NPAD, H), zacc, zdeg, ones)
    accp_pk = accp.reshape(NC, _PK, 128)
    degp_pk = degp.reshape(NC, _PK, 128)
    hp = _fuse1(accp_pk, degp_pk, xrp)
    accp2, = _agg_no_deg(ei3, hp.reshape(NPAD, H), zacc)
    return _fuse2(accp2.reshape(NC, _PK, 128), degp_pk, hp, w2x, b2r).T

# --- scband reference (transcript-rebuilt; emitter-appended) ---
"""Pipeline reference for scband-graph-sage-1-53266184405176 (READ-ONLY COPY).

The authoritative reference and input builder live on the scoring server;
editing this copy changes nothing except your own understanding.
"""

import jax, jax.numpy as jnp
import numpy as np

N, E, F_IN, H, C = 10000, 320000, 128, 16, 40

def setup_inputs(seed: int = 0) -> dict:
    key = jax.random.key(seed)
    ks = jax.random.split(key, 8)
    x = jax.random.normal(ks[0], (N, F_IN), dtype=jnp.float32)
    edge_index = jax.random.randint(ks[1], (2, E), 0, N, dtype=jnp.int32)
    W1_l = jax.random.normal(ks[2], (F_IN, H), dtype=jnp.float32) * (1.0 / np.sqrt(F_IN))
    W1_r = jax.random.normal(ks[3], (F_IN, H), dtype=jnp.float32) * (1.0 / np.sqrt(F_IN))
    b1 = jnp.zeros((H,), dtype=jnp.float32)
    W2_l = jax.random.normal(ks[4], (H, C), dtype=jnp.float32) * (1.0 / np.sqrt(H))
    W2_r = jax.random.normal(ks[5], (H, C), dtype=jnp.float32) * (1.0 / np.sqrt(H))
    b2 = jnp.zeros((C,), dtype=jnp.float32)
    return {"x": x, "edge_index": edge_index, "W1_l": W1_l, "W1_r": W1_r, "b1": b1, "W2_l": W2_l, "W2_r": W2_r, "b2": b2}


def _sage_conv(x, src, dst, W_l, W_r, b):
    # SAGEConv with mean aggregation: out = mean_agg(x_src -> dst) @ W_l + x @ W_r + b
    msgs = x[src]
    agg = jax.ops.segment_sum(msgs, dst, num_segments=x.shape[0])
    deg = jax.ops.segment_sum(jnp.ones((src.shape[0],), dtype=x.dtype), dst, num_segments=x.shape[0])
    mean = agg / jnp.maximum(deg, 1.0)[:, None]
    return mean @ W_l + x @ W_r + b


def reference(x, edge_index, W1_l, W1_r, b1, W2_l, W2_r, b2):
    src = edge_index[0]
    dst = edge_index[1]
    h = jax.nn.relu(_sage_conv(x, src, dst, W1_l, W1_r, b1))
    # dropout is identity in eval mode (training=False)
    out = _sage_conv(h, src, dst, W2_l, W2_r, b2)
    return jax.nn.log_softmax(out, axis=1)

if __name__ == "__main__":
    import jax
    _d = setup_inputs()
    print(jax.jit(kernel)(*tuple(_d.values())))

</pallas_src>

<mosaic_0001>
#map = affine_map<(d0, d1) -> (0, 0, 0)>
#map1 = affine_map<(d0, d1) -> (0, 0)>
module attributes {stable_mosaic.version = 14 : i64} {
  func.func @_agg_body(%arg0: i32, %arg1: i32, %arg2: memref<2x2500x128xi32, #tpu.memory_space<hbm>>, %arg3: memref<10240x16xf32, #tpu.memory_space<hbm>>, %arg4: memref<640x16xf32, #tpu.memory_space<hbm>>, %arg5: memref<2x10240x16xf32, #tpu.memory_space<hbm>>, %arg6: memref<79x128xi32, #tpu.memory_space<vmem>>, %arg7: memref<79x128xi32, #tpu.memory_space<vmem>>, %arg8: memref<4096x16xf32, #tpu.memory_space<vmem>>, %arg9: memref<10240x16xf32, #tpu.memory_space<vmem_shared>>, %arg10: memref<!tpu.dma_semaphore, #tpu.memory_space<semaphore_mem>>, %arg11: memref<!tpu.dma_semaphore, #tpu.memory_space<semaphore_mem>>) attributes {dimension_semantics = [#tpu.dimension_semantics<core_parallel>, #tpu.dimension_semantics<subcore_parallel>], iteration_bounds = array<i64: 2, 16>, scalar_prefetch = 0 : i64, scratch_operands = 6 : i64, tpu.core_type = #tpu.core_type<sc_vector_subcore>, window_params = [{transform_indices = #map}, {transform_indices = #map1}, {transform_indices = #map1}, {transform_indices = #map}]} {
    %mul3A = arith.constant 16 : i32
    %mul3A_0 = arith.muli %arg0, %mul3A : i32
    %add3A = arith.addi %mul3A_0, %arg1 : i32
    %mul3A_1 = arith.constant 78 : i32
    %mul3A_2 = arith.muli %mul3A_1, %add3A : i32
    %min3A = arith.constant 4 : i32
    %min3A_3 = arith.minsi %add3A, %min3A : i32
    %add3A_4 = arith.addi %mul3A_2, %min3A_3 : i32
    %lt3A = arith.constant 4 : i32
    %lt3A_5 = arith.cmpi slt, %add3A, %lt3A : i32
    %jit3A = arith.constant 1 : i32
    %jit3A_6 = arith.constant 0 : i32
    %select_n3A = arith.select %lt3A_5, %jit3A, %jit3A_6 : i32
    %add3A_7 = arith.constant 78 : i32
    %add3A_8 = arith.addi %add3A_7, %select_n3A : i32
    %mul3A_9 = arith.constant 640 : i32
    %mul3A_10 = arith.muli %arg1, %mul3A_9 : i32
    %dma_start3A = arith.constant 0 : i32
    %dma_start3A_11 = tpu.memref_slice %arg9[%mul3A_10, %dma_start3A] : memref<10240x16xf32, #tpu.memory_space<vmem_shared>> -> memref<640x16xf32, #tpu.memory_space<vmem_shared>>
    tpu.enqueue_dma source(%arg4 : memref<640x16xf32, #tpu.memory_space<hbm>>) target(%dma_start3A_11 : memref<640x16xf32, #tpu.memory_space<vmem_shared>>) target_semaphore(%arg10 : memref<!tpu.dma_semaphore, #tpu.memory_space<semaphore_mem>>)
    %dma_start3A_12 = arith.constant 0 : i32
    %dma_start3A_13 = arith.constant 0 : i32
    %dma_start3A_14 = arith.constant 0 : i32
    %dma_start3A_15 = tpu.memref_slice %arg6[%dma_start3A_13, %dma_start3A_14] : memref<79x128xi32, #tpu.memory_space<vmem>> -> memref<78x128xi32, #tpu.memory_space<vmem>>
    %dma_start3A_16 = arith.constant 0 : i32
    %dma_start3A_17 = tpu.memref_slice %arg2[%dma_start3A_12, %add3A_4, %dma_start3A_16] : memref<2x2500x128xi32, #tpu.memory_space<hbm>> -> memref<1x78x128xi32, #tpu.memory_space<hbm>>
    %dma_start3A_18 = tpu.memref_squeeze %dma_start3A_17 : memref<1x78x128xi32, #tpu.memory_space<hbm>> -> memref<78x128xi32, #tpu.memory_space<hbm>>
    %dma_start3A_19 = arith.constant 0 : i32
    %dma_start3A_20 = arith.constant 0 : i32
    %dma_start3A_21 = tpu.memref_slice %arg6[%dma_start3A_19, %dma_start3A_20] : memref<79x128xi32, #tpu.memory_space<vmem>> -> memref<78x128xi32, #tpu.memory_space<vmem>>
    %dma_start3A_22 = arith.constant 0 : i32
    %dma_start3A_23 = tpu.memref_slice %arg2[%dma_start3A_12, %add3A_4, %dma_start3A_22] : memref<2x2500x128xi32, #tpu.memory_space<hbm>> -> memref<1x78x128xi32, #tpu.memory_space<hbm>>
    %dma_start3A_24 = tpu.memref_squeeze %dma_start3A_23 : memref<1x78x128xi32, #tpu.memory_space<hbm>> -> memref<78x128xi32, #tpu.memory_space<hbm>>
    tpu.enqueue_dma source(%dma_start3A_24 : memref<78x128xi32, #tpu.memory_space<hbm>>) target(%dma_start3A_21 : memref<78x128xi32, #tpu.memory_space<vmem>>) target_semaphore(%arg10 : memref<!tpu.dma_semaphore, #tpu.memory_space<semaphore_mem>>)
    %dma_start3A_25 = arith.constant 1 : i32
    %dma_start3A_26 = arith.constant 0 : i32
    %dma_start3A_27 = arith.constant 0 : i32
    %dma_start3A_28 = tpu.memref_slice %arg7[%dma_start3A_26, %dma_start3A_27] : memref<79x128xi32, #tpu.memory_space<vmem>> -> memref<78x128xi32, #tpu.memory_space<vmem>>
    %dma_start3A_29 = arith.constant 0 : i32
    %dma_start3A_30 = tpu.memref_slice %arg2[%dma_start3A_25, %add3A_4, %dma_start3A_29] : memref<2x2500x128xi32, #tpu.memory_space<hbm>> -> memref<1x78x128xi32, #tpu.memory_space<hbm>>
    %dma_start3A_31 = tpu.memref_squeeze %dma_start3A_30 : memref<1x78x128xi32, #tpu.memory_space<hbm>> -> memref<78x128xi32, #tpu.memory_space<hbm>>
    %dma_start3A_32 = arith.constant 0 : i32
    %dma_start3A_33 = arith.constant 0 : i32
    %dma_start3A_34 = tpu.memref_slice %arg7[%dma_start3A_32, %dma_start3A_33] : memref<79x128xi32, #tpu.memory_space<vmem>> -> memref<78x128xi32, #tpu.memory_space<vmem>>
    %dma_start3A_35 = arith.constant 0 : i32
    %dma_start3A_36 = tpu.memref_slice %arg2[%dma_start3A_25, %add3A_4, %dma_start3A_35] : memref<2x2500x128xi32, #tpu.memory_space<hbm>> -> memref<1x78x128xi32, #tpu.memory_space<hbm>>
    %dma_start3A_37 = tpu.memref_squeeze %dma_start3A_36 : memref<1x78x128xi32, #tpu.memory_space<hbm>> -> memref<78x128xi32, #tpu.memory_space<hbm>>
    tpu.enqueue_dma source(%dma_start3A_37 : memref<78x128xi32, #tpu.memory_space<hbm>>) target(%dma_start3A_34 : memref<78x128xi32, #tpu.memory_space<vmem>>) target_semaphore(%arg10 : memref<!tpu.dma_semaphore, #tpu.memory_space<semaphore_mem>>)
    %lt3A_38 = arith.constant 4 : i32
    %lt3A_39 = arith.cmpi slt, %add3A, %lt3A_38 : i32
    %convert_element_type3A = arith.extui %lt3A_39 : i1 to i32
    %cond3A = arith.constant 0 : i32
    %cond3A_40 = arith.cmpi ne, %convert_element_type3A, %cond3A : i32
    scf.if %cond3A_40 {
      %add3A_168 = arith.constant 78 : i32
      %add3A_169 = arith.addi %add3A_4, %add3A_168 : i32
      %run_scoped3A = arith.constant 0 : i32
      %run_scoped3A_170 = arith.constant 78 : i32
      "tpu.region"() ({
        %run_scoped3A_175 = tpu.sem_alloc : memref<!tpu.dma_semaphore, #tpu.memory_space<semaphore_mem>>
        %dma_start3A_176 = arith.constant 0 : i32
        %dma_start3A_177 = tpu.memref_slice %arg6[%run_scoped3A_170, %dma_start3A_176] : memref<79x128xi32, #tpu.memory_space<vmem>> -> memref<1x128xi32, #tpu.memory_space<vmem>>
        %dma_start3A_178 = tpu.memref_squeeze %dma_start3A_177 : memref<1x128xi32, #tpu.memory_space<vmem>> -> memref<128xi32, #tpu.memory_space<vmem>>
        %dma_start3A_179 = arith.constant 0 : i32
        %dma_start3A_180 = tpu.memref_slice %arg2[%run_scoped3A, %add3A_169, %dma_start3A_179] : memref<2x2500x128xi32, #tpu.memory_space<hbm>> -> memref<1x1x128xi32, #tpu.memory_space<hbm>>
        %dma_start3A_181 = tpu.memref_squeeze %dma_start3A_180 : memref<1x1x128xi32, #tpu.memory_space<hbm>> -> memref<128xi32, #tpu.memory_space<hbm>>
        %dma_start3A_182 = arith.constant 0 : i32
        %dma_start3A_183 = tpu.memref_slice %arg6[%run_scoped3A_170, %dma_start3A_182] : memref<79x128xi32, #tpu.memory_space<vmem>> -> memref<1x128xi32, #tpu.memory_space<vmem>>
        %dma_start3A_184 = tpu.memref_squeeze %dma_start3A_183 : memref<1x128xi32, #tpu.memory_space<vmem>> -> memref<128xi32, #tpu.memory_space<vmem>>
        %dma_start3A_185 = arith.constant 0 : i32
        %dma_start3A_186 = tpu.memref_slice %arg2[%run_scoped3A, %add3A_169, %dma_start3A_185] : memref<2x2500x128xi32, #tpu.memory_space<hbm>> -> memref<1x1x128xi32, #tpu.memory_space<hbm>>
        %dma_start3A_187 = tpu.memref_squeeze %dma_start3A_186 : memref<1x1x128xi32, #tpu.memory_space<hbm>> -> memref<128xi32, #tpu.memory_space<hbm>>
        tpu.enqueue_dma source(%dma_start3A_187 : memref<128xi32, #tpu.memory_space<hbm>>) target(%dma_start3A_184 : memref<128xi32, #tpu.memory_space<vmem>>) target_semaphore(%run_scoped3A_175 : memref<!tpu.dma_semaphore, #tpu.memory_space<semaphore_mem>>)
        %dma_wait3A_188 = arith.constant 0 : i32
        %dma_wait3A_189 = tpu.memref_slice %arg6[%run_scoped3A_170, %dma_wait3A_188] : memref<79x128xi32, #tpu.memory_space<vmem>> -> memref<1x128xi32, #tpu.memory_space<vmem>>
        %dma_wait3A_190 = tpu.memref_squeeze %dma_wait3A_189 : memref<1x128xi32, #tpu.memory_space<vmem>> -> memref<128xi32, #tpu.memory_space<vmem>>
        %dma_wait3A_191 = arith.constant 0 : i32
        %dma_wait3A_192 = tpu.memref_slice %arg2[%run_scoped3A, %add3A_169, %dma_wait3A_191] : memref<2x2500x128xi32, #tpu.memory_space<hbm>> -> memref<1x1x128xi32, #tpu.memory_space<hbm>>
        %dma_wait3A_193 = tpu.memref_squeeze %dma_wait3A_192 : memref<1x1x128xi32, #tpu.memory_space<hbm>> -> memref<128xi32, #tpu.memory_space<hbm>>
        %dma_wait3A_194 = arith.constant 0 : i32
        %dma_wait3A_195 = tpu.memref_slice %arg6[%run_scoped3A_170, %dma_wait3A_194] : memref<79x128xi32, #tpu.memory_space<vmem>> -> memref<1x128xi32, #tpu.memory_space<vmem>>
        %dma_wait3A_196 = tpu.memref_squeeze %dma_wait3A_195 : memref<1x128xi32, #tpu.memory_space<vmem>> -> memref<128xi32, #tpu.memory_space<vmem>>
        %dma_wait3A_197 = arith.constant 0 : i32
        %dma_wait3A_198 = tpu.memref_slice %arg2[%run_scoped3A, %add3A_169, %dma_wait3A_197] : memref<2x2500x128xi32, #tpu.memory_space<hbm>> -> memref<1x1x128xi32, #tpu.memory_space<hbm>>
        %dma_wait3A_199 = tpu.memref_squeeze %dma_wait3A_198 : memref<1x1x128xi32, #tpu.memory_space<hbm>> -> memref<128xi32, #tpu.memory_space<hbm>>
        tpu.wait_dma2 semaphore(%run_scoped3A_175 : memref<!tpu.dma_semaphore, #tpu.memory_space<semaphore_mem>>) src(%dma_wait3A_199 : memref<128xi32, #tpu.memory_space<hbm>>) dst(%dma_wait3A_196 : memref<128xi32, #tpu.memory_space<vmem>>)
        tpu.yield
      }) : () -> ()
      %add3A_171 = arith.constant 78 : i32
      %add3A_172 = arith.addi %add3A_4, %add3A_171 : i32
      %run_scoped3A_173 = arith.constant 1 : i32
      %run_scoped3A_174 = arith.constant 78 : i32
      "tpu.region"() ({
        %run_scoped3A_175 = tpu.sem_alloc : memref<!tpu.dma_semaphore, #tpu.memory_space<semaphore_mem>>
        %dma_start3A_176 = arith.constant 0 : i32
        %dma_start3A_177 = tpu.memref_slice %arg7[%run_scoped3A_174, %dma_start3A_176] : memref<79x128xi32, #tpu.memory_space<vmem>> -> memref<1x128xi32, #tpu.memory_space<vmem>>
        %dma_start3A_178 = tpu.memref_squeeze %dma_start3A_177 : memref<1x128xi32, #tpu.memory_space<vmem>> -> memref<128xi32, #tpu.memory_space<vmem>>
        %dma_start3A_179 = arith.constant 0 : i32
        %dma_start3A_180 = tpu.memref_slice %arg2[%run_scoped3A_173, %add3A_172, %dma_start3A_179] : memref<2x2500x128xi32, #tpu.memory_space<hbm>> -> memref<1x1x128xi32, #tpu.memory_space<hbm>>
        %dma_start3A_181 = tpu.memref_squeeze %dma_start3A_180 : memref<1x1x128xi32, #tpu.memory_space<hbm>> -> memref<128xi32, #tpu.memory_space<hbm>>
        %dma_start3A_182 = arith.constant 0 : i32
        %dma_start3A_183 = tpu.memref_slice %arg7[%run_scoped3A_174, %dma_start3A_182] : memref<79x128xi32, #tpu.memory_space<vmem>> -> memref<1x128xi32, #tpu.memory_space<vmem>>
        %dma_start3A_184 = tpu.memref_squeeze %dma_start3A_183 : memref<1x128xi32, #tpu.memory_space<vmem>> -> memref<128xi32, #tpu.memory_space<vmem>>
        %dma_start3A_185 = arith.constant 0 : i32
        %dma_start3A_186 = tpu.memref_slice %arg2[%run_scoped3A_173, %add3A_172, %dma_start3A_185] : memref<2x2500x128xi32, #tpu.memory_space<hbm>> -> memref<1x1x128xi32, #tpu.memory_space<hbm>>
        %dma_start3A_187 = tpu.memref_squeeze %dma_start3A_186 : memref<1x1x128xi32, #tpu.memory_space<hbm>> -> memref<128xi32, #tpu.memory_space<hbm>>
        tpu.enqueue_dma source(%dma_start3A_187 : memref<128xi32, #tpu.memory_space<hbm>>) target(%dma_start3A_184 : memref<128xi32, #tpu.memory_space<vmem>>) target_semaphore(%run_scoped3A_175 : memref<!tpu.dma_semaphore, #tpu.memory_space<semaphore_mem>>)
        %dma_wait3A_188 = arith.constant 0 : i32
        %dma_wait3A_189 = tpu.memref_slice %arg7[%run_scoped3A_174, %dma_wait3A_188] : memref<79x128xi32, #tpu.memory_space<vmem>> -> memref<1x128xi32, #tpu.memory_space<vmem>>
        %dma_wait3A_190 = tpu.memref_squeeze %dma_wait3A_189 : memref<1x128xi32, #tpu.memory_space<vmem>> -> memref<128xi32, #tpu.memory_space<vmem>>
        %dma_wait3A_191 = arith.constant 0 : i32
        %dma_wait3A_192 = tpu.memref_slice %arg2[%run_scoped3A_173, %add3A_172, %dma_wait3A_191] : memref<2x2500x128xi32, #tpu.memory_space<hbm>> -> memref<1x1x128xi32, #tpu.memory_space<hbm>>
        %dma_wait3A_193 = tpu.memref_squeeze %dma_wait3A_192 : memref<1x1x128xi32, #tpu.memory_space<hbm>> -> memref<128xi32, #tpu.memory_space<hbm>>
        %dma_wait3A_194 = arith.constant 0 : i32
        %dma_wait3A_195 = tpu.memref_slice %arg7[%run_scoped3A_174, %dma_wait3A_194] : memref<79x128xi32, #tpu.memory_space<vmem>> -> memref<1x128xi32, #tpu.memory_space<vmem>>
        %dma_wait3A_196 = tpu.memref_squeeze %dma_wait3A_195 : memref<1x128xi32, #tpu.memory_space<vmem>> -> memref<128xi32, #tpu.memory_space<vmem>>
        %dma_wait3A_197 = arith.constant 0 : i32
        %dma_wait3A_198 = tpu.memref_slice %arg2[%run_scoped3A_173, %add3A_172, %dma_wait3A_197] : memref<2x2500x128xi32, #tpu.memory_space<hbm>> -> memref<1x1x128xi32, #tpu.memory_space<hbm>>
        %dma_wait3A_199 = tpu.memref_squeeze %dma_wait3A_198 : memref<1x1x128xi32, #tpu.memory_space<hbm>> -> memref<128xi32, #tpu.memory_space<hbm>>
        tpu.wait_dma2 semaphore(%run_scoped3A_175 : memref<!tpu.dma_semaphore, #tpu.memory_space<semaphore_mem>>) src(%dma_wait3A_199 : memref<128xi32, #tpu.memory_space<hbm>>) dst(%dma_wait3A_196 : memref<128xi32, #tpu.memory_space<vmem>>)
        tpu.yield
      }) : () -> ()
    } else {
    }
    %dma_wait3A = arith.constant 0 : i32
    %dma_wait3A_41 = tpu.memref_slice %arg9[%mul3A_10, %dma_wait3A] : memref<10240x16xf32, #tpu.memory_space<vmem_shared>> -> memref<640x16xf32, #tpu.memory_space<vmem_shared>>
    tpu.wait_dma2 semaphore(%arg10 : memref<!tpu.dma_semaphore, #tpu.memory_space<semaphore_mem>>) src(%arg4 : memref<640x16xf32, #tpu.memory_space<hbm>>) dst(%dma_wait3A_41 : memref<640x16xf32, #tpu.memory_space<vmem_shared>>)
    %dma_wait3A_42 = arith.constant 0 : i32
    %dma_wait3A_43 = arith.constant 0 : i32
    %dma_wait3A_44 = arith.constant 0 : i32
    %dma_wait3A_45 = tpu.memref_slice %arg6[%dma_wait3A_43, %dma_wait3A_44] : memref<79x128xi32, #tpu.memory_space<vmem>> -> memref<78x128xi32, #tpu.memory_space<vmem>>
    %dma_wait3A_46 = arith.constant 0 : i32
    %dma_wait3A_47 = tpu.memref_slice %arg2[%dma_wait3A_42, %add3A_4, %dma_wait3A_46] : memref<2x2500x128xi32, #tpu.memory_space<hbm>> -> memref<1x78x128xi32, #tpu.memory_space<hbm>>
    %dma_wait3A_48 = tpu.memref_squeeze %dma_wait3A_47 : memref<1x78x128xi32, #tpu.memory_space<hbm>> -> memref<78x128xi32, #tpu.memory_space<hbm>>
    %dma_wait3A_49 = arith.constant 0 : i32
    %dma_wait3A_50 = arith.constant 0 : i32
    %dma_wait3A_51 = tpu.memref_slice %arg6[%dma_wait3A_49, %dma_wait3A_50] : memref<79x128xi32, #tpu.memory_space<vmem>> -> memref<78x128xi32, #tpu.memory_space<vmem>>
    %dma_wait3A_52 = arith.constant 0 : i32
    %dma_wait3A_53 = tpu.memref_slice %arg2[%dma_wait3A_42, %add3A_4, %dma_wait3A_52] : memref<2x2500x128xi32, #tpu.memory_space<hbm>> -> memref<1x78x128xi32, #tpu.memory_space<hbm>>
    %dma_wait3A_54 = tpu.memref_squeeze %dma_wait3A_53 : memref<1x78x128xi32, #tpu.memory_space<hbm>> -> memref<78x128xi32, #tpu.memory_space<hbm>>
    tpu.wait_dma2 semaphore(%arg10 : memref<!tpu.dma_semaphore, #tpu.memory_space<semaphore_mem>>) src(%dma_wait3A_54 : memref<78x128xi32, #tpu.memory_space<hbm>>) dst(%dma_wait3A_51 : memref<78x128xi32, #tpu.memory_space<vmem>>)
    %dma_wait3A_55 = arith.constant 1 : i32
    %dma_wait3A_56 = arith.constant 0 : i32
    %dma_wait3A_57 = arith.constant 0 : i32
    %dma_wait3A_58 = tpu.memref_slice %arg7[%dma_wait3A_56, %dma_wait3A_57] : memref<79x128xi32, #tpu.memory_space<vmem>> -> memref<78x128xi32, #tpu.memory_space<vmem>>
    %dma_wait3A_59 = arith.constant 0 : i32
    %dma_wait3A_60 = tpu.memref_slice %arg2[%dma_wait3A_55, %add3A_4, %dma_wait3A_59] : memref<2x2500x128xi32, #tpu.memory_space<hbm>> -> memref<1x78x128xi32, #tpu.memory_space<hbm>>
    %dma_wait3A_61 = tpu.memref_squeeze %dma_wait3A_60 : memref<1x78x128xi32, #tpu.memory_space<hbm>> -> memref<78x128xi32, #tpu.memory_space<hbm>>
    %dma_wait3A_62 = arith.constant 0 : i32
    %dma_wait3A_63 = arith.constant 0 : i32
    %dma_wait3A_64 = tpu.memref_slice %arg7[%dma_wait3A_62, %dma_wait3A_63] : memref<79x128xi32, #tpu.memory_space<vmem>> -> memref<78x128xi32, #tpu.memory_space<vmem>>
    %dma_wait3A_65 = arith.constant 0 : i32
    %dma_wait3A_66 = tpu.memref_slice %arg2[%dma_wait3A_55, %add3A_4, %dma_wait3A_65] : memref<2x2500x128xi32, #tpu.memory_space<hbm>> -> memref<1x78x128xi32, #tpu.memory_space<hbm>>
    %dma_wait3A_67 = tpu.memref_squeeze %dma_wait3A_66 : memref<1x78x128xi32, #tpu.memory_space<hbm>> -> memref<78x128xi32, #tpu.memory_space<hbm>>
    tpu.wait_dma2 semaphore(%arg10 : memref<!tpu.dma_semaphore, #tpu.memory_space<semaphore_mem>>) src(%dma_wait3A_67 : memref<78x128xi32, #tpu.memory_space<hbm>>) dst(%dma_wait3A_64 : memref<78x128xi32, #tpu.memory_space<vmem>>)
    %barrier3A = arith.constant 0 : index
    tpu.barrier barrier_id(%barrier3A)
    %gt3A = arith.constant 0 : i32
    %gt3A_68 = arith.cmpi sgt, %add3A_8, %gt3A : i32
    %convert_element_type3A_69 = arith.extui %gt3A_68 : i1 to i32
    %cond3A_70 = arith.constant 0 : i32
    %cond3A_71 = arith.cmpi ne, %convert_element_type3A_69, %cond3A_70 : i32
    scf.if %cond3A_71 {
      %dma_start3A_168 = arith.constant 0 : i32
      %dma_start3A_169 = arith.constant 0 : i32
      %dma_start3A_170 = arith.constant 0 : i32
      %dma_start3A_171 = tpu.memref_slice %arg8[%dma_start3A_169, %dma_start3A_170] : memref<4096x16xf32, #tpu.memory_space<vmem>> -> memref<128x16xf32, #tpu.memory_space<vmem>>
      %dma_start3A_172 = arith.constant 0 : i32
      %dma_start3A_173 = tpu.memref_slice %arg6[%dma_start3A_168, %dma_start3A_172] : memref<79x128xi32, #tpu.memory_space<vmem>> -> memref<1x128xi32, #tpu.memory_space<vmem>>
      %dma_start3A_174 = tpu.memref_squeeze %dma_start3A_173 : memref<1x128xi32, #tpu.memory_space<vmem>> -> memref<128xi32, #tpu.memory_space<vmem>>
      %dma_start3A_175 = arith.constant 0 : i32
      %dma_start3A_176 = arith.constant 0 : i32
      %dma_start3A_177 = tpu.memref_slice %arg3[%dma_start3A_175, %dma_start3A_176] : memref<10240x16xf32, #tpu.memory_space<hbm>> -> memref<10240x16xf32, #tpu.memory_space<hbm>>
      tpu.enqueue_indirect_dma source(%dma_start3A_177 : memref<10240x16xf32, #tpu.memory_space<hbm>>) target(%dma_start3A_171 : memref<128x16xf32, #tpu.memory_space<vmem>>) offsets(%dma_start3A_174 : memref<128xi32, #tpu.memory_space<vmem>>) semaphore(%arg10 : memref<!tpu.dma_semaphore, #tpu.memory_space<semaphore_mem>>)
    } else {
    }
    %gt3A_72 = arith.constant 1 : i32
    %gt3A_73 = arith.cmpi sgt, %add3A_8, %gt3A_72 : i32
    %convert_element_type3A_74 = arith.extui %gt3A_73 : i1 to i32
    %cond3A_75 = arith.constant 0 : i32
    %cond3A_76 = arith.cmpi ne, %convert_element_type3A_74, %cond3A_75 : i32
    scf.if %cond3A_76 {
      %dma_start3A_168 = arith.constant 1 : i32
      %dma_start3A_169 = arith.constant 128 : i32
      %dma_start3A_170 = arith.constant 0 : i32
      %dma_start3A_171 = tpu.memref_slice %arg8[%dma_start3A_169, %dma_start3A_170] : memref<4096x16xf32, #tpu.memory_space<vmem>> -> memref<128x16xf32, #tpu.memory_space<vmem>>
      %dma_start3A_172 = arith.constant 0 : i32
      %dma_start3A_173 = tpu.memref_slice %arg6[%dma_start3A_168, %dma_start3A_172] : memref<79x128xi32, #tpu.memory_space<vmem>> -> memref<1x128xi32, #tpu.memory_space<vmem>>
      %dma_start3A_174 = tpu.memref_squeeze %dma_start3A_173 : memref<1x128xi32, #tpu.memory_space<vmem>> -> memref<128xi32, #tpu.memory_space<vmem>>
      %dma_start3A_175 = arith.constant 0 : i32
      %dma_start3A_176 = arith.constant 0 : i32
      %dma_start3A_177 = tpu.memref_slice %arg3[%dma_start3A_175, %dma_start3A_176] : memref<10240x16xf32, #tpu.memory_space<hbm>> -> memref<10240x16xf32, #tpu.memory_space<hbm>>
      tpu.enqueue_indirect_dma source(%dma_start3A_177 : memref<10240x16xf32, #tpu.memory_space<hbm>>) target(%dma_start3A_171 : memref<128x16xf32, #tpu.memory_space<vmem>>) offsets(%dma_start3A_174 : memref<128xi32, #tpu.memory_space<vmem>>) semaphore(%arg10 : memref<!tpu.dma_semaphore, #tpu.memory_space<semaphore_mem>>)
    } else {
    }
    %gt3A_77 = arith.constant 2 : i32
    %gt3A_78 = arith.cmpi sgt, %add3A_8, %gt3A_77 : i32
    %convert_element_type3A_79 = arith.extui %gt3A_78 : i1 to i32
    %cond3A_80 = arith.constant 0 : i32
    %cond3A_81 = arith.cmpi ne, %convert_element_type3A_79, %cond3A_80 : i32
    scf.if %cond3A_81 {
      %dma_start3A_168 = arith.constant 2 : i32
      %dma_start3A_169 = arith.constant 256 : i32
      %dma_start3A_170 = arith.constant 0 : i32
      %dma_start3A_171 = tpu.memref_slice %arg8[%dma_start3A_169, %dma_start3A_170] : memref<4096x16xf32, #tpu.memory_space<vmem>> -> memref<128x16xf32, #tpu.memory_space<vmem>>
      %dma_start3A_172 = arith.constant 0 : i32
      %dma_start3A_173 = tpu.memref_slice %arg6[%dma_start3A_168, %dma_start3A_172] : memref<79x128xi32, #tpu.memory_space<vmem>> -> memref<1x128xi32, #tpu.memory_space<vmem>>
      %dma_start3A_174 = tpu.memref_squeeze %dma_start3A_173 : memref<1x128xi32, #tpu.memory_space<vmem>> -> memref<128xi32, #tpu.memory_space<vmem>>
      %dma_start3A_175 = arith.constant 0 : i32
      %dma_start3A_176 = arith.constant 0 : i32
      %dma_start3A_177 = tpu.memref_slice %arg3[%dma_start3A_175, %dma_start3A_176] : memref<10240x16xf32, #tpu.memory_space<hbm>> -> memref<10240x16xf32, #tpu.memory_space<hbm>>
      tpu.enqueue_indirect_dma source(%dma_start3A_177 : memref<10240x16xf32, #tpu.memory_space<hbm>>) target(%dma_start3A_171 : memref<128x16xf32, #tpu.memory_space<vmem>>) offsets(%dma_start3A_174 : memref<128xi32, #tpu.memory_space<vmem>>) semaphore(%arg10 : memref<!tpu.dma_semaphore, #tpu.memory_space<semaphore_mem>>)
    } else {
    }
    %gt3A_82 = arith.constant 3 : i32
    %gt3A_83 = arith.cmpi sgt, %add3A_8, %gt3A_82 : i32
    %convert_element_type3A_84 = arith.extui %gt3A_83 : i1 to i32
    %cond3A_85 = arith.constant 0 : i32
    %cond3A_86 = arith.cmpi ne, %convert_element_type3A_84, %cond3A_85 : i32
    scf.if %cond3A_86 {
      %dma_start3A_168 = arith.constant 3 : i32
      %dma_start3A_169 = arith.constant 384 : i32
      %dma_start3A_170 = arith.constant 0 : i32
      %dma_start3A_171 = tpu.memref_slice %arg8[%dma_start3A_169, %dma_start3A_170] : memref<4096x16xf32, #tpu.memory_space<vmem>> -> memref<128x16xf32, #tpu.memory_space<vmem>>
      %dma_start3A_172 = arith.constant 0 : i32
      %dma_start3A_173 = tpu.memref_slice %arg6[%dma_start3A_168, %dma_start3A_172] : memref<79x128xi32, #tpu.memory_space<vmem>> -> memref<1x128xi32, #tpu.memory_space<vmem>>
      %dma_start3A_174 = tpu.memref_squeeze %dma_start3A_173 : memref<1x128xi32, #tpu.memory_space<vmem>> -> memref<128xi32, #tpu.memory_space<vmem>>
      %dma_start3A_175 = arith.constant 0 : i32
      %dma_start3A_176 = arith.constant 0 : i32
      %dma_start3A_177 = tpu.memref_slice %arg3[%dma_start3A_175, %dma_start3A_176] : memref<10240x16xf32, #tpu.memory_space<hbm>> -> memref<10240x16xf32, #tpu.memory_space<hbm>>
      tpu.enqueue_indirect_dma source(%dma_start3A_177 : memref<10240x16xf32, #tpu.memory_space<hbm>>) target(%dma_start3A_171 : memref<128x16xf32, #tpu.memory_space<vmem>>) offsets(%dma_start3A_174 : memref<128xi32, #tpu.memory_space<vmem>>) semaphore(%arg10 : memref<!tpu.dma_semaphore, #tpu.memory_space<semaphore_mem>>)
    } else {
    }
    %gt3A_87 = arith.constant 4 : i32
    %gt3A_88 = arith.cmpi sgt, %add3A_8, %gt3A_87 : i32
    %convert_element_type3A_89 = arith.extui %gt3A_88 : i1 to i32
    %cond3A_90 = arith.constant 0 : i32
    %cond3A_91 = arith.cmpi ne, %convert_element_type3A_89, %cond3A_90 : i32
    scf.if %cond3A_91 {
      %dma_start3A_168 = arith.constant 4 : i32
      %dma_start3A_169 = arith.constant 512 : i32
      %dma_start3A_170 = arith.constant 0 : i32
      %dma_start3A_171 = tpu.memref_slice %arg8[%dma_start3A_169, %dma_start3A_170] : memref<4096x16xf32, #tpu.memory_space<vmem>> -> memref<128x16xf32, #tpu.memory_space<vmem>>
      %dma_start3A_172 = arith.constant 0 : i32
      %dma_start3A_173 = tpu.memref_slice %arg6[%dma_start3A_168, %dma_start3A_172] : memref<79x128xi32, #tpu.memory_space<vmem>> -> memref<1x128xi32, #tpu.memory_space<vmem>>
      %dma_start3A_174 = tpu.memref_squeeze %dma_start3A_173 : memref<1x128xi32, #tpu.memory_space<vmem>> -> memref<128xi32, #tpu.memory_space<vmem>>
      %dma_start3A_175 = arith.constant 0 : i32
      %dma_start3A_176 = arith.constant 0 : i32
      %dma_start3A_177 = tpu.memref_slice %arg3[%dma_start3A_175, %dma_start3A_176] : memref<10240x16xf32, #tpu.memory_space<hbm>> -> memref<10240x16xf32, #tpu.memory_space<hbm>>
      tpu.enqueue_indirect_dma source(%dma_start3A_177 : memref<10240x16xf32, #tpu.memory_space<hbm>>) target(%dma_start3A_171 : memref<128x16xf32, #tpu.memory_space<vmem>>) offsets(%dma_start3A_174 : memref<128xi32, #tpu.memory_space<vmem>>) semaphore(%arg10 : memref<!tpu.dma_semaphore, #tpu.memory_space<semaphore_mem>>)
    } else {
    }
    %gt3A_92 = arith.constant 5 : i32
    %gt3A_93 = arith.cmpi sgt, %add3A_8, %gt3A_92 : i32
    %convert_element_type3A_94 = arith.extui %gt3A_93 : i1 to i32
    %cond3A_95 = arith.constant 0 : i32
    %cond3A_96 = arith.cmpi ne, %convert_element_type3A_94, %cond3A_95 : i32
    scf.if %cond3A_96 {
      %dma_start3A_168 = arith.constant 5 : i32
      %dma_start3A_169 = arith.constant 640 : i32
      %dma_start3A_170 = arith.constant 0 : i32
      %dma_start3A_171 = tpu.memref_slice %arg8[%dma_start3A_169, %dma_start3A_170] : memref<4096x16xf32, #tpu.memory_space<vmem>> -> memref<128x16xf32, #tpu.memory_space<vmem>>
      %dma_start3A_172 = arith.constant 0 : i32
      %dma_start3A_173 = tpu.memref_slice %arg6[%dma_start3A_168, %dma_start3A_172] : memref<79x128xi32, #tpu.memory_space<vmem>> -> memref<1x128xi32, #tpu.memory_space<vmem>>
      %dma_start3A_174 = tpu.memref_squeeze %dma_start3A_173 : memref<1x128xi32, #tpu.memory_space<vmem>> -> memref<128xi32, #tpu.memory_space<vmem>>
      %dma_start3A_175 = arith.constant 0 : i32
      %dma_start3A_176 = arith.constant 0 : i32
      %dma_start3A_177 = tpu.memref_slice %arg3[%dma_start3A_175, %dma_start3A_176] : memref<10240x16xf32, #tpu.memory_space<hbm>> -> memref<10240x16xf32, #tpu.memory_space<hbm>>
      tpu.enqueue_indirect_dma source(%dma_start3A_177 : memref<10240x16xf32, #tpu.memory_space<hbm>>) target(%dma_start3A_171 : memref<128x16xf32, #tpu.memory_space<vmem>>) offsets(%dma_start3A_174 : memref<128xi32, #tpu.memory_space<vmem>>) semaphore(%arg10 : memref<!tpu.dma_semaphore, #tpu.memory_space<semaphore_mem>>)
    } else {
    }
    %gt3A_97 = arith.constant 6 : i32
    %gt3A_98 = arith.cmpi sgt, %add3A_8, %gt3A_97 : i32
    %convert_element_type3A_99 = arith.extui %gt3A_98 : i1 to i32
    %cond3A_100 = arith.constant 0 : i32
    %cond3A_101 = arith.cmpi ne, %convert_element_type3A_99, %cond3A_100 : i32
    scf.if %cond3A_101 {
      %dma_start3A_168 = arith.constant 6 : i32
      %dma_start3A_169 = arith.constant 768 : i32
      %dma_start3A_170 = arith.constant 0 : i32
      %dma_start3A_171 = tpu.memref_slice %arg8[%dma_start3A_169, %dma_start3A_170] : memref<4096x16xf32, #tpu.memory_space<vmem>> -> memref<128x16xf32, #tpu.memory_space<vmem>>
      %dma_start3A_172 = arith.constant 0 : i32
      %dma_start3A_173 = tpu.memref_slice %arg6[%dma_start3A_168, %dma_start3A_172] : memref<79x128xi32, #tpu.memory_space<vmem>> -> memref<1x128xi32, #tpu.memory_space<vmem>>
      %dma_start3A_174 = tpu.memref_squeeze %dma_start3A_173 : memref<1x128xi32, #tpu.memory_space<vmem>> -> memref<128xi32, #tpu.memory_space<vmem>>
      %dma_start3A_175 = arith.constant 0 : i32
      %dma_start3A_176 = arith.constant 0 : i32
      %dma_start3A_177 = tpu.memref_slice %arg3[%dma_start3A_175, %dma_start3A_176] : memref<10240x16xf32, #tpu.memory_space<hbm>> -> memref<10240x16xf32, #tpu.memory_space<hbm>>
      tpu.enqueue_indirect_dma source(%dma_start3A_177 : memref<10240x16xf32, #tpu.memory_space<hbm>>) target(%dma_start3A_171 : memref<128x16xf32, #tpu.memory_space<vmem>>) offsets(%dma_start3A_174 : memref<128xi32, #tpu.memory_space<vmem>>) semaphore(%arg10 : memref<!tpu.dma_semaphore, #tpu.memory_space<semaphore_mem>>)
    } else {
    }
    %gt3A_102 = arith.constant 7 : i32
    %gt3A_103 = arith.cmpi sgt, %add3A_8, %gt3A_102 : i32
    %convert_element_type3A_104 = arith.extui %gt3A_103 : i1 to i32
    %cond3A_105 = arith.constant 0 : i32
    %cond3A_106 = arith.cmpi ne, %convert_element_type3A_104, %cond3A_105 : i32
    scf.if %cond3A_106 {
      %dma_start3A_168 = arith.constant 7 : i32
      %dma_start3A_169 = arith.constant 896 : i32
      %dma_start3A_170 = arith.constant 0 : i32
      %dma_start3A_171 = tpu.memref_slice %arg8[%dma_start3A_169, %dma_start3A_170] : memref<4096x16xf32, #tpu.memory_space<vmem>> -> memref<128x16xf32, #tpu.memory_space<vmem>>
      %dma_start3A_172 = arith.constant 0 : i32
      %dma_start3A_173 = tpu.memref_slice %arg6[%dma_start3A_168, %dma_start3A_172] : memref<79x128xi32, #tpu.memory_space<vmem>> -> memref<1x128xi32, #tpu.memory_space<vmem>>
      %dma_start3A_174 = tpu.memref_squeeze %dma_start3A_173 : memref<1x128xi32, #tpu.memory_space<vmem>> -> memref<128xi32, #tpu.memory_space<vmem>>
      %dma_start3A_175 = arith.constant 0 : i32
      %dma_start3A_176 = arith.constant 0 : i32
      %dma_start3A_177 = tpu.memref_slice %arg3[%dma_start3A_175, %dma_start3A_176] : memref<10240x16xf32, #tpu.memory_space<hbm>> -> memref<10240x16xf32, #tpu.memory_space<hbm>>
      tpu.enqueue_indirect_dma source(%dma_start3A_177 : memref<10240x16xf32, #tpu.memory_space<hbm>>) target(%dma_start3A_171 : memref<128x16xf32, #tpu.memory_space<vmem>>) offsets(%dma_start3A_174 : memref<128xi32, #tpu.memory_space<vmem>>) semaphore(%arg10 : memref<!tpu.dma_semaphore, #tpu.memory_space<semaphore_mem>>)
    } else {
    }
    %gt3A_107 = arith.constant 8 : i32
    %gt3A_108 = arith.cmpi sgt, %add3A_8, %gt3A_107 : i32
    %convert_element_type3A_109 = arith.extui %gt3A_108 : i1 to i32
    %cond3A_110 = arith.constant 0 : i32
    %cond3A_111 = arith.cmpi ne, %convert_element_type3A_109, %cond3A_110 : i32
    scf.if %cond3A_111 {
      %dma_start3A_168 = arith.constant 8 : i32
      %dma_start3A_169 = arith.constant 1024 : i32
      %dma_start3A_170 = arith.constant 0 : i32
      %dma_start3A_171 = tpu.memref_slice %arg8[%dma_start3A_169, %dma_start3A_170] : memref<4096x16xf32, #tpu.memory_space<vmem>> -> memref<128x16xf32, #tpu.memory_space<vmem>>
      %dma_start3A_172 = arith.constant 0 : i32
      %dma_start3A_173 = tpu.memref_slice %arg6[%dma_start3A_168, %dma_start3A_172] : memref<79x128xi32, #tpu.memory_space<vmem>> -> memref<1x128xi32, #tpu.memory_space<vmem>>
      %dma_start3A_174 = tpu.memref_squeeze %dma_start3A_173 : memref<1x128xi32, #tpu.memory_space<vmem>> -> memref<128xi32, #tpu.memory_space<vmem>>
      %dma_start3A_175 = arith.constant 0 : i32
      %dma_start3A_176 = arith.constant 0 : i32
      %dma_start3A_177 = tpu.memref_slice %arg3[%dma_start3A_175, %dma_start3A_176] : memref<10240x16xf32, #tpu.memory_space<hbm>> -> memref<10240x16xf32, #tpu.memory_space<hbm>>
      tpu.enqueue_indirect_dma source(%dma_start3A_177 : memref<10240x16xf32, #tpu.memory_space<hbm>>) target(%dma_start3A_171 : memref<128x16xf32, #tpu.memory_space<vmem>>) offsets(%dma_start3A_174 : memref<128xi32, #tpu.memory_space<vmem>>) semaphore(%arg10 : memref<!tpu.dma_semaphore, #tpu.memory_space<semaphore_mem>>)
    } else {
    }
    %gt3A_112 = arith.constant 9 : i32
    %gt3A_113 = arith.cmpi sgt, %add3A_8, %gt3A_112 : i32
    %convert_element_type3A_114 = arith.extui %gt3A_113 : i1 to i32
    %cond3A_115 = arith.constant 0 : i32
    %cond3A_116 = arith.cmpi ne, %convert_element_type3A_114, %cond3A_115 : i32
    scf.if %cond3A_116 {
      %dma_start3A_168 = arith.constant 9 : i32
      %dma_start3A_169 = arith.constant 1152 : i32
      %dma_start3A_170 = arith.constant 0 : i32
      %dma_start3A_171 = tpu.memref_slice %arg8[%dma_start3A_169, %dma_start3A_170] : memref<4096x16xf32, #tpu.memory_space<vmem>> -> memref<128x16xf32, #tpu.memory_space<vmem>>
      %dma_start3A_172 = arith.constant 0 : i32
      %dma_start3A_173 = tpu.memref_slice %arg6[%dma_start3A_168, %dma_start3A_172] : memref<79x128xi32, #tpu.memory_space<vmem>> -> memref<1x128xi32, #tpu.memory_space<vmem>>
      %dma_start3A_174 = tpu.memref_squeeze %dma_start3A_173 : memref<1x128xi32, #tpu.memory_space<vmem>> -> memref<128xi32, #tpu.memory_space<vmem>>
      %dma_start3A_175 = arith.constant 0 : i32
      %dma_start3A_176 = arith.constant 0 : i32
      %dma_start3A_177 = tpu.memref_slice %arg3[%dma_start3A_175, %dma_start3A_176] : memref<10240x16xf32, #tpu.memory_space<hbm>> -> memref<10240x16xf32, #tpu.memory_space<hbm>>
      tpu.enqueue_indirect_dma source(%dma_start3A_177 : memref<10240x16xf32, #tpu.memory_space<hbm>>) target(%dma_start3A_171 : memref<128x16xf32, #tpu.memory_space<vmem>>) offsets(%dma_start3A_174 : memref<128xi32, #tpu.memory_space<vmem>>) semaphore(%arg10 : memref<!tpu.dma_semaphore, #tpu.memory_space<semaphore_mem>>)
    } else {
    }
    %gt3A_117 = arith.constant 10 : i32
    %gt3A_118 = arith.cmpi sgt, %add3A_8, %gt3A_117 : i32
    %convert_element_type3A_119 = arith.extui %gt3A_118 : i1 to i32
    %cond3A_120 = arith.constant 0 : i32
    %cond3A_121 = arith.cmpi ne, %convert_element_type3A_119, %cond3A_120 : i32
    scf.if %cond3A_121 {
      %dma_start3A_168 = arith.constant 10 : i32
      %dma_start3A_169 = arith.constant 1280 : i32
      %dma_start3A_170 = arith.constant 0 : i32
      %dma_start3A_171 = tpu.memref_slice %arg8[%dma_start3A_169, %dma_start3A_170] : memref<4096x16xf32, #tpu.memory_space<vmem>> -> memref<128x16xf32, #tpu.memory_space<vmem>>
      %dma_start3A_172 = arith.constant 0 : i32
      %dma_start3A_173 = tpu.memref_slice %arg6[%dma_start3A_168, %dma_start3A_172] : memref<79x128xi32, #tpu.memory_space<vmem>> -> memref<1x128xi32, #tpu.memory_space<vmem>>
      %dma_start3A_174 = tpu.memref_squeeze %dma_start3A_173 : memref<1x128xi32, #tpu.memory_space<vmem>> -> memref<128xi32, #tpu.memory_space<vmem>>
      %dma_start3A_175 = arith.constant 0 : i32
      %dma_start3A_176 = arith.constant 0 : i32
      %dma_start3A_177 = tpu.memref_slice %arg3[%dma_start3A_175, %dma_start3A_176] : memref<10240x16xf32, #tpu.memory_space<hbm>> -> memref<10240x16xf32, #tpu.memory_space<hbm>>
      tpu.enqueue_indirect_dma source(%dma_start3A_177 : memref<10240x16xf32, #tpu.memory_space<hbm>>) target(%dma_start3A_171 : memref<128x16xf32, #tpu.memory_space<vmem>>) offsets(%dma_start3A_174 : memref<128xi32, #tpu.memory_space<vmem>>) semaphore(%arg10 : memref<!tpu.dma_semaphore, #tpu.memory_space<semaphore_mem>>)
    } else {
    }
    %gt3A_122 = arith.constant 11 : i32
    %gt3A_123 = arith.cmpi sgt, %add3A_8, %gt3A_122 : i32
    %convert_element_type3A_124 = arith.extui %gt3A_123 : i1 to i32
    %cond3A_125 = arith.constant 0 : i32
    %cond3A_126 = arith.cmpi ne, %convert_element_type3A_124, %cond3A_125 : i32
    scf.if %cond3A_126 {
      %dma_start3A_168 = arith.constant 11 : i32
      %dma_start3A_169 = arith.constant 1408 : i32
      %dma_start3A_170 = arith.constant 0 : i32
      %dma_start3A_171 = tpu.memref_slice %arg8[%dma_start3A_169, %dma_start3A_170] : memref<4096x16xf32, #tpu.memory_space<vmem>> -> memref<128x16xf32, #tpu.memory_space<vmem>>
      %dma_start3A_172 = arith.constant 0 : i32
      %dma_start3A_173 = tpu.memref_slice %arg6[%dma_start3A_168, %dma_start3A_172] : memref<79x128xi32, #tpu.memory_space<vmem>> -> memref<1x128xi32, #tpu.memory_space<vmem>>
      %dma_start3A_174 = tpu.memref_squeeze %dma_start3A_173 : memref<1x128xi32, #tpu.memory_space<vmem>> -> memref<128xi32, #tpu.memory_space<vmem>>
      %dma_start3A_175 = arith.constant 0 : i32
      %dma_start3A_176 = arith.constant 0 : i32
      %dma_start3A_177 = tpu.memref_slice %arg3[%dma_start3A_175, %dma_start3A_176] : memref<10240x16xf32, #tpu.memory_space<hbm>> -> memref<10240x16xf32, #tpu.memory_space<hbm>>
      tpu.enqueue_indirect_dma source(%dma_start3A_177 : memref<10240x16xf32, #tpu.memory_space<hbm>>) target(%dma_start3A_171 : memref<128x16xf32, #tpu.memory_space<vmem>>) offsets(%dma_start3A_174 : memref<128xi32, #tpu.memory_space<vmem>>) semaphore(%arg10 : memref<!tpu.dma_semaphore, #tpu.memory_space<semaphore_mem>>)
    } else {
    }
    %gt3A_127 = arith.constant 12 : i32
    %gt3A_128 = arith.cmpi sgt, %add3A_8, %gt3A_127 : i32
    %convert_element_type3A_129 = arith.extui %gt3A_128 : i1 to i32
    %cond3A_130 = arith.constant 0 : i32
    %cond3A_131 = arith.cmpi ne, %convert_element_type3A_129, %cond3A_130 : i32
    scf.if %cond3A_131 {
      %dma_start3A_168 = arith.constant 12 : i32
      %dma_start3A_169 = arith.constant 1536 : i32
      %dma_start3A_170 = arith.constant 0 : i32
      %dma_start3A_171 = tpu.memref_slice %arg8[%dma_start3A_169, %dma_start3A_170] : memref<4096x16xf32, #tpu.memory_space<vmem>> -> memref<128x16xf32, #tpu.memory_space<vmem>>
      %dma_start3A_172 = arith.constant 0 : i32
      %dma_start3A_173 = tpu.memref_slice %arg6[%dma_start3A_168, %dma_start3A_172] : memref<79x128xi32, #tpu.memory_space<vmem>> -> memref<1x128xi32, #tpu.memory_space<vmem>>
      %dma_start3A_174 = tpu.memref_squeeze %dma_start3A_173 : memref<1x128xi32, #tpu.memory_space<vmem>> -> memref<128xi32, #tpu.memory_space<vmem>>
      %dma_start3A_175 = arith.constant 0 : i32
      %dma_start3A_176 = arith.constant 0 : i32
      %dma_start3A_177 = tpu.memref_slice %arg3[%dma_start3A_175, %dma_start3A_176] : memref<10240x16xf32, #tpu.memory_space<hbm>> -> memref<10240x16xf32, #tpu.memory_space<hbm>>
      tpu.enqueue_indirect_dma source(%dma_start3A_177 : memref<10240x16xf32, #tpu.memory_space<hbm>>) target(%dma_start3A_171 : memref<128x16xf32, #tpu.memory_space<vmem>>) offsets(%dma_start3A_174 : memref<128xi32, #tpu.memory_space<vmem>>) semaphore(%arg10 : memref<!tpu.dma_semaphore, #tpu.memory_space<semaphore_mem>>)
    } else {
    }
    %gt3A_132 = arith.constant 13 : i32
    %gt3A_133 = arith.cmpi sgt, %add3A_8, %gt3A_132 : i32
    %convert_element_type3A_134 = arith.extui %gt3A_133 : i1 to i32
    %cond3A_135 = arith.constant 0 : i32
    %cond3A_136 = arith.cmpi ne, %convert_element_type3A_134, %cond3A_135 : i32
    scf.if %cond3A_136 {
      %dma_start3A_168 = arith.constant 13 : i32
      %dma_start3A_169 = arith.constant 1664 : i32
      %dma_start3A_170 = arith.constant 0 : i32
      %dma_start3A_171 = tpu.memref_slice %arg8[%dma_start3A_169, %dma_start3A_170] : memref<4096x16xf32, #tpu.memory_space<vmem>> -> memref<128x16xf32, #tpu.memory_space<vmem>>
      %dma_start3A_172 = arith.constant 0 : i32
      %dma_start3A_173 = tpu.memref_slice %arg6[%dma_start3A_168, %dma_start3A_172] : memref<79x128xi32, #tpu.memory_space<vmem>> -> memref<1x128xi32, #tpu.memory_space<vmem>>
      %dma_start3A_174 = tpu.memref_squeeze %dma_start3A_173 : memref<1x128xi32, #tpu.memory_space<vmem>> -> memref<128xi32, #tpu.memory_space<vmem>>
      %dma_start3A_175 = arith.constant 0 : i32
      %dma_start3A_176 = arith.constant 0 : i32
      %dma_start3A_177 = tpu.memref_slice %arg3[%dma_start3A_175, %dma_start3A_176] : memref<10240x16xf32, #tpu.memory_space<hbm>> -> memref<10240x16xf32, #tpu.memory_space<hbm>>
      tpu.enqueue_indirect_dma source(%dma_start3A_177 : memref<10240x16xf32, #tpu.memory_space<hbm>>) target(%dma_start3A_171 : memref<128x16xf32, #tpu.memory_space<vmem>>) offsets(%dma_start3A_174 : memref<128xi32, #tpu.memory_space<vmem>>) semaphore(%arg10 : memref<!tpu.dma_semaphore, #tpu.memory_space<semaphore_mem>>)
    } else {
    }
    %gt3A_137 = arith.constant 14 : i32
    %gt3A_138 = arith.cmpi sgt, %add3A_8, %gt3A_137 : i32
    %convert_element_type3A_139 = arith.extui %gt3A_138 : i1 to i32
    %cond3A_140 = arith.constant 0 : i32
    %cond3A_141 = arith.cmpi ne, %convert_element_type3A_139, %cond3A_140 : i32
    scf.if %cond3A_141 {
      %dma_start3A_168 = arith.constant 14 : i32
      %dma_start3A_169 = arith.constant 1792 : i32
      %dma_start3A_170 = arith.constant 0 : i32
      %dma_start3A_171 = tpu.memref_slice %arg8[%dma_start3A_169, %dma_start3A_170] : memref<4096x16xf32, #tpu.memory_space<vmem>> -> memref<128x16xf32, #tpu.memory_space<vmem>>
      %dma_start3A_172 = arith.constant 0 : i32
      %dma_start3A_173 = tpu.memref_slice %arg6[%dma_start3A_168, %dma_start3A_172] : memref<79x128xi32, #tpu.memory_space<vmem>> -> memref<1x128xi32, #tpu.memory_space<vmem>>
      %dma_start3A_174 = tpu.memref_squeeze %dma_start3A_173 : memref<1x128xi32, #tpu.memory_space<vmem>> -> memref<128xi32, #tpu.memory_space<vmem>>
      %dma_start3A_175 = arith.constant 0 : i32
      %dma_start3A_176 = arith.constant 0 : i32
      %dma_start3A_177 = tpu.memref_slice %arg3[%dma_start3A_175, %dma_start3A_176] : memref<10240x16xf32, #tpu.memory_space<hbm>> -> memref<10240x16xf32, #tpu.memory_space<hbm>>
      tpu.enqueue_indirect_dma source(%dma_start3A_177 : memref<10240x16xf32, #tpu.memory_space<hbm>>) target(%dma_start3A_171 : memref<128x16xf32, #tpu.memory_space<vmem>>) offsets(%dma_start3A_174 : memref<128xi32, #tpu.memory_space<vmem>>) semaphore(%arg10 : memref<!tpu.dma_semaphore, #tpu.memory_space<semaphore_mem>>)
    } else {
    }
    %gt3A_142 = arith.constant 15 : i32
    %gt3A_143 = arith.cmpi sgt, %add3A_8, %gt3A_142 : i32
    %convert_element_type3A_144 = arith.extui %gt3A_143 : i1 to i32
    %cond3A_145 = arith.constant 0 : i32
    %cond3A_146 = arith.cmpi ne, %convert_element_type3A_144, %cond3A_145 : i32
    scf.if %cond3A_146 {
      %dma_start3A_168 = arith.constant 15 : i32
      %dma_start3A_169 = arith.constant 1920 : i32
      %dma_start3A_170 = arith.constant 0 : i32
      %dma_start3A_171 = tpu.memref_slice %arg8[%dma_start3A_169, %dma_start3A_170] : memref<4096x16xf32, #tpu.memory_space<vmem>> -> memref<128x16xf32, #tpu.memory_space<vmem>>
      %dma_start3A_172 = arith.constant 0 : i32
      %dma_start3A_173 = tpu.memref_slice %arg6[%dma_start3A_168, %dma_start3A_172] : memref<79x128xi32, #tpu.memory_space<vmem>> -> memref<1x128xi32, #tpu.memory_space<vmem>>
      %dma_start3A_174 = tpu.memref_squeeze %dma_start3A_173 : memref<1x128xi32, #tpu.memory_space<vmem>> -> memref<128xi32, #tpu.memory_space<vmem>>
      %dma_start3A_175 = arith.constant 0 : i32
      %dma_start3A_176 = arith.constant 0 : i32
      %dma_start3A_177 = tpu.memref_slice %arg3[%dma_start3A_175, %dma_start3A_176] : memref<10240x16xf32, #tpu.memory_space<hbm>> -> memref<10240x16xf32, #tpu.memory_space<hbm>>
      tpu.enqueue_indirect_dma source(%dma_start3A_177 : memref<10240x16xf32, #tpu.memory_space<hbm>>) target(%dma_start3A_171 : memref<128x16xf32, #tpu.memory_space<vmem>>) offsets(%dma_start3A_174 : memref<128xi32, #tpu.memory_space<vmem>>) semaphore(%arg10 : memref<!tpu.dma_semaphore, #tpu.memory_space<semaphore_mem>>)
    } else {
    }
    %while3A = arith.constant 0 : i32
    %while3A_147 = arith.constant 0 : i32
    %while3A_148 = arith.subi %add3A_8, %while3A_147 : i32
    %while3A_149 = arith.addi %while3A_147, %while3A_148 : i32
    %while3A_150 = arith.constant 1 : i32
    %while3A_151 = arith.divsi %while3A_148, %while3A_150 : i32
    %while3A_152 = arith.muli %while3A_151, %while3A_150 : i32
    %while3A_153 = arith.addi %while3A_147, %while3A_152 : i32
    %while3A_154 = arith.constant 1 : i32
    scf.for %while3A_168 = %while3A_147 to %while3A_153 step %while3A_154  : i32 {
      %ge3A = arith.constant 16 : i32
      %ge3A_169 = arith.cmpi sge, %while3A_168, %ge3A : i32
      %convert_element_type3A_170 = arith.extui %ge3A_169 : i1 to i32
      %cond3A_171 = arith.constant 0 : i32
      %cond3A_172 = arith.cmpi ne, %convert_element_type3A_170, %cond3A_171 : i32
      scf.if %cond3A_172 {
        %sub3A_202 = arith.constant 16 : i32
        %sub3A_203 = arith.subi %while3A_168, %sub3A_202 : i32
        %rem3A_204 = arith.constant 32 : i32
        %rem3A_205 = arith.remsi %sub3A_203, %rem3A_204 : i32
        %mul3A_206 = arith.constant 128 : i32
        %mul3A_207 = arith.muli %rem3A_205, %mul3A_206 : i32
        %sub3A_208 = arith.constant 16 : i32
        %sub3A_209 = arith.subi %while3A_168, %sub3A_208 : i32
        %dma_wait3A_210 = arith.constant 0 : i32
        %dma_wait3A_211 = tpu.memref_slice %arg8[%mul3A_207, %dma_wait3A_210] : memref<4096x16xf32, #tpu.memory_space<vmem>> -> memref<128x16xf32, #tpu.memory_space<vmem>>
        %dma_wait3A_212 = arith.constant 0 : i32
        %dma_wait3A_213 = tpu.memref_slice %arg7[%sub3A_209, %dma_wait3A_212] : memref<79x128xi32, #tpu.memory_space<vmem>> -> memref<1x128xi32, #tpu.memory_space<vmem>>
        %dma_wait3A_214 = tpu.memref_squeeze %dma_wait3A_213 : memref<1x128xi32, #tpu.memory_space<vmem>> -> memref<128xi32, #tpu.memory_space<vmem>>
        %dma_wait3A_215 = arith.constant 0 : i32
        %dma_wait3A_216 = arith.constant 0 : i32
        %dma_wait3A_217 = tpu.memref_slice %arg9[%dma_wait3A_215, %dma_wait3A_216] : memref<10240x16xf32, #tpu.memory_space<vmem_shared>> -> memref<10240x16xf32, #tpu.memory_space<vmem_shared>>
        tpu.wait_indirect_dma semaphore(%arg11 : memref<!tpu.dma_semaphore, #tpu.memory_space<semaphore_mem>>) src(%dma_wait3A_211 : memref<128x16xf32, #tpu.memory_space<vmem>>) dst(%dma_wait3A_217 : memref<10240x16xf32, #tpu.memory_space<vmem_shared>>)
      } else {
      }
      %add3A_173 = arith.constant 16 : i32
      %add3A_174 = arith.addi %while3A_168, %add3A_173 : i32
      %lt3A_175 = arith.cmpi slt, %add3A_174, %add3A_8 : i32
      %convert_element_type3A_176 = arith.extui %lt3A_175 : i1 to i32
      %cond3A_177 = arith.constant 0 : i32
      %cond3A_178 = arith.cmpi ne, %convert_element_type3A_176, %cond3A_177 : i32
      scf.if %cond3A_178 {
        %add3A_202 = arith.constant 16 : i32
        %add3A_203 = arith.addi %while3A_168, %add3A_202 : i32
        %add3A_204 = arith.constant 16 : i32
        %add3A_205 = arith.addi %while3A_168, %add3A_204 : i32
        %rem3A_206 = arith.constant 32 : i32
        %rem3A_207 = arith.remsi %add3A_205, %rem3A_206 : i32
        %mul3A_208 = arith.constant 128 : i32
        %mul3A_209 = arith.muli %rem3A_207, %mul3A_208 : i32
        %dma_start3A_210 = arith.constant 0 : i32
        %dma_start3A_211 = tpu.memref_slice %arg8[%mul3A_209, %dma_start3A_210] : memref<4096x16xf32, #tpu.memory_space<vmem>> -> memref<128x16xf32, #tpu.memory_space<vmem>>
        %dma_start3A_212 = arith.constant 0 : i32
        %dma_start3A_213 = tpu.memref_slice %arg6[%add3A_203, %dma_start3A_212] : memref<79x128xi32, #tpu.memory_space<vmem>> -> memref<1x128xi32, #tpu.memory_space<vmem>>
        %dma_start3A_214 = tpu.memref_squeeze %dma_start3A_213 : memref<1x128xi32, #tpu.memory_space<vmem>> -> memref<128xi32, #tpu.memory_space<vmem>>
        %dma_start3A_215 = arith.constant 0 : i32
        %dma_start3A_216 = arith.constant 0 : i32
        %dma_start3A_217 = tpu.memref_slice %arg3[%dma_start3A_215, %dma_start3A_216] : memref<10240x16xf32, #tpu.memory_space<hbm>> -> memref<10240x16xf32, #tpu.memory_space<hbm>>
        tpu.enqueue_indirect_dma source(%dma_start3A_217 : memref<10240x16xf32, #tpu.memory_space<hbm>>) target(%dma_start3A_211 : memref<128x16xf32, #tpu.memory_space<vmem>>) offsets(%dma_start3A_214 : memref<128xi32, #tpu.memory_space<vmem>>) semaphore(%arg10 : memref<!tpu.dma_semaphore, #tpu.memory_space<semaphore_mem>>)
      } else {
      }
      %rem3A = arith.constant 32 : i32
      %rem3A_179 = arith.remsi %while3A_168, %rem3A : i32
      %mul3A_180 = arith.constant 128 : i32
      %mul3A_181 = arith.muli %rem3A_179, %mul3A_180 : i32
      %dma_wait3A_182 = arith.constant 0 : i32
      %dma_wait3A_183 = tpu.memref_slice %arg8[%mul3A_181, %dma_wait3A_182] : memref<4096x16xf32, #tpu.memory_space<vmem>> -> memref<128x16xf32, #tpu.memory_space<vmem>>
      %dma_wait3A_184 = arith.constant 0 : i32
      %dma_wait3A_185 = tpu.memref_slice %arg6[%while3A_168, %dma_wait3A_184] : memref<79x128xi32, #tpu.memory_space<vmem>> -> memref<1x128xi32, #tpu.memory_space<vmem>>
      %dma_wait3A_186 = tpu.memref_squeeze %dma_wait3A_185 : memref<1x128xi32, #tpu.memory_space<vmem>> -> memref<128xi32, #tpu.memory_space<vmem>>
      %dma_wait3A_187 = arith.constant 0 : i32
      %dma_wait3A_188 = arith.constant 0 : i32
      %dma_wait3A_189 = tpu.memref_slice %arg3[%dma_wait3A_187, %dma_wait3A_188] : memref<10240x16xf32, #tpu.memory_space<hbm>> -> memref<10240x16xf32, #tpu.memory_space<hbm>>
      tpu.wait_indirect_dma semaphore(%arg10 : memref<!tpu.dma_semaphore, #tpu.memory_space<semaphore_mem>>) src(%dma_wait3A_189 : memref<10240x16xf32, #tpu.memory_space<hbm>>) dst(%dma_wait3A_183 : memref<128x16xf32, #tpu.memory_space<vmem>>)
      %rem3A_190 = arith.constant 32 : i32
      %rem3A_191 = arith.remsi %while3A_168, %rem3A_190 : i32
      %mul3A_192 = arith.constant 128 : i32
      %mul3A_193 = arith.muli %rem3A_191, %mul3A_192 : i32
      %dma_start3A_194 = arith.constant 0 : i32
      %dma_start3A_195 = tpu.memref_slice %arg8[%mul3A_193, %dma_start3A_194] : memref<4096x16xf32, #tpu.memory_space<vmem>> -> memref<128x16xf32, #tpu.memory_space<vmem>>
      %dma_start3A_196 = arith.constant 0 : i32
      %dma_start3A_197 = tpu.memref_slice %arg7[%while3A_168, %dma_start3A_196] : memref<79x128xi32, #tpu.memory_space<vmem>> -> memref<1x128xi32, #tpu.memory_space<vmem>>
      %dma_start3A_198 = tpu.memref_squeeze %dma_start3A_197 : memref<1x128xi32, #tpu.memory_space<vmem>> -> memref<128xi32, #tpu.memory_space<vmem>>
      %dma_start3A_199 = arith.constant 0 : i32
      %dma_start3A_200 = arith.constant 0 : i32
      %dma_start3A_201 = tpu.memref_slice %arg9[%dma_start3A_199, %dma_start3A_200] : memref<10240x16xf32, #tpu.memory_space<vmem_shared>> -> memref<10240x16xf32, #tpu.memory_space<vmem_shared>>
      tpu.enqueue_indirect_dma source(%dma_start3A_195 : memref<128x16xf32, #tpu.memory_space<vmem>>) target(%dma_start3A_201 : memref<10240x16xf32, #tpu.memory_space<vmem_shared>>) offsets(%dma_start3A_198 : memref<128xi32, #tpu.memory_space<vmem>>) semaphore(%arg11 : memref<!tpu.dma_semaphore, #tpu.memory_space<semaphore_mem>>) {add = true}
    }
    %while3A_155 = arith.constant 1 : i32
    scf.for %while3A_168 = %while3A_153 to %while3A_149 step %while3A_155  : i32 {
      %ge3A = arith.constant 16 : i32
      %ge3A_169 = arith.cmpi sge, %while3A_168, %ge3A : i32
      %convert_element_type3A_170 = arith.extui %ge3A_169 : i1 to i32
      %cond3A_171 = arith.constant 0 : i32
      %cond3A_172 = arith.cmpi ne, %convert_element_type3A_170, %cond3A_171 : i32
      scf.if %cond3A_172 {
        %sub3A_202 = arith.constant 16 : i32
        %sub3A_203 = arith.subi %while3A_168, %sub3A_202 : i32
        %rem3A_204 = arith.constant 32 : i32
        %rem3A_205 = arith.remsi %sub3A_203, %rem3A_204 : i32
        %mul3A_206 = arith.constant 128 : i32
        %mul3A_207 = arith.muli %rem3A_205, %mul3A_206 : i32
        %sub3A_208 = arith.constant 16 : i32
        %sub3A_209 = arith.subi %while3A_168, %sub3A_208 : i32
        %dma_wait3A_210 = arith.constant 0 : i32
        %dma_wait3A_211 = tpu.memref_slice %arg8[%mul3A_207, %dma_wait3A_210] : memref<4096x16xf32, #tpu.memory_space<vmem>> -> memref<128x16xf32, #tpu.memory_space<vmem>>
        %dma_wait3A_212 = arith.constant 0 : i32
        %dma_wait3A_213 = tpu.memref_slice %arg7[%sub3A_209, %dma_wait3A_212] : memref<79x128xi32, #tpu.memory_space<vmem>> -> memref<1x128xi32, #tpu.memory_space<vmem>>
        %dma_wait3A_214 = tpu.memref_squeeze %dma_wait3A_213 : memref<1x128xi32, #tpu.memory_space<vmem>> -> memref<128xi32, #tpu.memory_space<vmem>>
        %dma_wait3A_215 = arith.constant 0 : i32
        %dma_wait3A_216 = arith.constant 0 : i32
        %dma_wait3A_217 = tpu.memref_slice %arg9[%dma_wait3A_215, %dma_wait3A_216] : memref<10240x16xf32, #tpu.memory_space<vmem_shared>> -> memref<10240x16xf32, #tpu.memory_space<vmem_shared>>
        tpu.wait_indirect_dma semaphore(%arg11 : memref<!tpu.dma_semaphore, #tpu.memory_space<semaphore_mem>>) src(%dma_wait3A_211 : memref<128x16xf32, #tpu.memory_space<vmem>>) dst(%dma_wait3A_217 : memref<10240x16xf32, #tpu.memory_space<vmem_shared>>)
      } else {
      }
      %add3A_173 = arith.constant 16 : i32
      %add3A_174 = arith.addi %while3A_168, %add3A_173 : i32
      %lt3A_175 = arith.cmpi slt, %add3A_174, %add3A_8 : i32
      %convert_element_type3A_176 = arith.extui %lt3A_175 : i1 to i32
      %cond3A_177 = arith.constant 0 : i32
      %cond3A_178 = arith.cmpi ne, %convert_element_type3A_176, %cond3A_177 : i32
      scf.if %cond3A_178 {
        %add3A_202 = arith.constant 16 : i32
        %add3A_203 = arith.addi %while3A_168, %add3A_202 : i32
        %add3A_204 = arith.constant 16 : i32
        %add3A_205 = arith.addi %while3A_168, %add3A_204 : i32
        %rem3A_206 = arith.constant 32 : i32
        %rem3A_207 = arith.remsi %add3A_205, %rem3A_206 : i32
        %mul3A_208 = arith.constant 128 : i32
        %mul3A_209 = arith.muli %rem3A_207, %mul3A_208 : i32
        %dma_start3A_210 = arith.constant 0 : i32
        %dma_start3A_211 = tpu.memref_slice %arg8[%mul3A_209, %dma_start3A_210] : memref<4096x16xf32, #tpu.memory_space<vmem>> -> memref<128x16xf32, #tpu.memory_space<vmem>>
        %dma_start3A_212 = arith.constant 0 : i32
        %dma_start3A_213 = tpu.memref_slice %arg6[%add3A_203, %dma_start3A_212] : memref<79x128xi32, #tpu.memory_space<vmem>> -> memref<1x128xi32, #tpu.memory_space<vmem>>
        %dma_start3A_214 = tpu.memref_squeeze %dma_start3A_213 : memref<1x128xi32, #tpu.memory_space<vmem>> -> memref<128xi32, #tpu.memory_space<vmem>>
        %dma_start3A_215 = arith.constant 0 : i32
        %dma_start3A_216 = arith.constant 0 : i32
        %dma_start3A_217 = tpu.memref_slice %arg3[%dma_start3A_215, %dma_start3A_216] : memref<10240x16xf32, #tpu.memory_space<hbm>> -> memref<10240x16xf32, #tpu.memory_space<hbm>>
        tpu.enqueue_indirect_dma source(%dma_start3A_217 : memref<10240x16xf32, #tpu.memory_space<hbm>>) target(%dma_start3A_211 : memref<128x16xf32, #tpu.memory_space<vmem>>) offsets(%dma_start3A_214 : memref<128xi32, #tpu.memory_space<vmem>>) semaphore(%arg10 : memref<!tpu.dma_semaphore, #tpu.memory_space<semaphore_mem>>)
      } else {
      }
      %rem3A = arith.constant 32 : i32
      %rem3A_179 = arith.remsi %while3A_168, %rem3A : i32
      %mul3A_180 = arith.constant 128 : i32
      %mul3A_181 = arith.muli %rem3A_179, %mul3A_180 : i32
      %dma_wait3A_182 = arith.constant 0 : i32
      %dma_wait3A_183 = tpu.memref_slice %arg8[%mul3A_181, %dma_wait3A_182] : memref<4096x16xf32, #tpu.memory_space<vmem>> -> memref<128x16xf32, #tpu.memory_space<vmem>>
      %dma_wait3A_184 = arith.constant 0 : i32
      %dma_wait3A_185 = tpu.memref_slice %arg6[%while3A_168, %dma_wait3A_184] : memref<79x128xi32, #tpu.memory_space<vmem>> -> memref<1x128xi32, #tpu.memory_space<vmem>>
      %dma_wait3A_186 = tpu.memref_squeeze %dma_wait3A_185 : memref<1x128xi32, #tpu.memory_space<vmem>> -> memref<128xi32, #tpu.memory_space<vmem>>
      %dma_wait3A_187 = arith.constant 0 : i32
      %dma_wait3A_188 = arith.constant 0 : i32
      %dma_wait3A_189 = tpu.memref_slice %arg3[%dma_wait3A_187, %dma_wait3A_188] : memref<10240x16xf32, #tpu.memory_space<hbm>> -> memref<10240x16xf32, #tpu.memory_space<hbm>>
      tpu.wait_indirect_dma semaphore(%arg10 : memref<!tpu.dma_semaphore, #tpu.memory_space<semaphore_mem>>) src(%dma_wait3A_189 : memref<10240x16xf32, #tpu.memory_space<hbm>>) dst(%dma_wait3A_183 : memref<128x16xf32, #tpu.memory_space<vmem>>)
      %rem3A_190 = arith.constant 32 : i32
      %rem3A_191 = arith.remsi %while3A_168, %rem3A_190 : i32
      %mul3A_192 = arith.constant 128 : i32
      %mul3A_193 = arith.muli %rem3A_191, %mul3A_192 : i32
      %dma_start3A_194 = arith.constant 0 : i32
      %dma_start3A_195 = tpu.memref_slice %arg8[%mul3A_193, %dma_start3A_194] : memref<4096x16xf32, #tpu.memory_space<vmem>> -> memref<128x16xf32, #tpu.memory_space<vmem>>
      %dma_start3A_196 = arith.constant 0 : i32
      %dma_start3A_197 = tpu.memref_slice %arg7[%while3A_168, %dma_start3A_196] : memref<79x128xi32, #tpu.memory_space<vmem>> -> memref<1x128xi32, #tpu.memory_space<vmem>>
      %dma_start3A_198 = tpu.memref_squeeze %dma_start3A_197 : memref<1x128xi32, #tpu.memory_space<vmem>> -> memref<128xi32, #tpu.memory_space<vmem>>
      %dma_start3A_199 = arith.constant 0 : i32
      %dma_start3A_200 = arith.constant 0 : i32
      %dma_start3A_201 = tpu.memref_slice %arg9[%dma_start3A_199, %dma_start3A_200] : memref<10240x16xf32, #tpu.memory_space<vmem_shared>> -> memref<10240x16xf32, #tpu.memory_space<vmem_shared>>
      tpu.enqueue_indirect_dma source(%dma_start3A_195 : memref<128x16xf32, #tpu.memory_space<vmem>>) target(%dma_start3A_201 : memref<10240x16xf32, #tpu.memory_space<vmem_shared>>) offsets(%dma_start3A_198 : memref<128xi32, #tpu.memory_space<vmem>>) semaphore(%arg11 : memref<!tpu.dma_semaphore, #tpu.memory_space<semaphore_mem>>) {add = true}
    }
    %sub3A = arith.constant 16 : i32
    %sub3A_156 = arith.subi %add3A_8, %sub3A : i32
    %max3A = arith.constant 0 : i32
    %max3A_157 = arith.maxsi %sub3A_156, %max3A : i32
    %while3A_158 = arith.constant 0 : i32
    %while3A_159 = arith.subi %add3A_8, %max3A_157 : i32
    %while3A_160 = arith.addi %max3A_157, %while3A_159 : i32
    %while3A_161 = arith.constant 1 : i32
    %while3A_162 = arith.divsi %while3A_159, %while3A_161 : i32
    %while3A_163 = arith.muli %while3A_162, %while3A_161 : i32
    %while3A_164 = arith.addi %max3A_157, %while3A_163 : i32
    %while3A_165 = arith.constant 1 : i32
    scf.for %while3A_168 = %max3A_157 to %while3A_164 step %while3A_165  : i32 {
      %ge3A = arith.constant 0 : i32
      %ge3A_169 = arith.cmpi sge, %while3A_168, %ge3A : i32
      %convert_element_type3A_170 = arith.extui %ge3A_169 : i1 to i32
      %cond3A_171 = arith.constant 0 : i32
      %cond3A_172 = arith.cmpi ne, %convert_element_type3A_170, %cond3A_171 : i32
      scf.if %cond3A_172 {
        %rem3A = arith.constant 32 : i32
        %rem3A_173 = arith.remsi %while3A_168, %rem3A : i32
        %mul3A_174 = arith.constant 128 : i32
        %mul3A_175 = arith.muli %rem3A_173, %mul3A_174 : i32
        %dma_wait3A_176 = arith.constant 0 : i32
        %dma_wait3A_177 = tpu.memref_slice %arg8[%mul3A_175, %dma_wait3A_176] : memref<4096x16xf32, #tpu.memory_space<vmem>> -> memref<128x16xf32, #tpu.memory_space<vmem>>
        %dma_wait3A_178 = arith.constant 0 : i32
        %dma_wait3A_179 = tpu.memref_slice %arg7[%while3A_168, %dma_wait3A_178] : memref<79x128xi32, #tpu.memory_space<vmem>> -> memref<1x128xi32, #tpu.memory_space<vmem>>
        %dma_wait3A_180 = tpu.memref_squeeze %dma_wait3A_179 : memref<1x128xi32, #tpu.memory_space<vmem>> -> memref<128xi32, #tpu.memory_space<vmem>>
        %dma_wait3A_181 = arith.constant 0 : i32
        %dma_wait3A_182 = arith.constant 0 : i32
        %dma_wait3A_183 = tpu.memref_slice %arg9[%dma_wait3A_181, %dma_wait3A_182] : memref<10240x16xf32, #tpu.memory_space<vmem_shared>> -> memref<10240x16xf32, #tpu.memory_space<vmem_shared>>
        tpu.wait_indirect_dma semaphore(%arg11 : memref<!tpu.dma_semaphore, #tpu.memory_space<semaphore_mem>>) src(%dma_wait3A_177 : memref<128x16xf32, #tpu.memory_space<vmem>>) dst(%dma_wait3A_183 : memref<10240x16xf32, #tpu.memory_space<vmem_shared>>)
      } else {
      }
    }
    %while3A_166 = arith.constant 1 : i32
    scf.for %while3A_168 = %while3A_164 to %while3A_160 step %while3A_166  : i32 {
      %ge3A = arith.constant 0 : i32
      %ge3A_169 = arith.cmpi sge, %while3A_168, %ge3A : i32
      %convert_element_type3A_170 = arith.extui %ge3A_169 : i1 to i32
      %cond3A_171 = arith.constant 0 : i32
      %cond3A_172 = arith.cmpi ne, %convert_element_type3A_170, %cond3A_171 : i32
      scf.if %cond3A_172 {
        %rem3A = arith.constant 32 : i32
        %rem3A_173 = arith.remsi %while3A_168, %rem3A : i32
        %mul3A_174 = arith.constant 128 : i32
        %mul3A_175 = arith.muli %rem3A_173, %mul3A_174 : i32
        %dma_wait3A_176 = arith.constant 0 : i32
        %dma_wait3A_177 = tpu.memref_slice %arg8[%mul3A_175, %dma_wait3A_176] : memref<4096x16xf32, #tpu.memory_space<vmem>> -> memref<128x16xf32, #tpu.memory_space<vmem>>
        %dma_wait3A_178 = arith.constant 0 : i32
        %dma_wait3A_179 = tpu.memref_slice %arg7[%while3A_168, %dma_wait3A_178] : memref<79x128xi32, #tpu.memory_space<vmem>> -> memref<1x128xi32, #tpu.memory_space<vmem>>
        %dma_wait3A_180 = tpu.memref_squeeze %dma_wait3A_179 : memref<1x128xi32, #tpu.memory_space<vmem>> -> memref<128xi32, #tpu.memory_space<vmem>>
        %dma_wait3A_181 = arith.constant 0 : i32
        %dma_wait3A_182 = arith.constant 0 : i32
        %dma_wait3A_183 = tpu.memref_slice %arg9[%dma_wait3A_181, %dma_wait3A_182] : memref<10240x16xf32, #tpu.memory_space<vmem_shared>> -> memref<10240x16xf32, #tpu.memory_space<vmem_shared>>
        tpu.wait_indirect_dma semaphore(%arg11 : memref<!tpu.dma_semaphore, #tpu.memory_space<semaphore_mem>>) src(%dma_wait3A_177 : memref<128x16xf32, #tpu.memory_space<vmem>>) dst(%dma_wait3A_183 : memref<10240x16xf32, #tpu.memory_space<vmem_shared>>)
      } else {
      }
    }
    %barrier3A_167 = arith.constant 0 : index
    tpu.barrier barrier_id(%barrier3A_167)
    "tpu.region"() ({
      %run_scoped3A = tpu.sem_alloc : memref<!tpu.dma_semaphore, #tpu.memory_space<semaphore_mem>>
      %dma_start3A_168 = arith.constant 0 : i32
      %dma_start3A_169 = tpu.memref_slice %arg5[%arg0, %mul3A_10, %dma_start3A_168] : memref<2x10240x16xf32, #tpu.memory_space<hbm>> -> memref<1x640x16xf32, #tpu.memory_space<hbm>>
      %dma_start3A_170 = tpu.memref_squeeze %dma_start3A_169 : memref<1x640x16xf32, #tpu.memory_space<hbm>> -> memref<640x16xf32, #tpu.memory_space<hbm>>
      %dma_start3A_171 = arith.constant 0 : i32
      %dma_start3A_172 = tpu.memref_slice %arg9[%mul3A_10, %dma_start3A_171] : memref<10240x16xf32, #tpu.memory_space<vmem_shared>> -> memref<640x16xf32, #tpu.memory_space<vmem_shared>>
      tpu.enqueue_dma source(%dma_start3A_172 : memref<640x16xf32, #tpu.memory_space<vmem_shared>>) target(%dma_start3A_170 : memref<640x16xf32, #tpu.memory_space<hbm>>) target_semaphore(%run_scoped3A : memref<!tpu.dma_semaphore, #tpu.memory_space<semaphore_mem>>)
      %dma_wait3A_173 = arith.constant 0 : i32
      %dma_wait3A_174 = tpu.memref_slice %arg5[%arg0, %mul3A_10, %dma_wait3A_173] : memref<2x10240x16xf32, #tpu.memory_space<hbm>> -> memref<1x640x16xf32, #tpu.memory_space<hbm>>
      %dma_wait3A_175 = tpu.memref_squeeze %dma_wait3A_174 : memref<1x640x16xf32, #tpu.memory_space<hbm>> -> memref<640x16xf32, #tpu.memory_space<hbm>>
      %dma_wait3A_176 = arith.constant 0 : i32
      %dma_wait3A_177 = tpu.memref_slice %arg9[%mul3A_10, %dma_wait3A_176] : memref<10240x16xf32, #tpu.memory_space<vmem_shared>> -> memref<640x16xf32, #tpu.memory_space<vmem_shared>>
      tpu.wait_dma2 semaphore(%run_scoped3A : memref<!tpu.dma_semaphore, #tpu.memory_space<semaphore_mem>>) src(%dma_wait3A_177 : memref<640x16xf32, #tpu.memory_space<vmem_shared>>) dst(%dma_wait3A_175 : memref<640x16xf32, #tpu.memory_space<hbm>>)
      tpu.yield
    }) : () -> ()
    return
  }
}

#map = affine_map<(d0, d1) -> (0, 0, 0)>
#map1 = affine_map<(d0, d1) -> (0, 0)>
#map2 = affine_map<(d0, d1) -> (0)>
module attributes {stable_mosaic.version = 14 : i64} {
  func.func @_agg_body(%arg0: i32, %arg1: i32, %arg2: memref<2x2500x128xi32, #tpu.memory_space<hbm>>, %arg3: memref<10240x16xf32, #tpu.memory_space<hbm>>, %arg4: memref<640x16xf32, #tpu.memory_space<hbm>>, %arg5: memref<640xf32, #tpu.memory_space<hbm>>, %arg6: memref<128xf32, #tpu.memory_space<hbm>>, %arg7: memref<2x10240x16xf32, #tpu.memory_space<hbm>>, %arg8: memref<2x10240x16xf32, #tpu.memory_space<hbm>>, %arg9: memref<79x128xi32, #tpu.memory_space<vmem>>, %arg10: memref<79x128xi32, #tpu.memory_space<vmem>>, %arg11: memref<4096x16xf32, #tpu.memory_space<vmem>>, %arg12: memref<128xf32, #tpu.memory_space<vmem>>, %arg13: memref<640xf32, #tpu.memory_space<vmem>>, %arg14: memref<640x16xf32, #tpu.memory_space<vmem>>, %arg15: memref<10240x16xf32, #tpu.memory_space<vmem_shared>>, %arg16: memref<10240xf32, #tpu.memory_space<vmem_shared>>, %arg17: memref<!tpu.dma_semaphore, #tpu.memory_space<semaphore_mem>>, %arg18: memref<!tpu.dma_semaphore, #tpu.memory_space<semaphore_mem>>, %arg19: memref<!tpu.dma_semaphore, #tpu.memory_space<semaphore_mem>>) attributes {dimension_semantics = [#tpu.dimension_semantics<core_parallel>, #tpu.dimension_semantics<subcore_parallel>], iteration_bounds = array<i64: 2, 16>, scalar_prefetch = 0 : i64, scratch_operands = 11 : i64, tpu.core_type = #tpu.core_type<sc_vector_subcore>, window_params = [{transform_indices = #map}, {transform_indices = #map1}, {transform_indices = #map1}, {transform_indices = #map2}, {transform_indices = #map2}, {transform_indices = #map}, {transform_indices = #map}]} {
    %mul3A = arith.constant 16 : i32
    %mul3A_0 = arith.muli %arg0, %mul3A : i32
    %add3A = arith.addi %mul3A_0, %arg1 : i32
    %mul3A_1 = arith.constant 78 : i32
    %mul3A_2 = arith.muli %mul3A_1, %add3A : i32
    %min3A = arith.constant 4 : i32
    %min3A_3 = arith.minsi %add3A, %min3A : i32
    %add3A_4 = arith.addi %mul3A_2, %min3A_3 : i32
    %lt3A = arith.constant 4 : i32
    %lt3A_5 = arith.cmpi slt, %add3A, %lt3A : i32
    %jit3A = arith.constant 1 : i32
    %jit3A_6 = arith.constant 0 : i32
    %select_n3A = arith.select %lt3A_5, %jit3A, %jit3A_6 : i32
    %add3A_7 = arith.constant 78 : i32
    %add3A_8 = arith.addi %add3A_7, %select_n3A : i32
    %mul3A_9 = arith.constant 640 : i32
    %mul3A_10 = arith.muli %arg1, %mul3A_9 : i32
    %dma_start3A = arith.constant 0 : i32
    %dma_start3A_11 = tpu.memref_slice %arg15[%mul3A_10, %dma_start3A] : memref<10240x16xf32, #tpu.memory_space<vmem_shared>> -> memref<640x16xf32, #tpu.memory_space<vmem_shared>>
    tpu.enqueue_dma source(%arg4 : memref<640x16xf32, #tpu.memory_space<hbm>>) target(%dma_start3A_11 : memref<640x16xf32, #tpu.memory_space<vmem_shared>>) target_semaphore(%arg17 : memref<!tpu.dma_semaphore, #tpu.memory_space<semaphore_mem>>)
    %dma_start3A_12 = arith.constant 0 : i32
    %dma_start3A_13 = arith.constant 0 : i32
    %dma_start3A_14 = arith.constant 0 : i32
    %dma_start3A_15 = tpu.memref_slice %arg9[%dma_start3A_13, %dma_start3A_14] : memref<79x128xi32, #tpu.memory_space<vmem>> -> memref<78x128xi32, #tpu.memory_space<vmem>>
    %dma_start3A_16 = arith.constant 0 : i32
    %dma_start3A_17 = tpu.memref_slice %arg2[%dma_start3A_12, %add3A_4, %dma_start3A_16] : memref<2x2500x128xi32, #tpu.memory_space<hbm>> -> memref<1x78x128xi32, #tpu.memory_space<hbm>>
    %dma_start3A_18 = tpu.memref_squeeze %dma_start3A_17 : memref<1x78x128xi32, #tpu.memory_space<hbm>> -> memref<78x128xi32, #tpu.memory_space<hbm>>
    %dma_start3A_19 = arith.constant 0 : i32
    %dma_start3A_20 = arith.constant 0 : i32
    %dma_start3A_21 = tpu.memref_slice %arg9[%dma_start3A_19, %dma_start3A_20] : memref<79x128xi32, #tpu.memory_space<vmem>> -> memref<78x128xi32, #tpu.memory_space<vmem>>
    %dma_start3A_22 = arith.constant 0 : i32
    %dma_start3A_23 = tpu.memref_slice %arg2[%dma_start3A_12, %add3A_4, %dma_start3A_22] : memref<2x2500x128xi32, #tpu.memory_space<hbm>> -> memref<1x78x128xi32, #tpu.memory_space<hbm>>
    %dma_start3A_24 = tpu.memref_squeeze %dma_start3A_23 : memref<1x78x128xi32, #tpu.memory_space<hbm>> -> memref<78x128xi32, #tpu.memory_space<hbm>>
    tpu.enqueue_dma source(%dma_start3A_24 : memref<78x128xi32, #tpu.memory_space<hbm>>) target(%dma_start3A_21 : memref<78x128xi32, #tpu.memory_space<vmem>>) target_semaphore(%arg17 : memref<!tpu.dma_semaphore, #tpu.memory_space<semaphore_mem>>)
    %dma_start3A_25 = arith.constant 1 : i32
    %dma_start3A_26 = arith.constant 0 : i32
    %dma_start3A_27 = arith.constant 0 : i32
    %dma_start3A_28 = tpu.memref_slice %arg10[%dma_start3A_26, %dma_start3A_27] : memref<79x128xi32, #tpu.memory_space<vmem>> -> memref<78x128xi32, #tpu.memory_space<vmem>>
    %dma_start3A_29 = arith.constant 0 : i32
    %dma_start3A_30 = tpu.memref_slice %arg2[%dma_start3A_25, %add3A_4, %dma_start3A_29] : memref<2x2500x128xi32, #tpu.memory_space<hbm>> -> memref<1x78x128xi32, #tpu.memory_space<hbm>>
    %dma_start3A_31 = tpu.memref_squeeze %dma_start3A_30 : memref<1x78x128xi32, #tpu.memory_space<hbm>> -> memref<78x128xi32, #tpu.memory_space<hbm>>
    %dma_start3A_32 = arith.constant 0 : i32
    %dma_start3A_33 = arith.constant 0 : i32
    %dma_start3A_34 = tpu.memref_slice %arg10[%dma_start3A_32, %dma_start3A_33] : memref<79x128xi32, #tpu.memory_space<vmem>> -> memref<78x128xi32, #tpu.memory_space<vmem>>
    %dma_start3A_35 = arith.constant 0 : i32
    %dma_start3A_36 = tpu.memref_slice %arg2[%dma_start3A_25, %add3A_4, %dma_start3A_35] : memref<2x2500x128xi32, #tpu.memory_space<hbm>> -> memref<1x78x128xi32, #tpu.memory_space<hbm>>
    %dma_start3A_37 = tpu.memref_squeeze %dma_start3A_36 : memref<1x78x128xi32, #tpu.memory_space<hbm>> -> memref<78x128xi32, #tpu.memory_space<hbm>>
    tpu.enqueue_dma source(%dma_start3A_37 : memref<78x128xi32, #tpu.memory_space<hbm>>) target(%dma_start3A_34 : memref<78x128xi32, #tpu.memory_space<vmem>>) target_semaphore(%arg17 : memref<!tpu.dma_semaphore, #tpu.memory_space<semaphore_mem>>)
    %dma_start3A_38 = tpu.memref_slice %arg16[%mul3A_10] : memref<10240xf32, #tpu.memory_space<vmem_shared>> -> memref<640xf32, #tpu.memory_space<vmem_shared>>
    tpu.enqueue_dma source(%arg5 : memref<640xf32, #tpu.memory_space<hbm>>) target(%dma_start3A_38 : memref<640xf32, #tpu.memory_space<vmem_shared>>) target_semaphore(%arg17 : memref<!tpu.dma_semaphore, #tpu.memory_space<semaphore_mem>>)
    tpu.enqueue_dma source(%arg6 : memref<128xf32, #tpu.memory_space<hbm>>) target(%arg12 : memref<128xf32, #tpu.memory_space<vmem>>) target_semaphore(%arg17 : memref<!tpu.dma_semaphore, #tpu.memory_space<semaphore_mem>>)
    %lt3A_39 = arith.constant 4 : i32
    %lt3A_40 = arith.cmpi slt, %add3A, %lt3A_39 : i32
    %convert_element_type3A = arith.extui %lt3A_40 : i1 to i32
    %cond3A = arith.constant 0 : i32
    %cond3A_41 = arith.cmpi ne, %convert_element_type3A, %cond3A : i32
    scf.if %cond3A_41 {
      %add3A_175 = arith.constant 78 : i32
      %add3A_176 = arith.addi %add3A_4, %add3A_175 : i32
      %run_scoped3A = arith.constant 0 : i32
      %run_scoped3A_177 = arith.constant 78 : i32
      "tpu.region"() ({
        %run_scoped3A_182 = tpu.sem_alloc : memref<!tpu.dma_semaphore, #tpu.memory_space<semaphore_mem>>
        %dma_start3A_183 = arith.constant 0 : i32
        %dma_start3A_184 = tpu.memref_slice %arg9[%run_scoped3A_177, %dma_start3A_183] : memref<79x128xi32, #tpu.memory_space<vmem>> -> memref<1x128xi32, #tpu.memory_space<vmem>>
        %dma_start3A_185 = tpu.memref_squeeze %dma_start3A_184 : memref<1x128xi32, #tpu.memory_space<vmem>> -> memref<128xi32, #tpu.memory_space<vmem>>
        %dma_start3A_186 = arith.constant 0 : i32
        %dma_start3A_187 = tpu.memref_slice %arg2[%run_scoped3A, %add3A_176, %dma_start3A_186] : memref<2x2500x128xi32, #tpu.memory_space<hbm>> -> memref<1x1x128xi32, #tpu.memory_space<hbm>>
        %dma_start3A_188 = tpu.memref_squeeze %dma_start3A_187 : memref<1x1x128xi32, #tpu.memory_space<hbm>> -> memref<128xi32, #tpu.memory_space<hbm>>
        %dma_start3A_189 = arith.constant 0 : i32
        %dma_start3A_190 = tpu.memref_slice %arg9[%run_scoped3A_177, %dma_start3A_189] : memref<79x128xi32, #tpu.memory_space<vmem>> -> memref<1x128xi32, #tpu.memory_space<vmem>>
        %dma_start3A_191 = tpu.memref_squeeze %dma_start3A_190 : memref<1x128xi32, #tpu.memory_space<vmem>> -> memref<128xi32, #tpu.memory_space<vmem>>
        %dma_start3A_192 = arith.constant 0 : i32
        %dma_start3A_193 = tpu.memref_slice %arg2[%run_scoped3A, %add3A_176, %dma_start3A_192] : memref<2x2500x128xi32, #tpu.memory_space<hbm>> -> memref<1x1x128xi32, #tpu.memory_space<hbm>>
        %dma_start3A_194 = tpu.memref_squeeze %dma_start3A_193 : memref<1x1x128xi32, #tpu.memory_space<hbm>> -> memref<128xi32, #tpu.memory_space<hbm>>
        tpu.enqueue_dma source(%dma_start3A_194 : memref<128xi32, #tpu.memory_space<hbm>>) target(%dma_start3A_191 : memref<128xi32, #tpu.memory_space<vmem>>) target_semaphore(%run_scoped3A_182 : memref<!tpu.dma_semaphore, #tpu.memory_space<semaphore_mem>>)
        %dma_wait3A_195 = arith.constant 0 : i32
        %dma_wait3A_196 = tpu.memref_slice %arg9[%run_scoped3A_177, %dma_wait3A_195] : memref<79x128xi32, #tpu.memory_space<vmem>> -> memref<1x128xi32, #tpu.memory_space<vmem>>
        %dma_wait3A_197 = tpu.memref_squeeze %dma_wait3A_196 : memref<1x128xi32, #tpu.memory_space<vmem>> -> memref<128xi32, #tpu.memory_space<vmem>>
        %dma_wait3A_198 = arith.constant 0 : i32
        %dma_wait3A_199 = tpu.memref_slice %arg2[%run_scoped3A, %add3A_176, %dma_wait3A_198] : memref<2x2500x128xi32, #tpu.memory_space<hbm>> -> memref<1x1x128xi32, #tpu.memory_space<hbm>>
        %dma_wait3A_200 = tpu.memref_squeeze %dma_wait3A_199 : memref<1x1x128xi32, #tpu.memory_space<hbm>> -> memref<128xi32, #tpu.memory_space<hbm>>
        %dma_wait3A_201 = arith.constant 0 : i32
        %dma_wait3A_202 = tpu.memref_slice %arg9[%run_scoped3A_177, %dma_wait3A_201] : memref<79x128xi32, #tpu.memory_space<vmem>> -> memref<1x128xi32, #tpu.memory_space<vmem>>
        %dma_wait3A_203 = tpu.memref_squeeze %dma_wait3A_202 : memref<1x128xi32, #tpu.memory_space<vmem>> -> memref<128xi32, #tpu.memory_space<vmem>>
        %dma_wait3A_204 = arith.constant 0 : i32
        %dma_wait3A_205 = tpu.memref_slice %arg2[%run_scoped3A, %add3A_176, %dma_wait3A_204] : memref<2x2500x128xi32, #tpu.memory_space<hbm>> -> memref<1x1x128xi32, #tpu.memory_space<hbm>>
        %dma_wait3A_206 = tpu.memref_squeeze %dma_wait3A_205 : memref<1x1x128xi32, #tpu.memory_space<hbm>> -> memref<128xi32, #tpu.memory_space<hbm>>
        tpu.wait_dma2 semaphore(%run_scoped3A_182 : memref<!tpu.dma_semaphore, #tpu.memory_space<semaphore_mem>>) src(%dma_wait3A_206 : memref<128xi32, #tpu.memory_space<hbm>>) dst(%dma_wait3A_203 : memref<128xi32, #tpu.memory_space<vmem>>)
        tpu.yield
      }) : () -> ()
      %add3A_178 = arith.constant 78 : i32
      %add3A_179 = arith.addi %add3A_4, %add3A_178 : i32
      %run_scoped3A_180 = arith.constant 1 : i32
      %run_scoped3A_181 = arith.constant 78 : i32
      "tpu.region"() ({
        %run_scoped3A_182 = tpu.sem_alloc : memref<!tpu.dma_semaphore, #tpu.memory_space<semaphore_mem>>
        %dma_start3A_183 = arith.constant 0 : i32
        %dma_start3A_184 = tpu.memref_slice %arg10[%run_scoped3A_181, %dma_start3A_183] : memref<79x128xi32, #tpu.memory_space<vmem>> -> memref<1x128xi32, #tpu.memory_space<vmem>>
        %dma_start3A_185 = tpu.memref_squeeze %dma_start3A_184 : memref<1x128xi32, #tpu.memory_space<vmem>> -> memref<128xi32, #tpu.memory_space<vmem>>
        %dma_start3A_186 = arith.constant 0 : i32
        %dma_start3A_187 = tpu.memref_slice %arg2[%run_scoped3A_180, %add3A_179, %dma_start3A_186] : memref<2x2500x128xi32, #tpu.memory_space<hbm>> -> memref<1x1x128xi32, #tpu.memory_space<hbm>>
        %dma_start3A_188 = tpu.memref_squeeze %dma_start3A_187 : memref<1x1x128xi32, #tpu.memory_space<hbm>> -> memref<128xi32, #tpu.memory_space<hbm>>
        %dma_start3A_189 = arith.constant 0 : i32
        %dma_start3A_190 = tpu.memref_slice %arg10[%run_scoped3A_181, %dma_start3A_189] : memref<79x128xi32, #tpu.memory_space<vmem>> -> memref<1x128xi32, #tpu.memory_space<vmem>>
        %dma_start3A_191 = tpu.memref_squeeze %dma_start3A_190 : memref<1x128xi32, #tpu.memory_space<vmem>> -> memref<128xi32, #tpu.memory_space<vmem>>
        %dma_start3A_192 = arith.constant 0 : i32
        %dma_start3A_193 = tpu.memref_slice %arg2[%run_scoped3A_180, %add3A_179, %dma_start3A_192] : memref<2x2500x128xi32, #tpu.memory_space<hbm>> -> memref<1x1x128xi32, #tpu.memory_space<hbm>>
        %dma_start3A_194 = tpu.memref_squeeze %dma_start3A_193 : memref<1x1x128xi32, #tpu.memory_space<hbm>> -> memref<128xi32, #tpu.memory_space<hbm>>
        tpu.enqueue_dma source(%dma_start3A_194 : memref<128xi32, #tpu.memory_space<hbm>>) target(%dma_start3A_191 : memref<128xi32, #tpu.memory_space<vmem>>) target_semaphore(%run_scoped3A_182 : memref<!tpu.dma_semaphore, #tpu.memory_space<semaphore_mem>>)
        %dma_wait3A_195 = arith.constant 0 : i32
        %dma_wait3A_196 = tpu.memref_slice %arg10[%run_scoped3A_181, %dma_wait3A_195] : memref<79x128xi32, #tpu.memory_space<vmem>> -> memref<1x128xi32, #tpu.memory_space<vmem>>
        %dma_wait3A_197 = tpu.memref_squeeze %dma_wait3A_196 : memref<1x128xi32, #tpu.memory_space<vmem>> -> memref<128xi32, #tpu.memory_space<vmem>>
        %dma_wait3A_198 = arith.constant 0 : i32
        %dma_wait3A_199 = tpu.memref_slice %arg2[%run_scoped3A_180, %add3A_179, %dma_wait3A_198] : memref<2x2500x128xi32, #tpu.memory_space<hbm>> -> memref<1x1x128xi32, #tpu.memory_space<hbm>>
        %dma_wait3A_200 = tpu.memref_squeeze %dma_wait3A_199 : memref<1x1x128xi32, #tpu.memory_space<hbm>> -> memref<128xi32, #tpu.memory_space<hbm>>
        %dma_wait3A_201 = arith.constant 0 : i32
        %dma_wait3A_202 = tpu.memref_slice %arg10[%run_scoped3A_181, %dma_wait3A_201] : memref<79x128xi32, #tpu.memory_space<vmem>> -> memref<1x128xi32, #tpu.memory_space<vmem>>
        %dma_wait3A_203 = tpu.memref_squeeze %dma_wait3A_202 : memref<1x128xi32, #tpu.memory_space<vmem>> -> memref<128xi32, #tpu.memory_space<vmem>>
        %dma_wait3A_204 = arith.constant 0 : i32
        %dma_wait3A_205 = tpu.memref_slice %arg2[%run_scoped3A_180, %add3A_179, %dma_wait3A_204] : memref<2x2500x128xi32, #tpu.memory_space<hbm>> -> memref<1x1x128xi32, #tpu.memory_space<hbm>>
        %dma_wait3A_206 = tpu.memref_squeeze %dma_wait3A_205 : memref<1x1x128xi32, #tpu.memory_space<hbm>> -> memref<128xi32, #tpu.memory_space<hbm>>
        tpu.wait_dma2 semaphore(%run_scoped3A_182 : memref<!tpu.dma_semaphore, #tpu.memory_space<semaphore_mem>>) src(%dma_wait3A_206 : memref<128xi32, #tpu.memory_space<hbm>>) dst(%dma_wait3A_203 : memref<128xi32, #tpu.memory_space<vmem>>)
        tpu.yield
      }) : () -> ()
    } else {
    }
    %dma_wait3A = arith.constant 0 : i32
    %dma_wait3A_42 = tpu.memref_slice %arg15[%mul3A_10, %dma_wait3A] : memref<10240x16xf32, #tpu.memory_space<vmem_shared>> -> memref<640x16xf32, #tpu.memory_space<vmem_shared>>
    tpu.wait_dma2 semaphore(%arg17 : memref<!tpu.dma_semaphore, #tpu.memory_space<semaphore_mem>>) src(%arg4 : memref<640x16xf32, #tpu.memory_space<hbm>>) dst(%dma_wait3A_42 : memref<640x16xf32, #tpu.memory_space<vmem_shared>>)
    %dma_wait3A_43 = arith.constant 0 : i32
    %dma_wait3A_44 = arith.constant 0 : i32
    %dma_wait3A_45 = arith.constant 0 : i32
    %dma_wait3A_46 = tpu.memref_slice %arg9[%dma_wait3A_44, %dma_wait3A_45] : memref<79x128xi32, #tpu.memory_space<vmem>> -> memref<78x128xi32, #tpu.memory_space<vmem>>
    %dma_wait3A_47 = arith.constant 0 : i32
    %dma_wait3A_48 = tpu.memref_slice %arg2[%dma_wait3A_43, %add3A_4, %dma_wait3A_47] : memref<2x2500x128xi32, #tpu.memory_space<hbm>> -> memref<1x78x128xi32, #tpu.memory_space<hbm>>
    %dma_wait3A_49 = tpu.memref_squeeze %dma_wait3A_48 : memref<1x78x128xi32, #tpu.memory_space<hbm>> -> memref<78x128xi32, #tpu.memory_space<hbm>>
    %dma_wait3A_50 = arith.constant 0 : i32
    %dma_wait3A_51 = arith.constant 0 : i32
    %dma_wait3A_52 = tpu.memref_slice %arg9[%dma_wait3A_50, %dma_wait3A_51] : memref<79x128xi32, #tpu.memory_space<vmem>> -> memref<78x128xi32, #tpu.memory_space<vmem>>
    %dma_wait3A_53 = arith.constant 0 : i32
    %dma_wait3A_54 = tpu.memref_slice %arg2[%dma_wait3A_43, %add3A_4, %dma_wait3A_53] : memref<2x2500x128xi32, #tpu.memory_space<hbm>> -> memref<1x78x128xi32, #tpu.memory_space<hbm>>
    %dma_wait3A_55 = tpu.memref_squeeze %dma_wait3A_54 : memref<1x78x128xi32, #tpu.memory_space<hbm>> -> memref<78x128xi32, #tpu.memory_space<hbm>>
    tpu.wait_dma2 semaphore(%arg17 : memref<!tpu.dma_semaphore, #tpu.memory_space<semaphore_mem>>) src(%dma_wait3A_55 : memref<78x128xi32, #tpu.memory_space<hbm>>) dst(%dma_wait3A_52 : memref<78x128xi32, #tpu.memory_space<vmem>>)
    %dma_wait3A_56 = arith.constant 1 : i32
    %dma_wait3A_57 = arith.constant 0 : i32
    %dma_wait3A_58 = arith.constant 0 : i32
    %dma_wait3A_59 = tpu.memref_slice %arg10[%dma_wait3A_57, %dma_wait3A_58] : memref<79x128xi32, #tpu.memory_space<vmem>> -> memref<78x128xi32, #tpu.memory_space<vmem>>
    %dma_wait3A_60 = arith.constant 0 : i32
    %dma_wait3A_61 = tpu.memref_slice %arg2[%dma_wait3A_56, %add3A_4, %dma_wait3A_60] : memref<2x2500x128xi32, #tpu.memory_space<hbm>> -> memref<1x78x128xi32, #tpu.memory_space<hbm>>
    %dma_wait3A_62 = tpu.memref_squeeze %dma_wait3A_61 : memref<1x78x128xi32, #tpu.memory_space<hbm>> -> memref<78x128xi32, #tpu.memory_space<hbm>>
    %dma_wait3A_63 = arith.constant 0 : i32
    %dma_wait3A_64 = arith.constant 0 : i32
    %dma_wait3A_65 = tpu.memref_slice %arg10[%dma_wait3A_63, %dma_wait3A_64] : memref<79x128xi32, #tpu.memory_space<vmem>> -> memref<78x128xi32, #tpu.memory_space<vmem>>
    %dma_wait3A_66 = arith.constant 0 : i32
    %dma_wait3A_67 = tpu.memref_slice %arg2[%dma_wait3A_56, %add3A_4, %dma_wait3A_66] : memref<2x2500x128xi32, #tpu.memory_space<hbm>> -> memref<1x78x128xi32, #tpu.memory_space<hbm>>
    %dma_wait3A_68 = tpu.memref_squeeze %dma_wait3A_67 : memref<1x78x128xi32, #tpu.memory_space<hbm>> -> memref<78x128xi32, #tpu.memory_space<hbm>>
    tpu.wait_dma2 semaphore(%arg17 : memref<!tpu.dma_semaphore, #tpu.memory_space<semaphore_mem>>) src(%dma_wait3A_68 : memref<78x128xi32, #tpu.memory_space<hbm>>) dst(%dma_wait3A_65 : memref<78x128xi32, #tpu.memory_space<vmem>>)
    %dma_wait3A_69 = tpu.memref_slice %arg16[%mul3A_10] : memref<10240xf32, #tpu.memory_space<vmem_shared>> -> memref<640xf32, #tpu.memory_space<vmem_shared>>
    tpu.wait_dma2 semaphore(%arg17 : memref<!tpu.dma_semaphore, #tpu.memory_space<semaphore_mem>>) src(%arg5 : memref<640xf32, #tpu.memory_space<hbm>>) dst(%dma_wait3A_69 : memref<640xf32, #tpu.memory_space<vmem_shared>>)
    tpu.wait_dma2 semaphore(%arg17 : memref<!tpu.dma_semaphore, #tpu.memory_space<semaphore_mem>>) src(%arg6 : memref<128xf32, #tpu.memory_space<hbm>>) dst(%arg12 : memref<128xf32, #tpu.memory_space<vmem>>)
    %barrier3A = arith.constant 0 : index
    tpu.barrier barrier_id(%barrier3A)
    %gt3A = arith.constant 0 : i32
    %gt3A_70 = arith.cmpi sgt, %add3A_8, %gt3A : i32
    %convert_element_type3A_71 = arith.extui %gt3A_70 : i1 to i32
    %cond3A_72 = arith.constant 0 : i32
    %cond3A_73 = arith.cmpi ne, %convert_element_type3A_71, %cond3A_72 : i32
    scf.if %cond3A_73 {
      %dma_start3A_175 = arith.constant 0 : i32
      %dma_start3A_176 = arith.constant 0 : i32
      %dma_start3A_177 = arith.constant 0 : i32
      %dma_start3A_178 = tpu.memref_slice %arg11[%dma_start3A_176, %dma_start3A_177] : memref<4096x16xf32, #tpu.memory_space<vmem>> -> memref<128x16xf32, #tpu.memory_space<vmem>>
      %dma_start3A_179 = arith.constant 0 : i32
      %dma_start3A_180 = tpu.memref_slice %arg9[%dma_start3A_175, %dma_start3A_179] : memref<79x128xi32, #tpu.memory_space<vmem>> -> memref<1x128xi32, #tpu.memory_space<vmem>>
      %dma_start3A_181 = tpu.memref_squeeze %dma_start3A_180 : memref<1x128xi32, #tpu.memory_space<vmem>> -> memref<128xi32, #tpu.memory_space<vmem>>
      %dma_start3A_182 = arith.constant 0 : i32
      %dma_start3A_183 = arith.constant 0 : i32
      %dma_start3A_184 = tpu.memref_slice %arg3[%dma_start3A_182, %dma_start3A_183] : memref<10240x16xf32, #tpu.memory_space<hbm>> -> memref<10240x16xf32, #tpu.memory_space<hbm>>
      tpu.enqueue_indirect_dma source(%dma_start3A_184 : memref<10240x16xf32, #tpu.memory_space<hbm>>) target(%dma_start3A_178 : memref<128x16xf32, #tpu.memory_space<vmem>>) offsets(%dma_start3A_181 : memref<128xi32, #tpu.memory_space<vmem>>) semaphore(%arg17 : memref<!tpu.dma_semaphore, #tpu.memory_space<semaphore_mem>>)
    } else {
    }
    %gt3A_74 = arith.constant 1 : i32
    %gt3A_75 = arith.cmpi sgt, %add3A_8, %gt3A_74 : i32
    %convert_element_type3A_76 = arith.extui %gt3A_75 : i1 to i32
    %cond3A_77 = arith.constant 0 : i32
    %cond3A_78 = arith.cmpi ne, %convert_element_type3A_76, %cond3A_77 : i32
    scf.if %cond3A_78 {
      %dma_start3A_175 = arith.constant 1 : i32
      %dma_start3A_176 = arith.constant 128 : i32
      %dma_start3A_177 = arith.constant 0 : i32
      %dma_start3A_178 = tpu.memref_slice %arg11[%dma_start3A_176, %dma_start3A_177] : memref<4096x16xf32, #tpu.memory_space<vmem>> -> memref<128x16xf32, #tpu.memory_space<vmem>>
      %dma_start3A_179 = arith.constant 0 : i32
      %dma_start3A_180 = tpu.memref_slice %arg9[%dma_start3A_175, %dma_start3A_179] : memref<79x128xi32, #tpu.memory_space<vmem>> -> memref<1x128xi32, #tpu.memory_space<vmem>>
      %dma_start3A_181 = tpu.memref_squeeze %dma_start3A_180 : memref<1x128xi32, #tpu.memory_space<vmem>> -> memref<128xi32, #tpu.memory_space<vmem>>
      %dma_start3A_182 = arith.constant 0 : i32
      %dma_start3A_183 = arith.constant 0 : i32
      %dma_start3A_184 = tpu.memref_slice %arg3[%dma_start3A_182, %dma_start3A_183] : memref<10240x16xf32, #tpu.memory_space<hbm>> -> memref<10240x16xf32, #tpu.memory_space<hbm>>
      tpu.enqueue_indirect_dma source(%dma_start3A_184 : memref<10240x16xf32, #tpu.memory_space<hbm>>) target(%dma_start3A_178 : memref<128x16xf32, #tpu.memory_space<vmem>>) offsets(%dma_start3A_181 : memref<128xi32, #tpu.memory_space<vmem>>) semaphore(%arg17 : memref<!tpu.dma_semaphore, #tpu.memory_space<semaphore_mem>>)
    } else {
    }
    %gt3A_79 = arith.constant 2 : i32
    %gt3A_80 = arith.cmpi sgt, %add3A_8, %gt3A_79 : i32
    %convert_element_type3A_81 = arith.extui %gt3A_80 : i1 to i32
    %cond3A_82 = arith.constant 0 : i32
    %cond3A_83 = arith.cmpi ne, %convert_element_type3A_81, %cond3A_82 : i32
    scf.if %cond3A_83 {
      %dma_start3A_175 = arith.constant 2 : i32
      %dma_start3A_176 = arith.constant 256 : i32
      %dma_start3A_177 = arith.constant 0 : i32
      %dma_start3A_178 = tpu.memref_slice %arg11[%dma_start3A_176, %dma_start3A_177] : memref<4096x16xf32, #tpu.memory_space<vmem>> -> memref<128x16xf32, #tpu.memory_space<vmem>>
      %dma_start3A_179 = arith.constant 0 : i32
      %dma_start3A_180 = tpu.memref_slice %arg9[%dma_start3A_175, %dma_start3A_179] : memref<79x128xi32, #tpu.memory_space<vmem>> -> memref<1x128xi32, #tpu.memory_space<vmem>>
      %dma_start3A_181 = tpu.memref_squeeze %dma_start3A_180 : memref<1x128xi32, #tpu.memory_space<vmem>> -> memref<128xi32, #tpu.memory_space<vmem>>
      %dma_start3A_182 = arith.constant 0 : i32
      %dma_start3A_183 = arith.constant 0 : i32
      %dma_start3A_184 = tpu.memref_slice %arg3[%dma_start3A_182, %dma_start3A_183] : memref<10240x16xf32, #tpu.memory_space<hbm>> -> memref<10240x16xf32, #tpu.memory_space<hbm>>
      tpu.enqueue_indirect_dma source(%dma_start3A_184 : memref<10240x16xf32, #tpu.memory_space<hbm>>) target(%dma_start3A_178 : memref<128x16xf32, #tpu.memory_space<vmem>>) offsets(%dma_start3A_181 : memref<128xi32, #tpu.memory_space<vmem>>) semaphore(%arg17 : memref<!tpu.dma_semaphore, #tpu.memory_space<semaphore_mem>>)
    } else {
    }
    %gt3A_84 = arith.constant 3 : i32
    %gt3A_85 = arith.cmpi sgt, %add3A_8, %gt3A_84 : i32
    %convert_element_type3A_86 = arith.extui %gt3A_85 : i1 to i32
    %cond3A_87 = arith.constant 0 : i32
    %cond3A_88 = arith.cmpi ne, %convert_element_type3A_86, %cond3A_87 : i32
    scf.if %cond3A_88 {
      %dma_start3A_175 = arith.constant 3 : i32
      %dma_start3A_176 = arith.constant 384 : i32
      %dma_start3A_177 = arith.constant 0 : i32
      %dma_start3A_178 = tpu.memref_slice %arg11[%dma_start3A_176, %dma_start3A_177] : memref<4096x16xf32, #tpu.memory_space<vmem>> -> memref<128x16xf32, #tpu.memory_space<vmem>>
      %dma_start3A_179 = arith.constant 0 : i32
      %dma_start3A_180 = tpu.memref_slice %arg9[%dma_start3A_175, %dma_start3A_179] : memref<79x128xi32, #tpu.memory_space<vmem>> -> memref<1x128xi32, #tpu.memory_space<vmem>>
      %dma_start3A_181 = tpu.memref_squeeze %dma_start3A_180 : memref<1x128xi32, #tpu.memory_space<vmem>> -> memref<128xi32, #tpu.memory_space<vmem>>
      %dma_start3A_182 = arith.constant 0 : i32
      %dma_start3A_183 = arith.constant 0 : i32
      %dma_start3A_184 = tpu.memref_slice %arg3[%dma_start3A_182, %dma_start3A_183] : memref<10240x16xf32, #tpu.memory_space<hbm>> -> memref<10240x16xf32, #tpu.memory_space<hbm>>
      tpu.enqueue_indirect_dma source(%dma_start3A_184 : memref<10240x16xf32, #tpu.memory_space<hbm>>) target(%dma_start3A_178 : memref<128x16xf32, #tpu.memory_space<vmem>>) offsets(%dma_start3A_181 : memref<128xi32, #tpu.memory_space<vmem>>) semaphore(%arg17 : memref<!tpu.dma_semaphore, #tpu.memory_space<semaphore_mem>>)
    } else {
    }
    %gt3A_89 = arith.constant 4 : i32
    %gt3A_90 = arith.cmpi sgt, %add3A_8, %gt3A_89 : i32
    %convert_element_type3A_91 = arith.extui %gt3A_90 : i1 to i32
    %cond3A_92 = arith.constant 0 : i32
    %cond3A_93 = arith.cmpi ne, %convert_element_type3A_91, %cond3A_92 : i32
    scf.if %cond3A_93 {
      %dma_start3A_175 = arith.constant 4 : i32
      %dma_start3A_176 = arith.constant 512 : i32
      %dma_start3A_177 = arith.constant 0 : i32
      %dma_start3A_178 = tpu.memref_slice %arg11[%dma_start3A_176, %dma_start3A_177] : memref<4096x16xf32, #tpu.memory_space<vmem>> -> memref<128x16xf32, #tpu.memory_space<vmem>>
      %dma_start3A_179 = arith.constant 0 : i32
      %dma_start3A_180 = tpu.memref_slice %arg9[%dma_start3A_175, %dma_start3A_179] : memref<79x128xi32, #tpu.memory_space<vmem>> -> memref<1x128xi32, #tpu.memory_space<vmem>>
      %dma_start3A_181 = tpu.memref_squeeze %dma_start3A_180 : memref<1x128xi32, #tpu.memory_space<vmem>> -> memref<128xi32, #tpu.memory_space<vmem>>
      %dma_start3A_182 = arith.constant 0 : i32
      %dma_start3A_183 = arith.constant 0 : i32
      %dma_start3A_184 = tpu.memref_slice %arg3[%dma_start3A_182, %dma_start3A_183] : memref<10240x16xf32, #tpu.memory_space<hbm>> -> memref<10240x16xf32, #tpu.memory_space<hbm>>
      tpu.enqueue_indirect_dma source(%dma_start3A_184 : memref<10240x16xf32, #tpu.memory_space<hbm>>) target(%dma_start3A_178 : memref<128x16xf32, #tpu.memory_space<vmem>>) offsets(%dma_start3A_181 : memref<128xi32, #tpu.memory_space<vmem>>) semaphore(%arg17 : memref<!tpu.dma_semaphore, #tpu.memory_space<semaphore_mem>>)
    } else {
    }
    %gt3A_94 = arith.constant 5 : i32
    %gt3A_95 = arith.cmpi sgt, %add3A_8, %gt3A_94 : i32
    %convert_element_type3A_96 = arith.extui %gt3A_95 : i1 to i32
    %cond3A_97 = arith.constant 0 : i32
    %cond3A_98 = arith.cmpi ne, %convert_element_type3A_96, %cond3A_97 : i32
    scf.if %cond3A_98 {
      %dma_start3A_175 = arith.constant 5 : i32
      %dma_start3A_176 = arith.constant 640 : i32
      %dma_start3A_177 = arith.constant 0 : i32
      %dma_start3A_178 = tpu.memref_slice %arg11[%dma_start3A_176, %dma_start3A_177] : memref<4096x16xf32, #tpu.memory_space<vmem>> -> memref<128x16xf32, #tpu.memory_space<vmem>>
      %dma_start3A_179 = arith.constant 0 : i32
      %dma_start3A_180 = tpu.memref_slice %arg9[%dma_start3A_175, %dma_start3A_179] : memref<79x128xi32, #tpu.memory_space<vmem>> -> memref<1x128xi32, #tpu.memory_space<vmem>>
      %dma_start3A_181 = tpu.memref_squeeze %dma_start3A_180 : memref<1x128xi32, #tpu.memory_space<vmem>> -> memref<128xi32, #tpu.memory_space<vmem>>
      %dma_start3A_182 = arith.constant 0 : i32
      %dma_start3A_183 = arith.constant 0 : i32
      %dma_start3A_184 = tpu.memref_slice %arg3[%dma_start3A_182, %dma_start3A_183] : memref<10240x16xf32, #tpu.memory_space<hbm>> -> memref<10240x16xf32, #tpu.memory_space<hbm>>
      tpu.enqueue_indirect_dma source(%dma_start3A_184 : memref<10240x16xf32, #tpu.memory_space<hbm>>) target(%dma_start3A_178 : memref<128x16xf32, #tpu.memory_space<vmem>>) offsets(%dma_start3A_181 : memref<128xi32, #tpu.memory_space<vmem>>) semaphore(%arg17 : memref<!tpu.dma_semaphore, #tpu.memory_space<semaphore_mem>>)
    } else {
    }
    %gt3A_99 = arith.constant 6 : i32
    %gt3A_100 = arith.cmpi sgt, %add3A_8, %gt3A_99 : i32
    %convert_element_type3A_101 = arith.extui %gt3A_100 : i1 to i32
    %cond3A_102 = arith.constant 0 : i32
    %cond3A_103 = arith.cmpi ne, %convert_element_type3A_101, %cond3A_102 : i32
    scf.if %cond3A_103 {
      %dma_start3A_175 = arith.constant 6 : i32
      %dma_start3A_176 = arith.constant 768 : i32
      %dma_start3A_177 = arith.constant 0 : i32
      %dma_start3A_178 = tpu.memref_slice %arg11[%dma_start3A_176, %dma_start3A_177] : memref<4096x16xf32, #tpu.memory_space<vmem>> -> memref<128x16xf32, #tpu.memory_space<vmem>>
      %dma_start3A_179 = arith.constant 0 : i32
      %dma_start3A_180 = tpu.memref_slice %arg9[%dma_start3A_175, %dma_start3A_179] : memref<79x128xi32, #tpu.memory_space<vmem>> -> memref<1x128xi32, #tpu.memory_space<vmem>>
      %dma_start3A_181 = tpu.memref_squeeze %dma_start3A_180 : memref<1x128xi32, #tpu.memory_space<vmem>> -> memref<128xi32, #tpu.memory_space<vmem>>
      %dma_start3A_182 = arith.constant 0 : i32
      %dma_start3A_183 = arith.constant 0 : i32
      %dma_start3A_184 = tpu.memref_slice %arg3[%dma_start3A_182, %dma_start3A_183] : memref<10240x16xf32, #tpu.memory_space<hbm>> -> memref<10240x16xf32, #tpu.memory_space<hbm>>
      tpu.enqueue_indirect_dma source(%dma_start3A_184 : memref<10240x16xf32, #tpu.memory_space<hbm>>) target(%dma_start3A_178 : memref<128x16xf32, #tpu.memory_space<vmem>>) offsets(%dma_start3A_181 : memref<128xi32, #tpu.memory_space<vmem>>) semaphore(%arg17 : memref<!tpu.dma_semaphore, #tpu.memory_space<semaphore_mem>>)
    } else {
    }
    %gt3A_104 = arith.constant 7 : i32
    %gt3A_105 = arith.cmpi sgt, %add3A_8, %gt3A_104 : i32
    %convert_element_type3A_106 = arith.extui %gt3A_105 : i1 to i32
    %cond3A_107 = arith.constant 0 : i32
    %cond3A_108 = arith.cmpi ne, %convert_element_type3A_106, %cond3A_107 : i32
    scf.if %cond3A_108 {
      %dma_start3A_175 = arith.constant 7 : i32
      %dma_start3A_176 = arith.constant 896 : i32
      %dma_start3A_177 = arith.constant 0 : i32
      %dma_start3A_178 = tpu.memref_slice %arg11[%dma_start3A_176, %dma_start3A_177] : memref<4096x16xf32, #tpu.memory_space<vmem>> -> memref<128x16xf32, #tpu.memory_space<vmem>>
      %dma_start3A_179 = arith.constant 0 : i32
      %dma_start3A_180 = tpu.memref_slice %arg9[%dma_start3A_175, %dma_start3A_179] : memref<79x128xi32, #tpu.memory_space<vmem>> -> memref<1x128xi32, #tpu.memory_space<vmem>>
      %dma_start3A_181 = tpu.memref_squeeze %dma_start3A_180 : memref<1x128xi32, #tpu.memory_space<vmem>> -> memref<128xi32, #tpu.memory_space<vmem>>
      %dma_start3A_182 = arith.constant 0 : i32
      %dma_start3A_183 = arith.constant 0 : i32
      %dma_start3A_184 = tpu.memref_slice %arg3[%dma_start3A_182, %dma_start3A_183] : memref<10240x16xf32, #tpu.memory_space<hbm>> -> memref<10240x16xf32, #tpu.memory_space<hbm>>
      tpu.enqueue_indirect_dma source(%dma_start3A_184 : memref<10240x16xf32, #tpu.memory_space<hbm>>) target(%dma_start3A_178 : memref<128x16xf32, #tpu.memory_space<vmem>>) offsets(%dma_start3A_181 : memref<128xi32, #tpu.memory_space<vmem>>) semaphore(%arg17 : memref<!tpu.dma_semaphore, #tpu.memory_space<semaphore_mem>>)
    } else {
    }
    %gt3A_109 = arith.constant 8 : i32
    %gt3A_110 = arith.cmpi sgt, %add3A_8, %gt3A_109 : i32
    %convert_element_type3A_111 = arith.extui %gt3A_110 : i1 to i32
    %cond3A_112 = arith.constant 0 : i32
    %cond3A_113 = arith.cmpi ne, %convert_element_type3A_111, %cond3A_112 : i32
    scf.if %cond3A_113 {
      %dma_start3A_175 = arith.constant 8 : i32
      %dma_start3A_176 = arith.constant 1024 : i32
      %dma_start3A_177 = arith.constant 0 : i32
      %dma_start3A_178 = tpu.memref_slice %arg11[%dma_start3A_176, %dma_start3A_177] : memref<4096x16xf32, #tpu.memory_space<vmem>> -> memref<128x16xf32, #tpu.memory_space<vmem>>
      %dma_start3A_179 = arith.constant 0 : i32
      %dma_start3A_180 = tpu.memref_slice %arg9[%dma_start3A_175, %dma_start3A_179] : memref<79x128xi32, #tpu.memory_space<vmem>> -> memref<1x128xi32, #tpu.memory_space<vmem>>
      %dma_start3A_181 = tpu.memref_squeeze %dma_start3A_180 : memref<1x128xi32, #tpu.memory_space<vmem>> -> memref<128xi32, #tpu.memory_space<vmem>>
      %dma_start3A_182 = arith.constant 0 : i32
      %dma_start3A_183 = arith.constant 0 : i32
      %dma_start3A_184 = tpu.memref_slice %arg3[%dma_start3A_182, %dma_start3A_183] : memref<10240x16xf32, #tpu.memory_space<hbm>> -> memref<10240x16xf32, #tpu.memory_space<hbm>>
      tpu.enqueue_indirect_dma source(%dma_start3A_184 : memref<10240x16xf32, #tpu.memory_space<hbm>>) target(%dma_start3A_178 : memref<128x16xf32, #tpu.memory_space<vmem>>) offsets(%dma_start3A_181 : memref<128xi32, #tpu.memory_space<vmem>>) semaphore(%arg17 : memref<!tpu.dma_semaphore, #tpu.memory_space<semaphore_mem>>)
    } else {
    }
    %gt3A_114 = arith.constant 9 : i32
    %gt3A_115 = arith.cmpi sgt, %add3A_8, %gt3A_114 : i32
    %convert_element_type3A_116 = arith.extui %gt3A_115 : i1 to i32
    %cond3A_117 = arith.constant 0 : i32
    %cond3A_118 = arith.cmpi ne, %convert_element_type3A_116, %cond3A_117 : i32
    scf.if %cond3A_118 {
      %dma_start3A_175 = arith.constant 9 : i32
      %dma_start3A_176 = arith.constant 1152 : i32
      %dma_start3A_177 = arith.constant 0 : i32
      %dma_start3A_178 = tpu.memref_slice %arg11[%dma_start3A_176, %dma_start3A_177] : memref<4096x16xf32, #tpu.memory_space<vmem>> -> memref<128x16xf32, #tpu.memory_space<vmem>>
      %dma_start3A_179 = arith.constant 0 : i32
      %dma_start3A_180 = tpu.memref_slice %arg9[%dma_start3A_175, %dma_start3A_179] : memref<79x128xi32, #tpu.memory_space<vmem>> -> memref<1x128xi32, #tpu.memory_space<vmem>>
      %dma_start3A_181 = tpu.memref_squeeze %dma_start3A_180 : memref<1x128xi32, #tpu.memory_space<vmem>> -> memref<128xi32, #tpu.memory_space<vmem>>
      %dma_start3A_182 = arith.constant 0 : i32
      %dma_start3A_183 = arith.constant 0 : i32
      %dma_start3A_184 = tpu.memref_slice %arg3[%dma_start3A_182, %dma_start3A_183] : memref<10240x16xf32, #tpu.memory_space<hbm>> -> memref<10240x16xf32, #tpu.memory_space<hbm>>
      tpu.enqueue_indirect_dma source(%dma_start3A_184 : memref<10240x16xf32, #tpu.memory_space<hbm>>) target(%dma_start3A_178 : memref<128x16xf32, #tpu.memory_space<vmem>>) offsets(%dma_start3A_181 : memref<128xi32, #tpu.memory_space<vmem>>) semaphore(%arg17 : memref<!tpu.dma_semaphore, #tpu.memory_space<semaphore_mem>>)
    } else {
    }
    %gt3A_119 = arith.constant 10 : i32
    %gt3A_120 = arith.cmpi sgt, %add3A_8, %gt3A_119 : i32
    %convert_element_type3A_121 = arith.extui %gt3A_120 : i1 to i32
    %cond3A_122 = arith.constant 0 : i32
    %cond3A_123 = arith.cmpi ne, %convert_element_type3A_121, %cond3A_122 : i32
    scf.if %cond3A_123 {
      %dma_start3A_175 = arith.constant 10 : i32
      %dma_start3A_176 = arith.constant 1280 : i32
      %dma_start3A_177 = arith.constant 0 : i32
      %dma_start3A_178 = tpu.memref_slice %arg11[%dma_start3A_176, %dma_start3A_177] : memref<4096x16xf32, #tpu.memory_space<vmem>> -> memref<128x16xf32, #tpu.memory_space<vmem>>
      %dma_start3A_179 = arith.constant 0 : i32
      %dma_start3A_180 = tpu.memref_slice %arg9[%dma_start3A_175, %dma_start3A_179] : memref<79x128xi32, #tpu.memory_space<vmem>> -> memref<1x128xi32, #tpu.memory_space<vmem>>
      %dma_start3A_181 = tpu.memref_squeeze %dma_start3A_180 : memref<1x128xi32, #tpu.memory_space<vmem>> -> memref<128xi32, #tpu.memory_space<vmem>>
      %dma_start3A_182 = arith.constant 0 : i32
      %dma_start3A_183 = arith.constant 0 : i32
      %dma_start3A_184 = tpu.memref_slice %arg3[%dma_start3A_182, %dma_start3A_183] : memref<10240x16xf32, #tpu.memory_space<hbm>> -> memref<10240x16xf32, #tpu.memory_space<hbm>>
      tpu.enqueue_indirect_dma source(%dma_start3A_184 : memref<10240x16xf32, #tpu.memory_space<hbm>>) target(%dma_start3A_178 : memref<128x16xf32, #tpu.memory_space<vmem>>) offsets(%dma_start3A_181 : memref<128xi32, #tpu.memory_space<vmem>>) semaphore(%arg17 : memref<!tpu.dma_semaphore, #tpu.memory_space<semaphore_mem>>)
    } else {
    }
    %gt3A_124 = arith.constant 11 : i32
    %gt3A_125 = arith.cmpi sgt, %add3A_8, %gt3A_124 : i32
    %convert_element_type3A_126 = arith.extui %gt3A_125 : i1 to i32
    %cond3A_127 = arith.constant 0 : i32
    %cond3A_128 = arith.cmpi ne, %convert_element_type3A_126, %cond3A_127 : i32
    scf.if %cond3A_128 {
      %dma_start3A_175 = arith.constant 11 : i32
      %dma_start3A_176 = arith.constant 1408 : i32
      %dma_start3A_177 = arith.constant 0 : i32
      %dma_start3A_178 = tpu.memref_slice %arg11[%dma_start3A_176, %dma_start3A_177] : memref<4096x16xf32, #tpu.memory_space<vmem>> -> memref<128x16xf32, #tpu.memory_space<vmem>>
      %dma_start3A_179 = arith.constant 0 : i32
      %dma_start3A_180 = tpu.memref_slice %arg9[%dma_start3A_175, %dma_start3A_179] : memref<79x128xi32, #tpu.memory_space<vmem>> -> memref<1x128xi32, #tpu.memory_space<vmem>>
      %dma_start3A_181 = tpu.memref_squeeze %dma_start3A_180 : memref<1x128xi32, #tpu.memory_space<vmem>> -> memref<128xi32, #tpu.memory_space<vmem>>
      %dma_start3A_182 = arith.constant 0 : i32
      %dma_start3A_183 = arith.constant 0 : i32
      %dma_start3A_184 = tpu.memref_slice %arg3[%dma_start3A_182, %dma_start3A_183] : memref<10240x16xf32, #tpu.memory_space<hbm>> -> memref<10240x16xf32, #tpu.memory_space<hbm>>
      tpu.enqueue_indirect_dma source(%dma_start3A_184 : memref<10240x16xf32, #tpu.memory_space<hbm>>) target(%dma_start3A_178 : memref<128x16xf32, #tpu.memory_space<vmem>>) offsets(%dma_start3A_181 : memref<128xi32, #tpu.memory_space<vmem>>) semaphore(%arg17 : memref<!tpu.dma_semaphore, #tpu.memory_space<semaphore_mem>>)
    } else {
    }
    %gt3A_129 = arith.constant 12 : i32
    %gt3A_130 = arith.cmpi sgt, %add3A_8, %gt3A_129 : i32
    %convert_element_type3A_131 = arith.extui %gt3A_130 : i1 to i32
    %cond3A_132 = arith.constant 0 : i32
    %cond3A_133 = arith.cmpi ne, %convert_element_type3A_131, %cond3A_132 : i32
    scf.if %cond3A_133 {
      %dma_start3A_175 = arith.constant 12 : i32
      %dma_start3A_176 = arith.constant 1536 : i32
      %dma_start3A_177 = arith.constant 0 : i32
      %dma_start3A_178 = tpu.memref_slice %arg11[%dma_start3A_176, %dma_start3A_177] : memref<4096x16xf32, #tpu.memory_space<vmem>> -> memref<128x16xf32, #tpu.memory_space<vmem>>
      %dma_start3A_179 = arith.constant 0 : i32
      %dma_start3A_180 = tpu.memref_slice %arg9[%dma_start3A_175, %dma_start3A_179] : memref<79x128xi32, #tpu.memory_space<vmem>> -> memref<1x128xi32, #tpu.memory_space<vmem>>
      %dma_start3A_181 = tpu.memref_squeeze %dma_start3A_180 : memref<1x128xi32, #tpu.memory_space<vmem>> -> memref<128xi32, #tpu.memory_space<vmem>>
      %dma_start3A_182 = arith.constant 0 : i32
      %dma_start3A_183 = arith.constant 0 : i32
      %dma_start3A_184 = tpu.memref_slice %arg3[%dma_start3A_182, %dma_start3A_183] : memref<10240x16xf32, #tpu.memory_space<hbm>> -> memref<10240x16xf32, #tpu.memory_space<hbm>>
      tpu.enqueue_indirect_dma source(%dma_start3A_184 : memref<10240x16xf32, #tpu.memory_space<hbm>>) target(%dma_start3A_178 : memref<128x16xf32, #tpu.memory_space<vmem>>) offsets(%dma_start3A_181 : memref<128xi32, #tpu.memory_space<vmem>>) semaphore(%arg17 : memref<!tpu.dma_semaphore, #tpu.memory_space<semaphore_mem>>)
    } else {
    }
    %gt3A_134 = arith.constant 13 : i32
    %gt3A_135 = arith.cmpi sgt, %add3A_8, %gt3A_134 : i32
    %convert_element_type3A_136 = arith.extui %gt3A_135 : i1 to i32
    %cond3A_137 = arith.constant 0 : i32
    %cond3A_138 = arith.cmpi ne, %convert_element_type3A_136, %cond3A_137 : i32
    scf.if %cond3A_138 {
      %dma_start3A_175 = arith.constant 13 : i32
      %dma_start3A_176 = arith.constant 1664 : i32
      %dma_start3A_177 = arith.constant 0 : i32
      %dma_start3A_178 = tpu.memref_slice %arg11[%dma_start3A_176, %dma_start3A_177] : memref<4096x16xf32, #tpu.memory_space<vmem>> -> memref<128x16xf32, #tpu.memory_space<vmem>>
      %dma_start3A_179 = arith.constant 0 : i32
      %dma_start3A_180 = tpu.memref_slice %arg9[%dma_start3A_175, %dma_start3A_179] : memref<79x128xi32, #tpu.memory_space<vmem>> -> memref<1x128xi32, #tpu.memory_space<vmem>>
      %dma_start3A_181 = tpu.memref_squeeze %dma_start3A_180 : memref<1x128xi32, #tpu.memory_space<vmem>> -> memref<128xi32, #tpu.memory_space<vmem>>
      %dma_start3A_182 = arith.constant 0 : i32
      %dma_start3A_183 = arith.constant 0 : i32
      %dma_start3A_184 = tpu.memref_slice %arg3[%dma_start3A_182, %dma_start3A_183] : memref<10240x16xf32, #tpu.memory_space<hbm>> -> memref<10240x16xf32, #tpu.memory_space<hbm>>
      tpu.enqueue_indirect_dma source(%dma_start3A_184 : memref<10240x16xf32, #tpu.memory_space<hbm>>) target(%dma_start3A_178 : memref<128x16xf32, #tpu.memory_space<vmem>>) offsets(%dma_start3A_181 : memref<128xi32, #tpu.memory_space<vmem>>) semaphore(%arg17 : memref<!tpu.dma_semaphore, #tpu.memory_space<semaphore_mem>>)
    } else {
    }
    %gt3A_139 = arith.constant 14 : i32
    %gt3A_140 = arith.cmpi sgt, %add3A_8, %gt3A_139 : i32
    %convert_element_type3A_141 = arith.extui %gt3A_140 : i1 to i32
    %cond3A_142 = arith.constant 0 : i32
    %cond3A_143 = arith.cmpi ne, %convert_element_type3A_141, %cond3A_142 : i32
    scf.if %cond3A_143 {
      %dma_start3A_175 = arith.constant 14 : i32
      %dma_start3A_176 = arith.constant 1792 : i32
      %dma_start3A_177 = arith.constant 0 : i32
      %dma_start3A_178 = tpu.memref_slice %arg11[%dma_start3A_176, %dma_start3A_177] : memref<4096x16xf32, #tpu.memory_space<vmem>> -> memref<128x16xf32, #tpu.memory_space<vmem>>
      %dma_start3A_179 = arith.constant 0 : i32
      %dma_start3A_180 = tpu.memref_slice %arg9[%dma_start3A_175, %dma_start3A_179] : memref<79x128xi32, #tpu.memory_space<vmem>> -> memref<1x128xi32, #tpu.memory_space<vmem>>
      %dma_start3A_181 = tpu.memref_squeeze %dma_start3A_180 : memref<1x128xi32, #tpu.memory_space<vmem>> -> memref<128xi32, #tpu.memory_space<vmem>>
      %dma_start3A_182 = arith.constant 0 : i32
      %dma_start3A_183 = arith.constant 0 : i32
      %dma_start3A_184 = tpu.memref_slice %arg3[%dma_start3A_182, %dma_start3A_183] : memref<10240x16xf32, #tpu.memory_space<hbm>> -> memref<10240x16xf32, #tpu.memory_space<hbm>>
      tpu.enqueue_indirect_dma source(%dma_start3A_184 : memref<10240x16xf32, #tpu.memory_space<hbm>>) target(%dma_start3A_178 : memref<128x16xf32, #tpu.memory_space<vmem>>) offsets(%dma_start3A_181 : memref<128xi32, #tpu.memory_space<vmem>>) semaphore(%arg17 : memref<!tpu.dma_semaphore, #tpu.memory_space<semaphore_mem>>)
    } else {
    }
    %gt3A_144 = arith.constant 15 : i32
    %gt3A_145 = arith.cmpi sgt, %add3A_8, %gt3A_144 : i32
    %convert_element_type3A_146 = arith.extui %gt3A_145 : i1 to i32
    %cond3A_147 = arith.constant 0 : i32
    %cond3A_148 = arith.cmpi ne, %convert_element_type3A_146, %cond3A_147 : i32
    scf.if %cond3A_148 {
      %dma_start3A_175 = arith.constant 15 : i32
      %dma_start3A_176 = arith.constant 1920 : i32
      %dma_start3A_177 = arith.constant 0 : i32
      %dma_start3A_178 = tpu.memref_slice %arg11[%dma_start3A_176, %dma_start3A_177] : memref<4096x16xf32, #tpu.memory_space<vmem>> -> memref<128x16xf32, #tpu.memory_space<vmem>>
      %dma_start3A_179 = arith.constant 0 : i32
      %dma_start3A_180 = tpu.memref_slice %arg9[%dma_start3A_175, %dma_start3A_179] : memref<79x128xi32, #tpu.memory_space<vmem>> -> memref<1x128xi32, #tpu.memory_space<vmem>>
      %dma_start3A_181 = tpu.memref_squeeze %dma_start3A_180 : memref<1x128xi32, #tpu.memory_space<vmem>> -> memref<128xi32, #tpu.memory_space<vmem>>
      %dma_start3A_182 = arith.constant 0 : i32
      %dma_start3A_183 = arith.constant 0 : i32
      %dma_start3A_184 = tpu.memref_slice %arg3[%dma_start3A_182, %dma_start3A_183] : memref<10240x16xf32, #tpu.memory_space<hbm>> -> memref<10240x16xf32, #tpu.memory_space<hbm>>
      tpu.enqueue_indirect_dma source(%dma_start3A_184 : memref<10240x16xf32, #tpu.memory_space<hbm>>) target(%dma_start3A_178 : memref<128x16xf32, #tpu.memory_space<vmem>>) offsets(%dma_start3A_181 : memref<128xi32, #tpu.memory_space<vmem>>) semaphore(%arg17 : memref<!tpu.dma_semaphore, #tpu.memory_space<semaphore_mem>>)
    } else {
    }
    %while3A = arith.constant 0 : i32
    %while3A_149 = arith.constant 0 : i32
    %while3A_150 = arith.subi %add3A_8, %while3A_149 : i32
    %while3A_151 = arith.addi %while3A_149, %while3A_150 : i32
    %while3A_152 = arith.constant 1 : i32
    %while3A_153 = arith.divsi %while3A_150, %while3A_152 : i32
    %while3A_154 = arith.muli %while3A_153, %while3A_152 : i32
    %while3A_155 = arith.addi %while3A_149, %while3A_154 : i32
    %while3A_156 = arith.constant 1 : i32
    scf.for %while3A_175 = %while3A_149 to %while3A_155 step %while3A_156  : i32 {
      %ge3A = arith.constant 16 : i32
      %ge3A_176 = arith.cmpi sge, %while3A_175, %ge3A : i32
      %convert_element_type3A_177 = arith.extui %ge3A_176 : i1 to i32
      %cond3A_178 = arith.constant 0 : i32
      %cond3A_179 = arith.cmpi ne, %convert_element_type3A_177, %cond3A_178 : i32
      scf.if %cond3A_179 {
        %sub3A_214 = arith.constant 16 : i32
        %sub3A_215 = arith.subi %while3A_175, %sub3A_214 : i32
        %rem3A_216 = arith.constant 32 : i32
        %rem3A_217 = arith.remsi %sub3A_215, %rem3A_216 : i32
        %mul3A_218 = arith.constant 128 : i32
        %mul3A_219 = arith.muli %rem3A_217, %mul3A_218 : i32
        %sub3A_220 = arith.constant 16 : i32
        %sub3A_221 = arith.subi %while3A_175, %sub3A_220 : i32
        %dma_wait3A_222 = arith.constant 0 : i32
        %dma_wait3A_223 = tpu.memref_slice %arg11[%mul3A_219, %dma_wait3A_222] : memref<4096x16xf32, #tpu.memory_space<vmem>> -> memref<128x16xf32, #tpu.memory_space<vmem>>
        %dma_wait3A_224 = arith.constant 0 : i32
        %dma_wait3A_225 = tpu.memref_slice %arg10[%sub3A_221, %dma_wait3A_224] : memref<79x128xi32, #tpu.memory_space<vmem>> -> memref<1x128xi32, #tpu.memory_space<vmem>>
        %dma_wait3A_226 = tpu.memref_squeeze %dma_wait3A_225 : memref<1x128xi32, #tpu.memory_space<vmem>> -> memref<128xi32, #tpu.memory_space<vmem>>
        %dma_wait3A_227 = arith.constant 0 : i32
        %dma_wait3A_228 = arith.constant 0 : i32
        %dma_wait3A_229 = tpu.memref_slice %arg15[%dma_wait3A_227, %dma_wait3A_228] : memref<10240x16xf32, #tpu.memory_space<vmem_shared>> -> memref<10240x16xf32, #tpu.memory_space<vmem_shared>>
        tpu.wait_indirect_dma semaphore(%arg18 : memref<!tpu.dma_semaphore, #tpu.memory_space<semaphore_mem>>) src(%dma_wait3A_223 : memref<128x16xf32, #tpu.memory_space<vmem>>) dst(%dma_wait3A_229 : memref<10240x16xf32, #tpu.memory_space<vmem_shared>>)
        %sub3A_230 = arith.constant 16 : i32
        %sub3A_231 = arith.subi %while3A_175, %sub3A_230 : i32
        %dma_wait3A_232 = arith.constant 0 : i32
        %dma_wait3A_233 = tpu.memref_slice %arg10[%sub3A_231, %dma_wait3A_232] : memref<79x128xi32, #tpu.memory_space<vmem>> -> memref<1x128xi32, #tpu.memory_space<vmem>>
        %dma_wait3A_234 = tpu.memref_squeeze %dma_wait3A_233 : memref<1x128xi32, #tpu.memory_space<vmem>> -> memref<128xi32, #tpu.memory_space<vmem>>
        %dma_wait3A_235 = arith.constant 0 : i32
        %dma_wait3A_236 = tpu.memref_slice %arg16[%dma_wait3A_235] : memref<10240xf32, #tpu.memory_space<vmem_shared>> -> memref<10240xf32, #tpu.memory_space<vmem_shared>>
        tpu.wait_indirect_dma semaphore(%arg19 : memref<!tpu.dma_semaphore, #tpu.memory_space<semaphore_mem>>) src(%arg12 : memref<128xf32, #tpu.memory_space<vmem>>) dst(%dma_wait3A_236 : memref<10240xf32, #tpu.memory_space<vmem_shared>>)
      } else {
      }
      %add3A_180 = arith.constant 16 : i32
      %add3A_181 = arith.addi %while3A_175, %add3A_180 : i32
      %lt3A_182 = arith.cmpi slt, %add3A_181, %add3A_8 : i32
      %convert_element_type3A_183 = arith.extui %lt3A_182 : i1 to i32
      %cond3A_184 = arith.constant 0 : i32
      %cond3A_185 = arith.cmpi ne, %convert_element_type3A_183, %cond3A_184 : i32
      scf.if %cond3A_185 {
        %add3A_214 = arith.constant 16 : i32
        %add3A_215 = arith.addi %while3A_175, %add3A_214 : i32
        %add3A_216 = arith.constant 16 : i32
        %add3A_217 = arith.addi %while3A_175, %add3A_216 : i32
        %rem3A_218 = arith.constant 32 : i32
        %rem3A_219 = arith.remsi %add3A_217, %rem3A_218 : i32
        %mul3A_220 = arith.constant 128 : i32
        %mul3A_221 = arith.muli %rem3A_219, %mul3A_220 : i32
        %dma_start3A_222 = arith.constant 0 : i32
        %dma_start3A_223 = tpu.memref_slice %arg11[%mul3A_221, %dma_start3A_222] : memref<4096x16xf32, #tpu.memory_space<vmem>> -> memref<128x16xf32, #tpu.memory_space<vmem>>
        %dma_start3A_224 = arith.constant 0 : i32
        %dma_start3A_225 = tpu.memref_slice %arg9[%add3A_215, %dma_start3A_224] : memref<79x128xi32, #tpu.memory_space<vmem>> -> memref<1x128xi32, #tpu.memory_space<vmem>>
        %dma_start3A_226 = tpu.memref_squeeze %dma_start3A_225 : memref<1x128xi32, #tpu.memory_space<vmem>> -> memref<128xi32, #tpu.memory_space<vmem>>
        %dma_start3A_227 = arith.constant 0 : i32
        %dma_start3A_228 = arith.constant 0 : i32
        %dma_start3A_229 = tpu.memref_slice %arg3[%dma_start3A_227, %dma_start3A_228] : memref<10240x16xf32, #tpu.memory_space<hbm>> -> memref<10240x16xf32, #tpu.memory_space<hbm>>
        tpu.enqueue_indirect_dma source(%dma_start3A_229 : memref<10240x16xf32, #tpu.memory_space<hbm>>) target(%dma_start3A_223 : memref<128x16xf32, #tpu.memory_space<vmem>>) offsets(%dma_start3A_226 : memref<128xi32, #tpu.memory_space<vmem>>) semaphore(%arg17 : memref<!tpu.dma_semaphore, #tpu.memory_space<semaphore_mem>>)
      } else {
      }
      %rem3A = arith.constant 32 : i32
      %rem3A_186 = arith.remsi %while3A_175, %rem3A : i32
      %mul3A_187 = arith.constant 128 : i32
      %mul3A_188 = arith.muli %rem3A_186, %mul3A_187 : i32
      %dma_wait3A_189 = arith.constant 0 : i32
      %dma_wait3A_190 = tpu.memref_slice %arg11[%mul3A_188, %dma_wait3A_189] : memref<4096x16xf32, #tpu.memory_space<vmem>> -> memref<128x16xf32, #tpu.memory_space<vmem>>
      %dma_wait3A_191 = arith.constant 0 : i32
      %dma_wait3A_192 = tpu.memref_slice %arg9[%while3A_175, %dma_wait3A_191] : memref<79x128xi32, #tpu.memory_space<vmem>> -> memref<1x128xi32, #tpu.memory_space<vmem>>
      %dma_wait3A_193 = tpu.memref_squeeze %dma_wait3A_192 : memref<1x128xi32, #tpu.memory_space<vmem>> -> memref<128xi32, #tpu.memory_space<vmem>>
      %dma_wait3A_194 = arith.constant 0 : i32
      %dma_wait3A_195 = arith.constant 0 : i32
      %dma_wait3A_196 = tpu.memref_slice %arg3[%dma_wait3A_194, %dma_wait3A_195] : memref<10240x16xf32, #tpu.memory_space<hbm>> -> memref<10240x16xf32, #tpu.memory_space<hbm>>
      tpu.wait_indirect_dma semaphore(%arg17 : memref<!tpu.dma_semaphore, #tpu.memory_space<semaphore_mem>>) src(%dma_wait3A_196 : memref<10240x16xf32, #tpu.memory_space<hbm>>) dst(%dma_wait3A_190 : memref<128x16xf32, #tpu.memory_space<vmem>>)
      %rem3A_197 = arith.constant 32 : i32
      %rem3A_198 = arith.remsi %while3A_175, %rem3A_197 : i32
      %mul3A_199 = arith.constant 128 : i32
      %mul3A_200 = arith.muli %rem3A_198, %mul3A_199 : i32
      %dma_start3A_201 = arith.constant 0 : i32
      %dma_start3A_202 = tpu.memref_slice %arg11[%mul3A_200, %dma_start3A_201] : memref<4096x16xf32, #tpu.memory_space<vmem>> -> memref<128x16xf32, #tpu.memory_space<vmem>>
      %dma_start3A_203 = arith.constant 0 : i32
      %dma_start3A_204 = tpu.memref_slice %arg10[%while3A_175, %dma_start3A_203] : memref<79x128xi32, #tpu.memory_space<vmem>> -> memref<1x128xi32, #tpu.memory_space<vmem>>
      %dma_start3A_205 = tpu.memref_squeeze %dma_start3A_204 : memref<1x128xi32, #tpu.memory_space<vmem>> -> memref<128xi32, #tpu.memory_space<vmem>>
      %dma_start3A_206 = arith.constant 0 : i32
      %dma_start3A_207 = arith.constant 0 : i32
      %dma_start3A_208 = tpu.memref_slice %arg15[%dma_start3A_206, %dma_start3A_207] : memref<10240x16xf32, #tpu.memory_space<vmem_shared>> -> memref<10240x16xf32, #tpu.memory_space<vmem_shared>>
      tpu.enqueue_indirect_dma source(%dma_start3A_202 : memref<128x16xf32, #tpu.memory_space<vmem>>) target(%dma_start3A_208 : memref<10240x16xf32, #tpu.memory_space<vmem_shared>>) offsets(%dma_start3A_205 : memref<128xi32, #tpu.memory_space<vmem>>) semaphore(%arg18 : memref<!tpu.dma_semaphore, #tpu.memory_space<semaphore_mem>>) {add = true}
      %dma_start3A_209 = arith.constant 0 : i32
      %dma_start3A_210 = tpu.memref_slice %arg10[%while3A_175, %dma_start3A_209] : memref<79x128xi32, #tpu.memory_space<vmem>> -> memref<1x128xi32, #tpu.memory_space<vmem>>
      %dma_start3A_211 = tpu.memref_squeeze %dma_start3A_210 : memref<1x128xi32, #tpu.memory_space<vmem>> -> memref<128xi32, #tpu.memory_space<vmem>>
      %dma_start3A_212 = arith.constant 0 : i32
      %dma_start3A_213 = tpu.memref_slice %arg16[%dma_start3A_212] : memref<10240xf32, #tpu.memory_space<vmem_shared>> -> memref<10240xf32, #tpu.memory_space<vmem_shared>>
      tpu.enqueue_indirect_dma source(%arg12 : memref<128xf32, #tpu.memory_space<vmem>>) target(%dma_start3A_213 : memref<10240xf32, #tpu.memory_space<vmem_shared>>) offsets(%dma_start3A_211 : memref<128xi32, #tpu.memory_space<vmem>>) semaphore(%arg19 : memref<!tpu.dma_semaphore, #tpu.memory_space<semaphore_mem>>) {add = true}
    }
    %while3A_157 = arith.constant 1 : i32
    scf.for %while3A_175 = %while3A_155 to %while3A_151 step %while3A_157  : i32 {
      %ge3A = arith.constant 16 : i32
      %ge3A_176 = arith.cmpi sge, %while3A_175, %ge3A : i32
      %convert_element_type3A_177 = arith.extui %ge3A_176 : i1 to i32
      %cond3A_178 = arith.constant 0 : i32
      %cond3A_179 = arith.cmpi ne, %convert_element_type3A_177, %cond3A_178 : i32
      scf.if %cond3A_179 {
        %sub3A_214 = arith.constant 16 : i32
        %sub3A_215 = arith.subi %while3A_175, %sub3A_214 : i32
        %rem3A_216 = arith.constant 32 : i32
        %rem3A_217 = arith.remsi %sub3A_215, %rem3A_216 : i32
        %mul3A_218 = arith.constant 128 : i32
        %mul3A_219 = arith.muli %rem3A_217, %mul3A_218 : i32
        %sub3A_220 = arith.constant 16 : i32
        %sub3A_221 = arith.subi %while3A_175, %sub3A_220 : i32
        %dma_wait3A_222 = arith.constant 0 : i32
        %dma_wait3A_223 = tpu.memref_slice %arg11[%mul3A_219, %dma_wait3A_222] : memref<4096x16xf32, #tpu.memory_space<vmem>> -> memref<128x16xf32, #tpu.memory_space<vmem>>
        %dma_wait3A_224 = arith.constant 0 : i32
        %dma_wait3A_225 = tpu.memref_slice %arg10[%sub3A_221, %dma_wait3A_224] : memref<79x128xi32, #tpu.memory_space<vmem>> -> memref<1x128xi32, #tpu.memory_space<vmem>>
        %dma_wait3A_226 = tpu.memref_squeeze %dma_wait3A_225 : memref<1x128xi32, #tpu.memory_space<vmem>> -> memref<128xi32, #tpu.memory_space<vmem>>
        %dma_wait3A_227 = arith.constant 0 : i32
        %dma_wait3A_228 = arith.constant 0 : i32
        %dma_wait3A_229 = tpu.memref_slice %arg15[%dma_wait3A_227, %dma_wait3A_228] : memref<10240x16xf32, #tpu.memory_space<vmem_shared>> -> memref<10240x16xf32, #tpu.memory_space<vmem_shared>>
        tpu.wait_indirect_dma semaphore(%arg18 : memref<!tpu.dma_semaphore, #tpu.memory_space<semaphore_mem>>) src(%dma_wait3A_223 : memref<128x16xf32, #tpu.memory_space<vmem>>) dst(%dma_wait3A_229 : memref<10240x16xf32, #tpu.memory_space<vmem_shared>>)
        %sub3A_230 = arith.constant 16 : i32
        %sub3A_231 = arith.subi %while3A_175, %sub3A_230 : i32
        %dma_wait3A_232 = arith.constant 0 : i32
        %dma_wait3A_233 = tpu.memref_slice %arg10[%sub3A_231, %dma_wait3A_232] : memref<79x128xi32, #tpu.memory_space<vmem>> -> memref<1x128xi32, #tpu.memory_space<vmem>>
        %dma_wait3A_234 = tpu.memref_squeeze %dma_wait3A_233 : memref<1x128xi32, #tpu.memory_space<vmem>> -> memref<128xi32, #tpu.memory_space<vmem>>
        %dma_wait3A_235 = arith.constant 0 : i32
        %dma_wait3A_236 = tpu.memref_slice %arg16[%dma_wait3A_235] : memref<10240xf32, #tpu.memory_space<vmem_shared>> -> memref<10240xf32, #tpu.memory_space<vmem_shared>>
        tpu.wait_indirect_dma semaphore(%arg19 : memref<!tpu.dma_semaphore, #tpu.memory_space<semaphore_mem>>) src(%arg12 : memref<128xf32, #tpu.memory_space<vmem>>) dst(%dma_wait3A_236 : memref<10240xf32, #tpu.memory_space<vmem_shared>>)
      } else {
      }
      %add3A_180 = arith.constant 16 : i32
      %add3A_181 = arith.addi %while3A_175, %add3A_180 : i32
      %lt3A_182 = arith.cmpi slt, %add3A_181, %add3A_8 : i32
      %convert_element_type3A_183 = arith.extui %lt3A_182 : i1 to i32
      %cond3A_184 = arith.constant 0 : i32
      %cond3A_185 = arith.cmpi ne, %convert_element_type3A_183, %cond3A_184 : i32
      scf.if %cond3A_185 {
        %add3A_214 = arith.constant 16 : i32
        %add3A_215 = arith.addi %while3A_175, %add3A_214 : i32
        %add3A_216 = arith.constant 16 : i32
        %add3A_217 = arith.addi %while3A_175, %add3A_216 : i32
        %rem3A_218 = arith.constant 32 : i32
        %rem3A_219 = arith.remsi %add3A_217, %rem3A_218 : i32
        %mul3A_220 = arith.constant 128 : i32
        %mul3A_221 = arith.muli %rem3A_219, %mul3A_220 : i32
        %dma_start3A_222 = arith.constant 0 : i32
        %dma_start3A_223 = tpu.memref_slice %arg11[%mul3A_221, %dma_start3A_222] : memref<4096x16xf32, #tpu.memory_space<vmem>> -> memref<128x16xf32, #tpu.memory_space<vmem>>
        %dma_start3A_224 = arith.constant 0 : i32
        %dma_start3A_225 = tpu.memref_slice %arg9[%add3A_215, %dma_start3A_224] : memref<79x128xi32, #tpu.memory_space<vmem>> -> memref<1x128xi32, #tpu.memory_space<vmem>>
        %dma_start3A_226 = tpu.memref_squeeze %dma_start3A_225 : memref<1x128xi32, #tpu.memory_space<vmem>> -> memref<128xi32, #tpu.memory_space<vmem>>
        %dma_start3A_227 = arith.constant 0 : i32
        %dma_start3A_228 = arith.constant 0 : i32
        %dma_start3A_229 = tpu.memref_slice %arg3[%dma_start3A_227, %dma_start3A_228] : memref<10240x16xf32, #tpu.memory_space<hbm>> -> memref<10240x16xf32, #tpu.memory_space<hbm>>
        tpu.enqueue_indirect_dma source(%dma_start3A_229 : memref<10240x16xf32, #tpu.memory_space<hbm>>) target(%dma_start3A_223 : memref<128x16xf32, #tpu.memory_space<vmem>>) offsets(%dma_start3A_226 : memref<128xi32, #tpu.memory_space<vmem>>) semaphore(%arg17 : memref<!tpu.dma_semaphore, #tpu.memory_space<semaphore_mem>>)
      } else {
      }
      %rem3A = arith.constant 32 : i32
      %rem3A_186 = arith.remsi %while3A_175, %rem3A : i32
      %mul3A_187 = arith.constant 128 : i32
      %mul3A_188 = arith.muli %rem3A_186, %mul3A_187 : i32
      %dma_wait3A_189 = arith.constant 0 : i32
      %dma_wait3A_190 = tpu.memref_slice %arg11[%mul3A_188, %dma_wait3A_189] : memref<4096x16xf32, #tpu.memory_space<vmem>> -> memref<128x16xf32, #tpu.memory_space<vmem>>
      %dma_wait3A_191 = arith.constant 0 : i32
      %dma_wait3A_192 = tpu.memref_slice %arg9[%while3A_175, %dma_wait3A_191] : memref<79x128xi32, #tpu.memory_space<vmem>> -> memref<1x128xi32, #tpu.memory_space<vmem>>
      %dma_wait3A_193 = tpu.memref_squeeze %dma_wait3A_192 : memref<1x128xi32, #tpu.memory_space<vmem>> -> memref<128xi32, #tpu.memory_space<vmem>>
      %dma_wait3A_194 = arith.constant 0 : i32
      %dma_wait3A_195 = arith.constant 0 : i32
      %dma_wait3A_196 = tpu.memref_slice %arg3[%dma_wait3A_194, %dma_wait3A_195] : memref<10240x16xf32, #tpu.memory_space<hbm>> -> memref<10240x16xf32, #tpu.memory_space<hbm>>
      tpu.wait_indirect_dma semaphore(%arg17 : memref<!tpu.dma_semaphore, #tpu.memory_space<semaphore_mem>>) src(%dma_wait3A_196 : memref<10240x16xf32, #tpu.memory_space<hbm>>) dst(%dma_wait3A_190 : memref<128x16xf32, #tpu.memory_space<vmem>>)
      %rem3A_197 = arith.constant 32 : i32
      %rem3A_198 = arith.remsi %while3A_175, %rem3A_197 : i32
      %mul3A_199 = arith.constant 128 : i32
      %mul3A_200 = arith.muli %rem3A_198, %mul3A_199 : i32
      %dma_start3A_201 = arith.constant 0 : i32
      %dma_start3A_202 = tpu.memref_slice %arg11[%mul3A_200, %dma_start3A_201] : memref<4096x16xf32, #tpu.memory_space<vmem>> -> memref<128x16xf32, #tpu.memory_space<vmem>>
      %dma_start3A_203 = arith.constant 0 : i32
      %dma_start3A_204 = tpu.memref_slice %arg10[%while3A_175, %dma_start3A_203] : memref<79x128xi32, #tpu.memory_space<vmem>> -> memref<1x128xi32, #tpu.memory_space<vmem>>
      %dma_start3A_205 = tpu.memref_squeeze %dma_start3A_204 : memref<1x128xi32, #tpu.memory_space<vmem>> -> memref<128xi32, #tpu.memory_space<vmem>>
      %dma_start3A_206 = arith.constant 0 : i32
      %dma_start3A_207 = arith.constant 0 : i32
      %dma_start3A_208 = tpu.memref_slice %arg15[%dma_start3A_206, %dma_start3A_207] : memref<10240x16xf32, #tpu.memory_space<vmem_shared>> -> memref<10240x16xf32, #tpu.memory_space<vmem_shared>>
      tpu.enqueue_indirect_dma source(%dma_start3A_202 : memref<128x16xf32, #tpu.memory_space<vmem>>) target(%dma_start3A_208 : memref<10240x16xf32, #tpu.memory_space<vmem_shared>>) offsets(%dma_start3A_205 : memref<128xi32, #tpu.memory_space<vmem>>) semaphore(%arg18 : memref<!tpu.dma_semaphore, #tpu.memory_space<semaphore_mem>>) {add = true}
      %dma_start3A_209 = arith.constant 0 : i32
      %dma_start3A_210 = tpu.memref_slice %arg10[%while3A_175, %dma_start3A_209] : memref<79x128xi32, #tpu.memory_space<vmem>> -> memref<1x128xi32, #tpu.memory_space<vmem>>
      %dma_start3A_211 = tpu.memref_squeeze %dma_start3A_210 : memref<1x128xi32, #tpu.memory_space<vmem>> -> memref<128xi32, #tpu.memory_space<vmem>>
      %dma_start3A_212 = arith.constant 0 : i32
      %dma_start3A_213 = tpu.memref_slice %arg16[%dma_start3A_212] : memref<10240xf32, #tpu.memory_space<vmem_shared>> -> memref<10240xf32, #tpu.memory_space<vmem_shared>>
      tpu.enqueue_indirect_dma source(%arg12 : memref<128xf32, #tpu.memory_space<vmem>>) target(%dma_start3A_213 : memref<10240xf32, #tpu.memory_space<vmem_shared>>) offsets(%dma_start3A_211 : memref<128xi32, #tpu.memory_space<vmem>>) semaphore(%arg19 : memref<!tpu.dma_semaphore, #tpu.memory_space<semaphore_mem>>) {add = true}
    }
    %sub3A = arith.constant 16 : i32
    %sub3A_158 = arith.subi %add3A_8, %sub3A : i32
    %max3A = arith.constant 0 : i32
    %max3A_159 = arith.maxsi %sub3A_158, %max3A : i32
    %while3A_160 = arith.constant 0 : i32
    %while3A_161 = arith.subi %add3A_8, %max3A_159 : i32
    %while3A_162 = arith.addi %max3A_159, %while3A_161 : i32
    %while3A_163 = arith.constant 1 : i32
    %while3A_164 = arith.divsi %while3A_161, %while3A_163 : i32
    %while3A_165 = arith.muli %while3A_164, %while3A_163 : i32
    %while3A_166 = arith.addi %max3A_159, %while3A_165 : i32
    %while3A_167 = arith.constant 1 : i32
    scf.for %while3A_175 = %max3A_159 to %while3A_166 step %while3A_167  : i32 {
      %ge3A = arith.constant 0 : i32
      %ge3A_176 = arith.cmpi sge, %while3A_175, %ge3A : i32
      %convert_element_type3A_177 = arith.extui %ge3A_176 : i1 to i32
      %cond3A_178 = arith.constant 0 : i32
      %cond3A_179 = arith.cmpi ne, %convert_element_type3A_177, %cond3A_178 : i32
      scf.if %cond3A_179 {
        %rem3A = arith.constant 32 : i32
        %rem3A_180 = arith.remsi %while3A_175, %rem3A : i32
        %mul3A_181 = arith.constant 128 : i32
        %mul3A_182 = arith.muli %rem3A_180, %mul3A_181 : i32
        %dma_wait3A_183 = arith.constant 0 : i32
        %dma_wait3A_184 = tpu.memref_slice %arg11[%mul3A_182, %dma_wait3A_183] : memref<4096x16xf32, #tpu.memory_space<vmem>> -> memref<128x16xf32, #tpu.memory_space<vmem>>
        %dma_wait3A_185 = arith.constant 0 : i32
        %dma_wait3A_186 = tpu.memref_slice %arg10[%while3A_175, %dma_wait3A_185] : memref<79x128xi32, #tpu.memory_space<vmem>> -> memref<1x128xi32, #tpu.memory_space<vmem>>
        %dma_wait3A_187 = tpu.memref_squeeze %dma_wait3A_186 : memref<1x128xi32, #tpu.memory_space<vmem>> -> memref<128xi32, #tpu.memory_space<vmem>>
        %dma_wait3A_188 = arith.constant 0 : i32
        %dma_wait3A_189 = arith.constant 0 : i32
        %dma_wait3A_190 = tpu.memref_slice %arg15[%dma_wait3A_188, %dma_wait3A_189] : memref<10240x16xf32, #tpu.memory_space<vmem_shared>> -> memref<10240x16xf32, #tpu.memory_space<vmem_shared>>
        tpu.wait_indirect_dma semaphore(%arg18 : memref<!tpu.dma_semaphore, #tpu.memory_space<semaphore_mem>>) src(%dma_wait3A_184 : memref<128x16xf32, #tpu.memory_space<vmem>>) dst(%dma_wait3A_190 : memref<10240x16xf32, #tpu.memory_space<vmem_shared>>)
        %dma_wait3A_191 = arith.constant 0 : i32
        %dma_wait3A_192 = tpu.memref_slice %arg10[%while3A_175, %dma_wait3A_191] : memref<79x128xi32, #tpu.memory_space<vmem>> -> memref<1x128xi32, #tpu.memory_space<vmem>>
        %dma_wait3A_193 = tpu.memref_squeeze %dma_wait3A_192 : memref<1x128xi32, #tpu.memory_space<vmem>> -> memref<128xi32, #tpu.memory_space<vmem>>
        %dma_wait3A_194 = arith.constant 0 : i32
        %dma_wait3A_195 = tpu.memref_slice %arg16[%dma_wait3A_194] : memref<10240xf32, #tpu.memory_space<vmem_shared>> -> memref<10240xf32, #tpu.memory_space<vmem_shared>>
        tpu.wait_indirect_dma semaphore(%arg19 : memref<!tpu.dma_semaphore, #tpu.memory_space<semaphore_mem>>) src(%arg12 : memref<128xf32, #tpu.memory_space<vmem>>) dst(%dma_wait3A_195 : memref<10240xf32, #tpu.memory_space<vmem_shared>>)
      } else {
      }
    }
    %while3A_168 = arith.constant 1 : i32
    scf.for %while3A_175 = %while3A_166 to %while3A_162 step %while3A_168  : i32 {
      %ge3A = arith.constant 0 : i32
      %ge3A_176 = arith.cmpi sge, %while3A_175, %ge3A : i32
      %convert_element_type3A_177 = arith.extui %ge3A_176 : i1 to i32
      %cond3A_178 = arith.constant 0 : i32
      %cond3A_179 = arith.cmpi ne, %convert_element_type3A_177, %cond3A_178 : i32
      scf.if %cond3A_179 {
        %rem3A = arith.constant 32 : i32
        %rem3A_180 = arith.remsi %while3A_175, %rem3A : i32
        %mul3A_181 = arith.constant 128 : i32
        %mul3A_182 = arith.muli %rem3A_180, %mul3A_181 : i32
        %dma_wait3A_183 = arith.constant 0 : i32
        %dma_wait3A_184 = tpu.memref_slice %arg11[%mul3A_182, %dma_wait3A_183] : memref<4096x16xf32, #tpu.memory_space<vmem>> -> memref<128x16xf32, #tpu.memory_space<vmem>>
        %dma_wait3A_185 = arith.constant 0 : i32
        %dma_wait3A_186 = tpu.memref_slice %arg10[%while3A_175, %dma_wait3A_185] : memref<79x128xi32, #tpu.memory_space<vmem>> -> memref<1x128xi32, #tpu.memory_space<vmem>>
        %dma_wait3A_187 = tpu.memref_squeeze %dma_wait3A_186 : memref<1x128xi32, #tpu.memory_space<vmem>> -> memref<128xi32, #tpu.memory_space<vmem>>
        %dma_wait3A_188 = arith.constant 0 : i32
        %dma_wait3A_189 = arith.constant 0 : i32
        %dma_wait3A_190 = tpu.memref_slice %arg15[%dma_wait3A_188, %dma_wait3A_189] : memref<10240x16xf32, #tpu.memory_space<vmem_shared>> -> memref<10240x16xf32, #tpu.memory_space<vmem_shared>>
        tpu.wait_indirect_dma semaphore(%arg18 : memref<!tpu.dma_semaphore, #tpu.memory_space<semaphore_mem>>) src(%dma_wait3A_184 : memref<128x16xf32, #tpu.memory_space<vmem>>) dst(%dma_wait3A_190 : memref<10240x16xf32, #tpu.memory_space<vmem_shared>>)
        %dma_wait3A_191 = arith.constant 0 : i32
        %dma_wait3A_192 = tpu.memref_slice %arg10[%while3A_175, %dma_wait3A_191] : memref<79x128xi32, #tpu.memory_space<vmem>> -> memref<1x128xi32, #tpu.memory_space<vmem>>
        %dma_wait3A_193 = tpu.memref_squeeze %dma_wait3A_192 : memref<1x128xi32, #tpu.memory_space<vmem>> -> memref<128xi32, #tpu.memory_space<vmem>>
        %dma_wait3A_194 = arith.constant 0 : i32
        %dma_wait3A_195 = tpu.memref_slice %arg16[%dma_wait3A_194] : memref<10240xf32, #tpu.memory_space<vmem_shared>> -> memref<10240xf32, #tpu.memory_space<vmem_shared>>
        tpu.wait_indirect_dma semaphore(%arg19 : memref<!tpu.dma_semaphore, #tpu.memory_space<semaphore_mem>>) src(%arg12 : memref<128xf32, #tpu.memory_space<vmem>>) dst(%dma_wait3A_195 : memref<10240xf32, #tpu.memory_space<vmem_shared>>)
      } else {
      }
    }
    %barrier3A_169 = arith.constant 0 : index
    tpu.barrier barrier_id(%barrier3A_169)
    "tpu.region"() ({
      %run_scoped3A = tpu.sem_alloc : memref<!tpu.dma_semaphore, #tpu.memory_space<semaphore_mem>>
      %dma_start3A_175 = arith.constant 0 : i32
      %dma_start3A_176 = tpu.memref_slice %arg7[%arg0, %mul3A_10, %dma_start3A_175] : memref<2x10240x16xf32, #tpu.memory_space<hbm>> -> memref<1x640x16xf32, #tpu.memory_space<hbm>>
      %dma_start3A_177 = tpu.memref_squeeze %dma_start3A_176 : memref<1x640x16xf32, #tpu.memory_space<hbm>> -> memref<640x16xf32, #tpu.memory_space<hbm>>
      %dma_start3A_178 = arith.constant 0 : i32
      %dma_start3A_179 = tpu.memref_slice %arg15[%mul3A_10, %dma_start3A_178] : memref<10240x16xf32, #tpu.memory_space<vmem_shared>> -> memref<640x16xf32, #tpu.memory_space<vmem_shared>>
      tpu.enqueue_dma source(%dma_start3A_179 : memref<640x16xf32, #tpu.memory_space<vmem_shared>>) target(%dma_start3A_177 : memref<640x16xf32, #tpu.memory_space<hbm>>) target_semaphore(%run_scoped3A : memref<!tpu.dma_semaphore, #tpu.memory_space<semaphore_mem>>)
      %dma_wait3A_180 = arith.constant 0 : i32
      %dma_wait3A_181 = tpu.memref_slice %arg7[%arg0, %mul3A_10, %dma_wait3A_180] : memref<2x10240x16xf32, #tpu.memory_space<hbm>> -> memref<1x640x16xf32, #tpu.memory_space<hbm>>
      %dma_wait3A_182 = tpu.memref_squeeze %dma_wait3A_181 : memref<1x640x16xf32, #tpu.memory_space<hbm>> -> memref<640x16xf32, #tpu.memory_space<hbm>>
      %dma_wait3A_183 = arith.constant 0 : i32
      %dma_wait3A_184 = tpu.memref_slice %arg15[%mul3A_10, %dma_wait3A_183] : memref<10240x16xf32, #tpu.memory_space<vmem_shared>> -> memref<640x16xf32, #tpu.memory_space<vmem_shared>>
      tpu.wait_dma2 semaphore(%run_scoped3A : memref<!tpu.dma_semaphore, #tpu.memory_space<semaphore_mem>>) src(%dma_wait3A_184 : memref<640x16xf32, #tpu.memory_space<vmem_shared>>) dst(%dma_wait3A_182 : memref<640x16xf32, #tpu.memory_space<hbm>>)
      tpu.yield
    }) : () -> ()
    "tpu.region"() ({
      %run_scoped3A = tpu.sem_alloc : memref<!tpu.dma_semaphore, #tpu.memory_space<semaphore_mem>>
      %dma_start3A_175 = tpu.memref_slice %arg16[%mul3A_10] : memref<10240xf32, #tpu.memory_space<vmem_shared>> -> memref<640xf32, #tpu.memory_space<vmem_shared>>
      %dma_start3A_176 = tpu.memref_slice %arg16[%mul3A_10] : memref<10240xf32, #tpu.memory_space<vmem_shared>> -> memref<640xf32, #tpu.memory_space<vmem_shared>>
      tpu.enqueue_dma source(%dma_start3A_176 : memref<640xf32, #tpu.memory_space<vmem_shared>>) target(%arg13 : memref<640xf32, #tpu.memory_space<vmem>>) target_semaphore(%run_scoped3A : memref<!tpu.dma_semaphore, #tpu.memory_space<semaphore_mem>>)
      %dma_wait3A_177 = tpu.memref_slice %arg16[%mul3A_10] : memref<10240xf32, #tpu.memory_space<vmem_shared>> -> memref<640xf32, #tpu.memory_space<vmem_shared>>
      %dma_wait3A_178 = tpu.memref_slice %arg16[%mul3A_10] : memref<10240xf32, #tpu.memory_space<vmem_shared>> -> memref<640xf32, #tpu.memory_space<vmem_shared>>
      tpu.wait_dma2 semaphore(%run_scoped3A : memref<!tpu.dma_semaphore, #tpu.memory_space<semaphore_mem>>) src(%dma_wait3A_178 : memref<640xf32, #tpu.memory_space<vmem_shared>>) dst(%arg13 : memref<640xf32, #tpu.memory_space<vmem>>)
      tpu.yield
    }) : () -> ()
    %scan3A = arith.constant 0 : i32
    %scan3A_170 = arith.constant 0 : i32
    %scan3A_171 = arith.constant 40 : i32
    %scan3A_172 = arith.addi %scan3A_170, %scan3A_171 : i32
    %scan3A_173 = arith.constant 1 : i32
    scf.for %scan3A_175 = %scan3A_170 to %scan3A_172 step %scan3A_173  : i32 {
      %mul3A_176 = arith.constant 16 : i32
      %mul3A_177 = arith.muli %scan3A_175, %mul3A_176 : i32
      %get3A = arith.index_cast %mul3A_177 : i32 to index
      %get3A_178 = tpu.vector_load %arg13[%get3A] {strides = array<i32>} : memref<640xf32, #tpu.memory_space<vmem>>, vector<16xf32>,
      %get3A_179 = vector.shape_cast %get3A_178 : vector<16xf32> to vector<16xf32>
      %slice3A = vector.extract_strided_slice %get3A_179 {offsets = [0], sizes = [1], strides = [1]} : vector<16xf32> to vector<1xf32>
      %squeeze3A = vector.extract %slice3A[0] : f32 from vector<1xf32>
      %broadcast_in_dim3A = vector.broadcast %squeeze3A : f32 to vector<16xf32>
      %mul3A_180 = arith.constant 16 : i32
      %mul3A_181 = arith.muli %scan3A_175, %mul3A_180 : i32
      %add3A_182 = arith.constant 0 : i32
      %add3A_183 = arith.addi %mul3A_181, %add3A_182 : i32
      %swap3A = arith.index_cast %add3A_183 : i32 to index
      %swap3A_184 = arith.constant 0 : index
      %swap3A_185 = tpu.vector_load %arg14[%swap3A, %swap3A_184] {strides = array<i32>} : memref<640x16xf32, #tpu.memory_space<vmem>>, vector<1x16xf32>,
      %swap3A_186 = vector.shape_cast %swap3A_185 : vector<1x16xf32> to vector<16xf32>
      %swap3A_187 = vector.shape_cast %broadcast_in_dim3A : vector<16xf32> to vector<1x16xf32>
      tpu.vector_store %arg14[%swap3A, %swap3A_184], %swap3A_187 {strides = array<i32>} : memref<640x16xf32, #tpu.memory_space<vmem>>, vector<1x16xf32>,
      %slice3A_188 = vector.extract_strided_slice %get3A_179 {offsets = [1], sizes = [1], strides = [1]} : vector<16xf32> to vector<1xf32>
      %squeeze3A_189 = vector.extract %slice3A_188[0] : f32 from vector<1xf32>
      %broadcast_in_dim3A_190 = vector.broadcast %squeeze3A_189 : f32 to vector<16xf32>
      %mul3A_191 = arith.constant 16 : i32
      %mul3A_192 = arith.muli %scan3A_175, %mul3A_191 : i32
      %add3A_193 = arith.constant 1 : i32
      %add3A_194 = arith.addi %mul3A_192, %add3A_193 : i32
      %swap3A_195 = arith.index_cast %add3A_194 : i32 to index
      %swap3A_196 = arith.constant 0 : index
      %swap3A_197 = tpu.vector_load %arg14[%swap3A_195, %swap3A_196] {strides = array<i32>} : memref<640x16xf32, #tpu.memory_space<vmem>>, vector<1x16xf32>,
      %swap3A_198 = vector.shape_cast %swap3A_197 : vector<1x16xf32> to vector<16xf32>
      %swap3A_199 = vector.shape_cast %broadcast_in_dim3A_190 : vector<16xf32> to vector<1x16xf32>
      tpu.vector_store %arg14[%swap3A_195, %swap3A_196], %swap3A_199 {strides = array<i32>} : memref<640x16xf32, #tpu.memory_space<vmem>>, vector<1x16xf32>,
      %slice3A_200 = vector.extract_strided_slice %get3A_179 {offsets = [2], sizes = [1], strides = [1]} : vector<16xf32> to vector<1xf32>
      %squeeze3A_201 = vector.extract %slice3A_200[0] : f32 from vector<1xf32>
      %broadcast_in_dim3A_202 = vector.broadcast %squeeze3A_201 : f32 to vector<16xf32>
      %mul3A_203 = arith.constant 16 : i32
      %mul3A_204 = arith.muli %scan3A_175, %mul3A_203 : i32
      %add3A_205 = arith.constant 2 : i32
      %add3A_206 = arith.addi %mul3A_204, %add3A_205 : i32
      %swap3A_207 = arith.index_cast %add3A_206 : i32 to index
      %swap3A_208 = arith.constant 0 : index
      %swap3A_209 = tpu.vector_load %arg14[%swap3A_207, %swap3A_208] {strides = array<i32>} : memref<640x16xf32, #tpu.memory_space<vmem>>, vector<1x16xf32>,
      %swap3A_210 = vector.shape_cast %swap3A_209 : vector<1x16xf32> to vector<16xf32>
      %swap3A_211 = vector.shape_cast %broadcast_in_dim3A_202 : vector<16xf32> to vector<1x16xf32>
      tpu.vector_store %arg14[%swap3A_207, %swap3A_208], %swap3A_211 {strides = array<i32>} : memref<640x16xf32, #tpu.memory_space<vmem>>, vector<1x16xf32>,
      %slice3A_212 = vector.extract_strided_slice %get3A_179 {offsets = [3], sizes = [1], strides = [1]} : vector<16xf32> to vector<1xf32>
      %squeeze3A_213 = vector.extract %slice3A_212[0] : f32 from vector<1xf32>
      %broadcast_in_dim3A_214 = vector.broadcast %squeeze3A_213 : f32 to vector<16xf32>
      %mul3A_215 = arith.constant 16 : i32
      %mul3A_216 = arith.muli %scan3A_175, %mul3A_215 : i32
      %add3A_217 = arith.constant 3 : i32
      %add3A_218 = arith.addi %mul3A_216, %add3A_217 : i32
      %swap3A_219 = arith.index_cast %add3A_218 : i32 to index
      %swap3A_220 = arith.constant 0 : index
      %swap3A_221 = tpu.vector_load %arg14[%swap3A_219, %swap3A_220] {strides = array<i32>} : memref<640x16xf32, #tpu.memory_space<vmem>>, vector<1x16xf32>,
      %swap3A_222 = vector.shape_cast %swap3A_221 : vector<1x16xf32> to vector<16xf32>
      %swap3A_223 = vector.shape_cast %broadcast_in_dim3A_214 : vector<16xf32> to vector<1x16xf32>
      tpu.vector_store %arg14[%swap3A_219, %swap3A_220], %swap3A_223 {strides = array<i32>} : memref<640x16xf32, #tpu.memory_space<vmem>>, vector<1x16xf32>,
      %slice3A_224 = vector.extract_strided_slice %get3A_179 {offsets = [4], sizes = [1], strides = [1]} : vector<16xf32> to vector<1xf32>
      %squeeze3A_225 = vector.extract %slice3A_224[0] : f32 from vector<1xf32>
      %broadcast_in_dim3A_226 = vector.broadcast %squeeze3A_225 : f32 to vector<16xf32>
      %mul3A_227 = arith.constant 16 : i32
      %mul3A_228 = arith.muli %scan3A_175, %mul3A_227 : i32
      %add3A_229 = arith.constant 4 : i32
      %add3A_230 = arith.addi %mul3A_228, %add3A_229 : i32
      %swap3A_231 = arith.index_cast %add3A_230 : i32 to index
      %swap3A_232 = arith.constant 0 : index
      %swap3A_233 = tpu.vector_load %arg14[%swap3A_231, %swap3A_232] {strides = array<i32>} : memref<640x16xf32, #tpu.memory_space<vmem>>, vector<1x16xf32>,
      %swap3A_234 = vector.shape_cast %swap3A_233 : vector<1x16xf32> to vector<16xf32>
      %swap3A_235 = vector.shape_cast %broadcast_in_dim3A_226 : vector<16xf32> to vector<1x16xf32>
      tpu.vector_store %arg14[%swap3A_231, %swap3A_232], %swap3A_235 {strides = array<i32>} : memref<640x16xf32, #tpu.memory_space<vmem>>, vector<1x16xf32>,
      %slice3A_236 = vector.extract_strided_slice %get3A_179 {offsets = [5], sizes = [1], strides = [1]} : vector<16xf32> to vector<1xf32>
      %squeeze3A_237 = vector.extract %slice3A_236[0] : f32 from vector<1xf32>
      %broadcast_in_dim3A_238 = vector.broadcast %squeeze3A_237 : f32 to vector<16xf32>
      %mul3A_239 = arith.constant 16 : i32
      %mul3A_240 = arith.muli %scan3A_175, %mul3A_239 : i32
      %add3A_241 = arith.constant 5 : i32
      %add3A_242 = arith.addi %mul3A_240, %add3A_241 : i32
      %swap3A_243 = arith.index_cast %add3A_242 : i32 to index
      %swap3A_244 = arith.constant 0 : index
      %swap3A_245 = tpu.vector_load %arg14[%swap3A_243, %swap3A_244] {strides = array<i32>} : memref<640x16xf32, #tpu.memory_space<vmem>>, vector<1x16xf32>,
      %swap3A_246 = vector.shape_cast %swap3A_245 : vector<1x16xf32> to vector<16xf32>
      %swap3A_247 = vector.shape_cast %broadcast_in_dim3A_238 : vector<16xf32> to vector<1x16xf32>
      tpu.vector_store %arg14[%swap3A_243, %swap3A_244], %swap3A_247 {strides = array<i32>} : memref<640x16xf32, #tpu.memory_space<vmem>>, vector<1x16xf32>,
      %slice3A_248 = vector.extract_strided_slice %get3A_179 {offsets = [6], sizes = [1], strides = [1]} : vector<16xf32> to vector<1xf32>
      %squeeze3A_249 = vector.extract %slice3A_248[0] : f32 from vector<1xf32>
      %broadcast_in_dim3A_250 = vector.broadcast %squeeze3A_249 : f32 to vector<16xf32>
      %mul3A_251 = arith.constant 16 : i32
      %mul3A_252 = arith.muli %scan3A_175, %mul3A_251 : i32
      %add3A_253 = arith.constant 6 : i32
      %add3A_254 = arith.addi %mul3A_252, %add3A_253 : i32
      %swap3A_255 = arith.index_cast %add3A_254 : i32 to index
      %swap3A_256 = arith.constant 0 : index
      %swap3A_257 = tpu.vector_load %arg14[%swap3A_255, %swap3A_256] {strides = array<i32>} : memref<640x16xf32, #tpu.memory_space<vmem>>, vector<1x16xf32>,
      %swap3A_258 = vector.shape_cast %swap3A_257 : vector<1x16xf32> to vector<16xf32>
      %swap3A_259 = vector.shape_cast %broadcast_in_dim3A_250 : vector<16xf32> to vector<1x16xf32>
      tpu.vector_store %arg14[%swap3A_255, %swap3A_256], %swap3A_259 {strides = array<i32>} : memref<640x16xf32, #tpu.memory_space<vmem>>, vector<1x16xf32>,
      %slice3A_260 = vector.extract_strided_slice %get3A_179 {offsets = [7], sizes = [1], strides = [1]} : vector<16xf32> to vector<1xf32>
      %squeeze3A_261 = vector.extract %slice3A_260[0] : f32 from vector<1xf32>
      %broadcast_in_dim3A_262 = vector.broadcast %squeeze3A_261 : f32 to vector<16xf32>
      %mul3A_263 = arith.constant 16 : i32
      %mul3A_264 = arith.muli %scan3A_175, %mul3A_263 : i32
      %add3A_265 = arith.constant 7 : i32
      %add3A_266 = arith.addi %mul3A_264, %add3A_265 : i32
      %swap3A_267 = arith.index_cast %add3A_266 : i32 to index
      %swap3A_268 = arith.constant 0 : index
      %swap3A_269 = tpu.vector_load %arg14[%swap3A_267, %swap3A_268] {strides = array<i32>} : memref<640x16xf32, #tpu.memory_space<vmem>>, vector<1x16xf32>,
      %swap3A_270 = vector.shape_cast %swap3A_269 : vector<1x16xf32> to vector<16xf32>
      %swap3A_271 = vector.shape_cast %broadcast_in_dim3A_262 : vector<16xf32> to vector<1x16xf32>
      tpu.vector_store %arg14[%swap3A_267, %swap3A_268], %swap3A_271 {strides = array<i32>} : memref<640x16xf32, #tpu.memory_space<vmem>>, vector<1x16xf32>,
      %slice3A_272 = vector.extract_strided_slice %get3A_179 {offsets = [8], sizes = [1], strides = [1]} : vector<16xf32> to vector<1xf32>
      %squeeze3A_273 = vector.extract %slice3A_272[0] : f32 from vector<1xf32>
      %broadcast_in_dim3A_274 = vector.broadcast %squeeze3A_273 : f32 to vector<16xf32>
      %mul3A_275 = arith.constant 16 : i32
      %mul3A_276 = arith.muli %scan3A_175, %mul3A_275 : i32
      %add3A_277 = arith.constant 8 : i32
      %add3A_278 = arith.addi %mul3A_276, %add3A_277 : i32
      %swap3A_279 = arith.index_cast %add3A_278 : i32 to index
      %swap3A_280 = arith.constant 0 : index
      %swap3A_281 = tpu.vector_load %arg14[%swap3A_279, %swap3A_280] {strides = array<i32>} : memref<640x16xf32, #tpu.memory_space<vmem>>, vector<1x16xf32>,
      %swap3A_282 = vector.shape_cast %swap3A_281 : vector<1x16xf32> to vector<16xf32>
      %swap3A_283 = vector.shape_cast %broadcast_in_dim3A_274 : vector<16xf32> to vector<1x16xf32>
      tpu.vector_store %arg14[%swap3A_279, %swap3A_280], %swap3A_283 {strides = array<i32>} : memref<640x16xf32, #tpu.memory_space<vmem>>, vector<1x16xf32>,
      %slice3A_284 = vector.extract_strided_slice %get3A_179 {offsets = [9], sizes = [1], strides = [1]} : vector<16xf32> to vector<1xf32>
      %squeeze3A_285 = vector.extract %slice3A_284[0] : f32 from vector<1xf32>
      %broadcast_in_dim3A_286 = vector.broadcast %squeeze3A_285 : f32 to vector<16xf32>
      %mul3A_287 = arith.constant 16 : i32
      %mul3A_288 = arith.muli %scan3A_175, %mul3A_287 : i32
      %add3A_289 = arith.constant 9 : i32
      %add3A_290 = arith.addi %mul3A_288, %add3A_289 : i32
      %swap3A_291 = arith.index_cast %add3A_290 : i32 to index
      %swap3A_292 = arith.constant 0 : index
      %swap3A_293 = tpu.vector_load %arg14[%swap3A_291, %swap3A_292] {strides = array<i32>} : memref<640x16xf32, #tpu.memory_space<vmem>>, vector<1x16xf32>,
      %swap3A_294 = vector.shape_cast %swap3A_293 : vector<1x16xf32> to vector<16xf32>
      %swap3A_295 = vector.shape_cast %broadcast_in_dim3A_286 : vector<16xf32> to vector<1x16xf32>
      tpu.vector_store %arg14[%swap3A_291, %swap3A_292], %swap3A_295 {strides = array<i32>} : memref<640x16xf32, #tpu.memory_space<vmem>>, vector<1x16xf32>,
      %slice3A_296 = vector.extract_strided_slice %get3A_179 {offsets = [10], sizes = [1], strides = [1]} : vector<16xf32> to vector<1xf32>
      %squeeze3A_297 = vector.extract %slice3A_296[0] : f32 from vector<1xf32>
      %broadcast_in_dim3A_298 = vector.broadcast %squeeze3A_297 : f32 to vector<16xf32>
      %mul3A_299 = arith.constant 16 : i32
      %mul3A_300 = arith.muli %scan3A_175, %mul3A_299 : i32
      %add3A_301 = arith.constant 10 : i32
      %add3A_302 = arith.addi %mul3A_300, %add3A_301 : i32
      %swap3A_303 = arith.index_cast %add3A_302 : i32 to index
      %swap3A_304 = arith.constant 0 : index
      %swap3A_305 = tpu.vector_load %arg14[%swap3A_303, %swap3A_304] {strides = array<i32>} : memref<640x16xf32, #tpu.memory_space<vmem>>, vector<1x16xf32>,
      %swap3A_306 = vector.shape_cast %swap3A_305 : vector<1x16xf32> to vector<16xf32>
      %swap3A_307 = vector.shape_cast %broadcast_in_dim3A_298 : vector<16xf32> to vector<1x16xf32>
      tpu.vector_store %arg14[%swap3A_303, %swap3A_304], %swap3A_307 {strides = array<i32>} : memref<640x16xf32, #tpu.memory_space<vmem>>, vector<1x16xf32>,
      %slice3A_308 = vector.extract_strided_slice %get3A_179 {offsets = [11], sizes = [1], strides = [1]} : vector<16xf32> to vector<1xf32>
      %squeeze3A_309 = vector.extract %slice3A_308[0] : f32 from vector<1xf32>
      %broadcast_in_dim3A_310 = vector.broadcast %squeeze3A_309 : f32 to vector<16xf32>
      %mul3A_311 = arith.constant 16 : i32
      %mul3A_312 = arith.muli %scan3A_175, %mul3A_311 : i32
      %add3A_313 = arith.constant 11 : i32
      %add3A_314 = arith.addi %mul3A_312, %add3A_313 : i32
      %swap3A_315 = arith.index_cast %add3A_314 : i32 to index
      %swap3A_316 = arith.constant 0 : index
      %swap3A_317 = tpu.vector_load %arg14[%swap3A_315, %swap3A_316] {strides = array<i32>} : memref<640x16xf32, #tpu.memory_space<vmem>>, vector<1x16xf32>,
      %swap3A_318 = vector.shape_cast %swap3A_317 : vector<1x16xf32> to vector<16xf32>
      %swap3A_319 = vector.shape_cast %broadcast_in_dim3A_310 : vector<16xf32> to vector<1x16xf32>
      tpu.vector_store %arg14[%swap3A_315, %swap3A_316], %swap3A_319 {strides = array<i32>} : memref<640x16xf32, #tpu.memory_space<vmem>>, vector<1x16xf32>,
      %slice3A_320 = vector.extract_strided_slice %get3A_179 {offsets = [12], sizes = [1], strides = [1]} : vector<16xf32> to vector<1xf32>
      %squeeze3A_321 = vector.extract %slice3A_320[0] : f32 from vector<1xf32>
      %broadcast_in_dim3A_322 = vector.broadcast %squeeze3A_321 : f32 to vector<16xf32>
      %mul3A_323 = arith.constant 16 : i32
      %mul3A_324 = arith.muli %scan3A_175, %mul3A_323 : i32
      %add3A_325 = arith.constant 12 : i32
      %add3A_326 = arith.addi %mul3A_324, %add3A_325 : i32
      %swap3A_327 = arith.index_cast %add3A_326 : i32 to index
      %swap3A_328 = arith.constant 0 : index
      %swap3A_329 = tpu.vector_load %arg14[%swap3A_327, %swap3A_328] {strides = array<i32>} : memref<640x16xf32, #tpu.memory_space<vmem>>, vector<1x16xf32>,
      %swap3A_330 = vector.shape_cast %swap3A_329 : vector<1x16xf32> to vector<16xf32>
      %swap3A_331 = vector.shape_cast %broadcast_in_dim3A_322 : vector<16xf32> to vector<1x16xf32>
      tpu.vector_store %arg14[%swap3A_327, %swap3A_328], %swap3A_331 {strides = array<i32>} : memref<640x16xf32, #tpu.memory_space<vmem>>, vector<1x16xf32>,
      %slice3A_332 = vector.extract_strided_slice %get3A_179 {offsets = [13], sizes = [1], strides = [1]} : vector<16xf32> to vector<1xf32>
      %squeeze3A_333 = vector.extract %slice3A_332[0] : f32 from vector<1xf32>
      %broadcast_in_dim3A_334 = vector.broadcast %squeeze3A_333 : f32 to vector<16xf32>
      %mul3A_335 = arith.constant 16 : i32
      %mul3A_336 = arith.muli %scan3A_175, %mul3A_335 : i32
      %add3A_337 = arith.constant 13 : i32
      %add3A_338 = arith.addi %mul3A_336, %add3A_337 : i32
      %swap3A_339 = arith.index_cast %add3A_338 : i32 to index
      %swap3A_340 = arith.constant 0 : index
      %swap3A_341 = tpu.vector_load %arg14[%swap3A_339, %swap3A_340] {strides = array<i32>} : memref<640x16xf32, #tpu.memory_space<vmem>>, vector<1x16xf32>,
      %swap3A_342 = vector.shape_cast %swap3A_341 : vector<1x16xf32> to vector<16xf32>
      %swap3A_343 = vector.shape_cast %broadcast_in_dim3A_334 : vector<16xf32> to vector<1x16xf32>
      tpu.vector_store %arg14[%swap3A_339, %swap3A_340], %swap3A_343 {strides = array<i32>} : memref<640x16xf32, #tpu.memory_space<vmem>>, vector<1x16xf32>,
      %slice3A_344 = vector.extract_strided_slice %get3A_179 {offsets = [14], sizes = [1], strides = [1]} : vector<16xf32> to vector<1xf32>
      %squeeze3A_345 = vector.extract %slice3A_344[0] : f32 from vector<1xf32>
      %broadcast_in_dim3A_346 = vector.broadcast %squeeze3A_345 : f32 to vector<16xf32>
      %mul3A_347 = arith.constant 16 : i32
      %mul3A_348 = arith.muli %scan3A_175, %mul3A_347 : i32
      %add3A_349 = arith.constant 14 : i32
      %add3A_350 = arith.addi %mul3A_348, %add3A_349 : i32
      %swap3A_351 = arith.index_cast %add3A_350 : i32 to index
      %swap3A_352 = arith.constant 0 : index
      %swap3A_353 = tpu.vector_load %arg14[%swap3A_351, %swap3A_352] {strides = array<i32>} : memref<640x16xf32, #tpu.memory_space<vmem>>, vector<1x16xf32>,
      %swap3A_354 = vector.shape_cast %swap3A_353 : vector<1x16xf32> to vector<16xf32>
      %swap3A_355 = vector.shape_cast %broadcast_in_dim3A_346 : vector<16xf32> to vector<1x16xf32>
      tpu.vector_store %arg14[%swap3A_351, %swap3A_352], %swap3A_355 {strides = array<i32>} : memref<640x16xf32, #tpu.memory_space<vmem>>, vector<1x16xf32>,
      %slice3A_356 = vector.extract_strided_slice %get3A_179 {offsets = [15], sizes = [1], strides = [1]} : vector<16xf32> to vector<1xf32>
      %squeeze3A_357 = vector.extract %slice3A_356[0] : f32 from vector<1xf32>
      %broadcast_in_dim3A_358 = vector.broadcast %squeeze3A_357 : f32 to vector<16xf32>
      %mul3A_359 = arith.constant 16 : i32
      %mul3A_360 = arith.muli %scan3A_175, %mul3A_359 : i32
      %add3A_361 = arith.constant 15 : i32
      %add3A_362 = arith.addi %mul3A_360, %add3A_361 : i32
      %swap3A_363 = arith.index_cast %add3A_362 : i32 to index
      %swap3A_364 = arith.constant 0 : index
      %swap3A_365 = tpu.vector_load %arg14[%swap3A_363, %swap3A_364] {strides = array<i32>} : memref<640x16xf32, #tpu.memory_space<vmem>>, vector<1x16xf32>,
      %swap3A_366 = vector.shape_cast %swap3A_365 : vector<1x16xf32> to vector<16xf32>
      %swap3A_367 = vector.shape_cast %broadcast_in_dim3A_358 : vector<16xf32> to vector<1x16xf32>
      tpu.vector_store %arg14[%swap3A_363, %swap3A_364], %swap3A_367 {strides = array<i32>} : memref<640x16xf32, #tpu.memory_space<vmem>>, vector<1x16xf32>,
    }
    %scan3A_174 = arith.constant 40 : i32
    "tpu.region"() ({
      %run_scoped3A = tpu.sem_alloc : memref<!tpu.dma_semaphore, #tpu.memory_space<semaphore_mem>>
      %dma_start3A_175 = arith.constant 0 : i32
      %dma_start3A_176 = tpu.memref_slice %arg8[%arg0, %mul3A_10, %dma_start3A_175] : memref<2x10240x16xf32, #tpu.memory_space<hbm>> -> memref<1x640x16xf32, #tpu.memory_space<hbm>>
      %dma_start3A_177 = tpu.memref_squeeze %dma_start3A_176 : memref<1x640x16xf32, #tpu.memory_space<hbm>> -> memref<640x16xf32, #tpu.memory_space<hbm>>
      %dma_start3A_178 = arith.constant 0 : i32
      %dma_start3A_179 = tpu.memref_slice %arg8[%arg0, %mul3A_10, %dma_start3A_178] : memref<2x10240x16xf32, #tpu.memory_space<hbm>> -> memref<1x640x16xf32, #tpu.memory_space<hbm>>
      %dma_start3A_180 = tpu.memref_squeeze %dma_start3A_179 : memref<1x640x16xf32, #tpu.memory_space<hbm>> -> memref<640x16xf32, #tpu.memory_space<hbm>>
      tpu.enqueue_dma source(%arg14 : memref<640x16xf32, #tpu.memory_space<vmem>>) target(%dma_start3A_180 : memref<640x16xf32, #tpu.memory_space<hbm>>) target_semaphore(%run_scoped3A : memref<!tpu.dma_semaphore, #tpu.memory_space<semaphore_mem>>)
      %dma_wait3A_181 = arith.constant 0 : i32
      %dma_wait3A_182 = tpu.memref_slice %arg8[%arg0, %mul3A_10, %dma_wait3A_181] : memref<2x10240x16xf32, #tpu.memory_space<hbm>> -> memref<1x640x16xf32, #tpu.memory_space<hbm>>
      %dma_wait3A_183 = tpu.memref_squeeze %dma_wait3A_182 : memref<1x640x16xf32, #tpu.memory_space<hbm>> -> memref<640x16xf32, #tpu.memory_space<hbm>>
      %dma_wait3A_184 = arith.constant 0 : i32
      %dma_wait3A_185 = tpu.memref_slice %arg8[%arg0, %mul3A_10, %dma_wait3A_184] : memref<2x10240x16xf32, #tpu.memory_space<hbm>> -> memref<1x640x16xf32, #tpu.memory_space<hbm>>
      %dma_wait3A_186 = tpu.memref_squeeze %dma_wait3A_185 : memref<1x640x16xf32, #tpu.memory_space<hbm>> -> memref<640x16xf32, #tpu.memory_space<hbm>>
      tpu.wait_dma2 semaphore(%run_scoped3A : memref<!tpu.dma_semaphore, #tpu.memory_space<semaphore_mem>>) src(%arg14 : memref<640x16xf32, #tpu.memory_space<vmem>>) dst(%dma_wait3A_186 : memref<640x16xf32, #tpu.memory_space<hbm>>)
      tpu.yield
    }) : () -> ()
    return
  }
}

module attributes {stable_mosaic.version = 14 : i64} {
  func.func @_fuse1_body(%arg0: i32, %arg1: memref<2x128x128xf32, #tpu.memory_space<vmem>>, %arg2: memref<2x128x128xf32, #tpu.memory_space<vmem>>, %arg3: memref<128x128xf32, #tpu.memory_space<vmem>>, %arg4: memref<128x128xf32, #tpu.memory_space<vmem>>) attributes {dimension_semantics = [#tpu.dimension_semantics<arbitrary>], iteration_bounds = array<i64: 10>, scalar_prefetch = 0 : i64, scratch_operands = 0 : i64, tpu.core_type = #tpu.core_type<tc>, window_params = [{transform_indices = @transform_0, window_bounds = array<i64: 2, 128, 128>}, {transform_indices = @transform_1, window_bounds = array<i64: 2, 128, 128>}, {transform_indices = @transform_2, window_bounds = array<i64: 128, 128>}, {transform_indices = @transform_3, window_bounds = array<i64: 128, 128>}]} {
    %get3A = arith.constant 0 : index
    %get3A_0 = arith.constant 0 : index
    %get3A_1 = arith.constant 0 : index
    %get3A_2 = vector.load %arg1[%get3A, %get3A_0, %get3A_1] : memref<2x128x128xf32, #tpu.memory_space<vmem>>, vector<2x128x128xf32>
    %get3A_3 = arith.constant 0 : index
    %get3A_4 = arith.constant 0 : index
    %get3A_5 = arith.constant 0 : index
    %get3A_6 = vector.load %arg2[%get3A_3, %get3A_4, %get3A_5] : memref<2x128x128xf32, #tpu.memory_space<vmem>>, vector<2x128x128xf32>
    %slice3A = vector.extract_strided_slice %get3A_6 {offsets = [0, 0, 0], sizes = [1, 128, 128], strides = [1, 1, 1]} : vector<2x128x128xf32> to vector<1x128x128xf32>
    %squeeze3A = vector.shape_cast %slice3A : vector<1x128x128xf32> to vector<128x128xf32>
    %slice3A_7 = vector.extract_strided_slice %get3A_6 {offsets = [1, 0, 0], sizes = [1, 128, 128], strides = [1, 1, 1]} : vector<2x128x128xf32> to vector<1x128x128xf32>
    %squeeze3A_8 = vector.shape_cast %slice3A_7 : vector<1x128x128xf32> to vector<128x128xf32>
    %add3A = arith.addf %squeeze3A, %squeeze3A_8 : vector<128x128xf32>
    %max3A = arith.constant 1.000000e+00 : f32
    %max3A_9 = vector.broadcast %max3A : f32 to vector<128x128xf32>
    %max3A_10 = arith.maximumf %add3A, %max3A_9 : vector<128x128xf32>
    %div3A = arith.constant 1.000000e+00 : f32
    %div3A_11 = vector.broadcast %div3A : f32 to vector<128x128xf32>
    %div3A_12 = arith.divf %div3A_11, %max3A_10 : vector<128x128xf32>
    %slice3A_13 = vector.extract_strided_slice %get3A_2 {offsets = [0, 0, 0], sizes = [1, 128, 128], strides = [1, 1, 1]} : vector<2x128x128xf32> to vector<1x128x128xf32>
    %squeeze3A_14 = vector.shape_cast %slice3A_13 : vector<1x128x128xf32> to vector<128x128xf32>
    %slice3A_15 = vector.extract_strided_slice %get3A_2 {offsets = [1, 0, 0], sizes = [1, 128, 128], strides = [1, 1, 1]} : vector<2x128x128xf32> to vector<1x128x128xf32>
    %squeeze3A_16 = vector.shape_cast %slice3A_15 : vector<1x128x128xf32> to vector<128x128xf32>
    %add3A_17 = arith.addf %squeeze3A_14, %squeeze3A_16 : vector<128x128xf32>
    %mul3A = arith.mulf %add3A_17, %div3A_12 : vector<128x128xf32>
    %get3A_18 = arith.constant 0 : index
    %get3A_19 = arith.constant 0 : index
    %get3A_20 = vector.load %arg3[%get3A_18, %get3A_19] : memref<128x128xf32, #tpu.memory_space<vmem>>, vector<128x128xf32>
    %add3A_21 = arith.addf %mul3A, %get3A_20 : vector<128x128xf32>
    %max3A_22 = arith.constant 0.000000e+00 : f32
    %max3A_23 = vector.broadcast %max3A_22 : f32 to vector<128x128xf32>
    %max3A_24 = arith.maximumf %add3A_21, %max3A_23 : vector<128x128xf32>
    %swap3A = arith.constant 0 : index
    %swap3A_25 = arith.constant 0 : index
    %swap3A_26 = vector.load %arg4[%swap3A, %swap3A_25] : memref<128x128xf32, #tpu.memory_space<vmem>>, vector<128x128xf32>
    tpu.vector_store %arg4[%swap3A, %swap3A_25], %max3A_24 {strides = array<i32>} : memref<128x128xf32, #tpu.memory_space<vmem>>, vector<128x128xf32>,
    return
  }
  func.func @transform_0(%arg0: i32) -> (i32, i32, i32) {
    %c0_i32 = arith.constant 0 : i32
    %c0_i32_0 = arith.constant 0 : i32
    %c0_i32_1 = arith.constant 0 : i32
    return %c0_i32, %arg0, %c0_i32_0 : i32, i32, i32
  }
  func.func @transform_1(%arg0: i32) -> (i32, i32, i32) {
    %c0_i32 = arith.constant 0 : i32
    %c0_i32_0 = arith.constant 0 : i32
    %c0_i32_1 = arith.constant 0 : i32
    return %c0_i32, %arg0, %c0_i32_0 : i32, i32, i32
  }
  func.func @transform_2(%arg0: i32) -> (i32, i32) {
    %c0_i32 = arith.constant 0 : i32
    %c0_i32_0 = arith.constant 0 : i32
    return %arg0, %c0_i32 : i32, i32
  }
  func.func @transform_3(%arg0: i32) -> (i32, i32) {
    %c0_i32 = arith.constant 0 : i32
    %c0_i32_0 = arith.constant 0 : i32
    return %arg0, %c0_i32 : i32, i32
  }
}

module attributes {stable_mosaic.version = 14 : i64} {
  func.func @_mm1_body(%arg0: i32, %arg1: memref<1024x128xf32, #tpu.memory_space<vmem>>, %arg2: memref<128x256xf32, #tpu.memory_space<vmem>>, %arg3: memref<1x128xf32, #tpu.memory_space<vmem>>, %arg4: memref<128x128xf32, #tpu.memory_space<vmem>>, %arg5: memref<128x128xf32, #tpu.memory_space<vmem>>) attributes {dimension_semantics = [#tpu.dimension_semantics<arbitrary>], iteration_bounds = array<i64: 10>, scalar_prefetch = 0 : i64, scratch_operands = 0 : i64, tpu.core_type = #tpu.core_type<tc>, window_params = [{transform_indices = @transform_0, window_bounds = array<i64: 1024, 128>}, {pipeline_mode = #tpu.pipeline_mode<synchronous>, transform_indices = @transform_1, window_bounds = array<i64: 128, 256>}, {pipeline_mode = #tpu.pipeline_mode<synchronous>, transform_indices = @transform_2, window_bounds = array<i64: 1, 128>}, {transform_indices = @transform_3, window_bounds = array<i64: 128, 128>}, {transform_indices = @transform_4, window_bounds = array<i64: 128, 128>}]} {
    %get3A = arith.constant 0 : index
    %get3A_0 = arith.constant 0 : index
    %get3A_1 = vector.load %arg1[%get3A, %get3A_0] : memref<1024x128xf32, #tpu.memory_space<vmem>>, vector<1024x128xf32>
    %get3A_2 = arith.constant 0 : index
    %get3A_3 = arith.constant 0 : index
    %get3A_4 = vector.load %arg2[%get3A_2, %get3A_3] : memref<128x256xf32, #tpu.memory_space<vmem>>, vector<128x256xf32>
    %dot_general3A = arith.constant dense<0.000000e+00> : vector<1024x256xf32>
    %dot_general3A_5 = tpu.matmul %get3A_1, %get3A_4, %dot_general3A {dimension_numbers = #tpu.dot_dimension_numbers<[1], [0], [0], [1], [0, 0, 1, 1], [], []>, transpose_lhs_hint = false} : vector<1024x128xf32>, vector<128x256xf32>, vector<1024x256xf32> -> vector<1024x256xf32>
    %iota3A = tpu.iota {dimensions = array<i32: 0>} : vector<1024x128xi32>
    %iota3A_6 = tpu.iota {dimensions = array<i32: 1>} : vector<1024x128xi32>
    %shift_right_arithmetic3A = arith.constant 4 : i32
    %shift_right_arithmetic3A_7 = vector.broadcast %shift_right_arithmetic3A : i32 to vector<1024x128xi32>
    %shift_right_arithmetic3A_8 = arith.shrsi %iota3A_6, %shift_right_arithmetic3A_7 : vector<1024x128xi32>
    %and3A = arith.constant 7 : i32
    %and3A_9 = vector.broadcast %and3A : i32 to vector<1024x128xi32>
    %and3A_10 = arith.andi %iota3A, %and3A_9 : vector<1024x128xi32>
    %eq3A = arith.cmpi eq, %shift_right_arithmetic3A_8, %and3A_10 : vector<1024x128xi32>
    %jit3A = arith.constant 1.000000e+00 : f32
    %jit3A_11 = arith.constant 0.000000e+00 : f32
    %broadcast_in_dim3A = vector.broadcast %jit3A : f32 to vector<1024x128xf32>
    %broadcast_in_dim3A_12 = vector.broadcast %jit3A_11 : f32 to vector<1024x128xf32>
    %select_n3A = arith.select %eq3A, %broadcast_in_dim3A, %broadcast_in_dim3A_12 : vector<1024x128xi1>, vector<1024x128xf32>
    %concatenate3A = tpu.concatenate %select_n3A, %select_n3A in 1 : vector<1024x128xf32>, vector<1024x128xf32> -> vector<1024x256xf32>
    %iota3A_13 = tpu.iota {dimensions = array<i32: 0>} : vector<128x1024xi32>
    %iota3A_14 = tpu.iota {dimensions = array<i32: 1>} : vector<128x1024xi32>
    %shift_right_arithmetic3A_15 = arith.constant 3 : i32
    %shift_right_arithmetic3A_16 = vector.broadcast %shift_right_arithmetic3A_15 : i32 to vector<128x1024xi32>
    %shift_right_arithmetic3A_17 = arith.shrsi %iota3A_14, %shift_right_arithmetic3A_16 : vector<128x1024xi32>
    %eq3A_18 = arith.cmpi eq, %shift_right_arithmetic3A_17, %iota3A_13 : vector<128x1024xi32>
    %jit3A_19 = arith.constant 1.000000e+00 : f32
    %jit3A_20 = arith.constant 0.000000e+00 : f32
    %broadcast_in_dim3A_21 = vector.broadcast %jit3A_19 : f32 to vector<128x1024xf32>
    %broadcast_in_dim3A_22 = vector.broadcast %jit3A_20 : f32 to vector<128x1024xf32>
    %select_n3A_23 = arith.select %eq3A_18, %broadcast_in_dim3A_21, %broadcast_in_dim3A_22 : vector<128x1024xi1>, vector<128x1024xf32>
    %mul3A = arith.mulf %dot_general3A_5, %concatenate3A : vector<1024x256xf32>
    %dot_general3A_24 = arith.constant dense<0.000000e+00> : vector<128x256xf32>
    %dot_general3A_25 = tpu.matmul %select_n3A_23, %mul3A, %dot_general3A_24 {dimension_numbers = #tpu.dot_dimension_numbers<[1], [0], [0], [1], [0, 0, 1, 1], [], []>, transpose_lhs_hint = false} : vector<128x1024xf32>, vector<1024x256xf32>, vector<128x256xf32> -> vector<128x256xf32>
    %slice3A = vector.extract_strided_slice %dot_general3A_25 {offsets = [0, 0], sizes = [128, 128], strides = [1, 1]} : vector<128x256xf32> to vector<128x128xf32>
    %swap3A = arith.constant 0 : index
    %swap3A_26 = arith.constant 0 : index
    %swap3A_27 = vector.load %arg4[%swap3A, %swap3A_26] : memref<128x128xf32, #tpu.memory_space<vmem>>, vector<128x128xf32>
    tpu.vector_store %arg4[%swap3A, %swap3A_26], %slice3A {strides = array<i32>} : memref<128x128xf32, #tpu.memory_space<vmem>>, vector<128x128xf32>,
    %slice3A_28 = vector.extract_strided_slice %dot_general3A_25 {offsets = [0, 128], sizes = [128, 128], strides = [1, 1]} : vector<128x256xf32> to vector<128x128xf32>
    %get3A_29 = arith.constant 0 : index
    %get3A_30 = arith.constant 0 : index
    %get3A_31 = vector.load %arg3[%get3A_29, %get3A_30] : memref<1x128xf32, #tpu.memory_space<vmem>>, vector<1x128xf32>
    %add3A = vector.broadcast %get3A_31 : vector<1x128xf32> to vector<128x128xf32>
    %add3A_32 = arith.addf %slice3A_28, %add3A : vector<128x128xf32>
    %swap3A_33 = arith.constant 0 : index
    %swap3A_34 = arith.constant 0 : index
    %swap3A_35 = vector.load %arg5[%swap3A_33, %swap3A_34] : memref<128x128xf32, #tpu.memory_space<vmem>>, vector<128x128xf32>
    tpu.vector_store %arg5[%swap3A_33, %swap3A_34], %add3A_32 {strides = array<i32>} : memref<128x128xf32, #tpu.memory_space<vmem>>, vector<128x128xf32>,
    return
  }
  func.func @transform_0(%arg0: i32) -> (i32, i32) {
    %c0_i32 = arith.constant 0 : i32
    %c0_i32_0 = arith.constant 0 : i32
    return %arg0, %c0_i32 : i32, i32
  }
  func.func @transform_1(%arg0: i32) -> (i32, i32) {
    %c0_i32 = arith.constant 0 : i32
    %c0_i32_0 = arith.constant 0 : i32
    %c0_i32_1 = arith.constant 0 : i32
    return %c0_i32, %c0_i32_0 : i32, i32
  }
  func.func @transform_2(%arg0: i32) -> (i32, i32) {
    %c0_i32 = arith.constant 0 : i32
    %c0_i32_0 = arith.constant 0 : i32
    %c0_i32_1 = arith.constant 0 : i32
    return %c0_i32, %c0_i32_0 : i32, i32
  }
  func.func @transform_3(%arg0: i32) -> (i32, i32) {
    %c0_i32 = arith.constant 0 : i32
    %c0_i32_0 = arith.constant 0 : i32
    return %arg0, %c0_i32 : i32, i32
  }
  func.func @transform_4(%arg0: i32) -> (i32, i32) {
    %c0_i32 = arith.constant 0 : i32
    %c0_i32_0 = arith.constant 0 : i32
    return %arg0, %c0_i32 : i32, i32
  }
}

module attributes {stable_mosaic.version = 14 : i64} {
  func.func @_fuse2_body(%arg0: i32, %arg1: memref<2x128x128xf32, #tpu.memory_space<vmem>>, %arg2: memref<2x128x128xf32, #tpu.memory_space<vmem>>, %arg3: memref<128x128xf32, #tpu.memory_space<vmem>>, %arg4: memref<40x256xf32, #tpu.memory_space<vmem>>, %arg5: memref<40x1xf32, #tpu.memory_space<vmem>>, %arg6: memref<40x1024xf32, #tpu.memory_space<vmem>>) attributes {dimension_semantics = [#tpu.dimension_semantics<arbitrary>], iteration_bounds = array<i64: 10>, scalar_prefetch = 0 : i64, scratch_operands = 0 : i64, tpu.core_type = #tpu.core_type<tc>, window_params = [{transform_indices = @transform_0, window_bounds = array<i64: 2, 128, 128>}, {transform_indices = @transform_1, window_bounds = array<i64: 2, 128, 128>}, {transform_indices = @transform_2, window_bounds = array<i64: 128, 128>}, {pipeline_mode = #tpu.pipeline_mode<synchronous>, transform_indices = @transform_3, window_bounds = array<i64: 40, 256>}, {pipeline_mode = #tpu.pipeline_mode<synchronous>, transform_indices = @transform_4, window_bounds = array<i64: 40, 1>}, {transform_indices = @transform_5, window_bounds = array<i64: 40, 1024>}]} {
    %get3A = arith.constant 0 : index
    %get3A_0 = arith.constant 0 : index
    %get3A_1 = arith.constant 0 : index
    %get3A_2 = vector.load %arg1[%get3A, %get3A_0, %get3A_1] : memref<2x128x128xf32, #tpu.memory_space<vmem>>, vector<2x128x128xf32>
    %get3A_3 = arith.constant 0 : index
    %get3A_4 = arith.constant 0 : index
    %get3A_5 = arith.constant 0 : index
    %get3A_6 = vector.load %arg2[%get3A_3, %get3A_4, %get3A_5] : memref<2x128x128xf32, #tpu.memory_space<vmem>>, vector<2x128x128xf32>
    %slice3A = vector.extract_strided_slice %get3A_6 {offsets = [0, 0, 0], sizes = [1, 128, 128], strides = [1, 1, 1]} : vector<2x128x128xf32> to vector<1x128x128xf32>
    %squeeze3A = vector.shape_cast %slice3A : vector<1x128x128xf32> to vector<128x128xf32>
    %slice3A_7 = vector.extract_strided_slice %get3A_6 {offsets = [1, 0, 0], sizes = [1, 128, 128], strides = [1, 1, 1]} : vector<2x128x128xf32> to vector<1x128x128xf32>
    %squeeze3A_8 = vector.shape_cast %slice3A_7 : vector<1x128x128xf32> to vector<128x128xf32>
    %add3A = arith.addf %squeeze3A, %squeeze3A_8 : vector<128x128xf32>
    %max3A = arith.constant 1.000000e+00 : f32
    %max3A_9 = vector.broadcast %max3A : f32 to vector<128x128xf32>
    %max3A_10 = arith.maximumf %add3A, %max3A_9 : vector<128x128xf32>
    %div3A = arith.constant 1.000000e+00 : f32
    %div3A_11 = vector.broadcast %div3A : f32 to vector<128x128xf32>
    %div3A_12 = arith.divf %div3A_11, %max3A_10 : vector<128x128xf32>
    %slice3A_13 = vector.extract_strided_slice %get3A_2 {offsets = [0, 0, 0], sizes = [1, 128, 128], strides = [1, 1, 1]} : vector<2x128x128xf32> to vector<1x128x128xf32>
    %squeeze3A_14 = vector.shape_cast %slice3A_13 : vector<1x128x128xf32> to vector<128x128xf32>
    %slice3A_15 = vector.extract_strided_slice %get3A_2 {offsets = [1, 0, 0], sizes = [1, 128, 128], strides = [1, 1, 1]} : vector<2x128x128xf32> to vector<1x128x128xf32>
    %squeeze3A_16 = vector.shape_cast %slice3A_15 : vector<1x128x128xf32> to vector<128x128xf32>
    %add3A_17 = arith.addf %squeeze3A_14, %squeeze3A_16 : vector<128x128xf32>
    %mul3A = arith.mulf %add3A_17, %div3A_12 : vector<128x128xf32>
    %transpose3A = tpu.transpose %mul3A, [1, 0] : vector<128x128xf32> -> vector<128x128xf32>
    %get3A_18 = arith.constant 0 : index
    %get3A_19 = arith.constant 0 : index
    %get3A_20 = vector.load %arg3[%get3A_18, %get3A_19] : memref<128x128xf32, #tpu.memory_space<vmem>>, vector<128x128xf32>
    %transpose3A_21 = tpu.transpose %get3A_20, [1, 0] : vector<128x128xf32> -> vector<128x128xf32>
    %iota3A = tpu.iota {dimensions = array<i32: 0>} : vector<128x1024xi32>
    %iota3A_22 = tpu.iota {dimensions = array<i32: 1>} : vector<128x1024xi32>
    %shift_right_arithmetic3A = arith.constant 3 : i32
    %shift_right_arithmetic3A_23 = vector.broadcast %shift_right_arithmetic3A : i32 to vector<128x1024xi32>
    %shift_right_arithmetic3A_24 = arith.shrsi %iota3A_22, %shift_right_arithmetic3A_23 : vector<128x1024xi32>
    %eq3A = arith.cmpi eq, %iota3A, %shift_right_arithmetic3A_24 : vector<128x1024xi32>
    %jit3A = arith.constant 1.000000e+00 : f32
    %jit3A_25 = arith.constant 0.000000e+00 : f32
    %broadcast_in_dim3A = vector.broadcast %jit3A : f32 to vector<128x1024xf32>
    %broadcast_in_dim3A_26 = vector.broadcast %jit3A_25 : f32 to vector<128x1024xf32>
    %select_n3A = arith.select %eq3A, %broadcast_in_dim3A, %broadcast_in_dim3A_26 : vector<128x1024xi1>, vector<128x1024xf32>
    %iota3A_27 = tpu.iota {dimensions = array<i32: 0>} : vector<128x1024xi32>
    %iota3A_28 = tpu.iota {dimensions = array<i32: 1>} : vector<128x1024xi32>
    %shift_right_arithmetic3A_29 = arith.constant 4 : i32
    %shift_right_arithmetic3A_30 = vector.broadcast %shift_right_arithmetic3A_29 : i32 to vector<128x1024xi32>
    %shift_right_arithmetic3A_31 = arith.shrsi %iota3A_27, %shift_right_arithmetic3A_30 : vector<128x1024xi32>
    %and3A = arith.constant 7 : i32
    %and3A_32 = vector.broadcast %and3A : i32 to vector<128x1024xi32>
    %and3A_33 = arith.andi %iota3A_28, %and3A_32 : vector<128x1024xi32>
    %eq3A_34 = arith.cmpi eq, %shift_right_arithmetic3A_31, %and3A_33 : vector<128x1024xi32>
    %jit3A_35 = arith.constant 1.000000e+00 : f32
    %jit3A_36 = arith.constant 0.000000e+00 : f32
    %broadcast_in_dim3A_37 = vector.broadcast %jit3A_35 : f32 to vector<128x1024xf32>
    %broadcast_in_dim3A_38 = vector.broadcast %jit3A_36 : f32 to vector<128x1024xf32>
    %select_n3A_39 = arith.select %eq3A_34, %broadcast_in_dim3A_37, %broadcast_in_dim3A_38 : vector<128x1024xi1>, vector<128x1024xf32>
    %dot_general3A = arith.constant dense<0.000000e+00> : vector<128x1024xf32>
    %dot_general3A_40 = tpu.matmul %transpose3A, %select_n3A, %dot_general3A {dimension_numbers = #tpu.dot_dimension_numbers<[1], [0], [0], [1], [0, 0, 1, 1], [], []>, transpose_lhs_hint = false} : vector<128x128xf32>, vector<128x1024xf32>, vector<128x1024xf32> -> vector<128x1024xf32>
    %mul3A_41 = arith.mulf %dot_general3A_40, %select_n3A_39 : vector<128x1024xf32>
    %dot_general3A_42 = arith.constant dense<0.000000e+00> : vector<128x1024xf32>
    %dot_general3A_43 = tpu.matmul %transpose3A_21, %select_n3A, %dot_general3A_42 {dimension_numbers = #tpu.dot_dimension_numbers<[1], [0], [0], [1], [0, 0, 1, 1], [], []>, transpose_lhs_hint = false} : vector<128x128xf32>, vector<128x1024xf32>, vector<128x1024xf32> -> vector<128x1024xf32>
    %mul3A_44 = arith.mulf %dot_general3A_43, %select_n3A_39 : vector<128x1024xf32>
    %concatenate3A = tpu.concatenate %mul3A_41, %mul3A_44 in 0 : vector<128x1024xf32>, vector<128x1024xf32> -> vector<256x1024xf32>
    %get3A_45 = arith.constant 0 : index
    %get3A_46 = arith.constant 0 : index
    %get3A_47 = vector.load %arg4[%get3A_45, %get3A_46] : memref<40x256xf32, #tpu.memory_space<vmem>>, vector<40x256xf32>
    %dot_general3A_48 = arith.constant dense<0.000000e+00> : vector<40x1024xf32>
    %dot_general3A_49 = tpu.matmul %get3A_47, %concatenate3A, %dot_general3A_48 {dimension_numbers = #tpu.dot_dimension_numbers<[1], [0], [0], [1], [0, 0, 1, 1], [], []>, transpose_lhs_hint = false} : vector<40x256xf32>, vector<256x1024xf32>, vector<40x1024xf32> -> vector<40x1024xf32>
    %get3A_50 = arith.constant 0 : index
    %get3A_51 = arith.constant 0 : index
    %get3A_52 = vector.load %arg5[%get3A_50, %get3A_51] : memref<40x1xf32, #tpu.memory_space<vmem>>, vector<40x1xf32>
    %add3A_53 = vector.broadcast %get3A_52 : vector<40x1xf32> to vector<40x1024xf32>
    %add3A_54 = arith.addf %dot_general3A_49, %add3A_53 : vector<40x1024xf32>
    %reduce_max3A = arith.constant dense<0xFF800000> : vector<1024xf32>
    %reduce_max3A_55 = vector.multi_reduction <maximumf>, %add3A_54, %reduce_max3A [0] : vector<40x1024xf32> to vector<1024xf32>
    %broadcast_in_dim3A_56 = vector.shape_cast %reduce_max3A_55 : vector<1024xf32> to vector<1x1024xf32>
    %sub3A = vector.broadcast %broadcast_in_dim3A_56 : vector<1x1024xf32> to vector<40x1024xf32>
    %sub3A_57 = arith.subf %add3A_54, %sub3A : vector<40x1024xf32>
    %exp3A = math.exp %sub3A_57 : vector<40x1024xf32>
    %reduce_sum3A = arith.constant dense<0.000000e+00> : vector<1024xf32>
    %reduce_sum3A_58 = vector.multi_reduction <add>, %exp3A, %reduce_sum3A [0] : vector<40x1024xf32> to vector<1024xf32>
    %broadcast_in_dim3A_59 = vector.shape_cast %reduce_sum3A_58 : vector<1024xf32> to vector<1x1024xf32>
    %log3A = math.log %broadcast_in_dim3A_59 : vector<1x1024xf32>
    %sub3A_60 = vector.broadcast %broadcast_in_dim3A_56 : vector<1x1024xf32> to vector<40x1024xf32>
    %sub3A_61 = arith.subf %add3A_54, %sub3A_60 : vector<40x1024xf32>
    %sub3A_62 = vector.broadcast %log3A : vector<1x1024xf32> to vector<40x1024xf32>
    %sub3A_63 = arith.subf %sub3A_61, %sub3A_62 : vector<40x1024xf32>
    %swap3A = arith.constant 0 : index
    %swap3A_64 = arith.constant 0 : index
    %swap3A_65 = vector.load %arg6[%swap3A, %swap3A_64] : memref<40x1024xf32, #tpu.memory_space<vmem>>, vector<40x1024xf32>
    tpu.vector_store %arg6[%swap3A, %swap3A_64], %sub3A_63 {strides = array<i32>} : memref<40x1024xf32, #tpu.memory_space<vmem>>, vector<40x1024xf32>,
    return
  }
  func.func @transform_0(%arg0: i32) -> (i32, i32, i32) {
    %c0_i32 = arith.constant 0 : i32
    %c0_i32_0 = arith.constant 0 : i32
    %c0_i32_1 = arith.constant 0 : i32
    return %c0_i32, %arg0, %c0_i32_0 : i32, i32, i32
  }
  func.func @transform_1(%arg0: i32) -> (i32, i32, i32) {
    %c0_i32 = arith.constant 0 : i32
    %c0_i32_0 = arith.constant 0 : i32
    %c0_i32_1 = arith.constant 0 : i32
    return %c0_i32, %arg0, %c0_i32_0 : i32, i32, i32
  }
  func.func @transform_2(%arg0: i32) -> (i32, i32) {
    %c0_i32 = arith.constant 0 : i32
    %c0_i32_0 = arith.constant 0 : i32
    return %arg0, %c0_i32 : i32, i32
  }
  func.func @transform_3(%arg0: i32) -> (i32, i32) {
    %c0_i32 = arith.constant 0 : i32
    %c0_i32_0 = arith.constant 0 : i32
    %c0_i32_1 = arith.constant 0 : i32
    return %c0_i32, %c0_i32_0 : i32, i32
  }
  func.func @transform_4(%arg0: i32) -> (i32, i32) {
    %c0_i32 = arith.constant 0 : i32
    %c0_i32_0 = arith.constant 0 : i32
    %c0_i32_1 = arith.constant 0 : i32
    return %c0_i32, %c0_i32_0 : i32, i32
  }
  func.func @transform_5(%arg0: i32) -> (i32, i32) {
    %c0_i32 = arith.constant 0 : i32
    %c0_i32_0 = arith.constant 0 : i32
    return %c0_i32, %arg0 : i32, i32
  }
}

</mosaic_0001>

<sc_bundles>
// kernel: kernel.10.cloned.1.call-start
scs
__scs_entry_jumppad:
0x0: {  	(pc) =	sbr.rel $0x88, $3  }
0x1: {  	(tag) =	ssettag $0x0;
	lr =	simm.s32 $0x1  }
0x2: {  	[smem:$0x3F99] =	sst lr;
	_ =	strace $0xD0000000  }
0x3: {  	_ = 	snop  }
0x4: {  	_ = 	snop  }
0x5: {  	_ = 	snop  }
0x6: {  	_ = 	snop  }
0x7: {  	_ = 	snop  }
__scs_overlays_trampoline_lowered:
0x8: {  	[smem:$0x3FA8] =	sst s0  }
0x9: {  	[smem:$0x3FA9] =	sst s1  }
0xa: {  	[smem:$0x3FAA] =	sst s2  }
0xb: {  	[smem:$0x3FAB] =	sst s3  }
0xc: {  	[smem:$0x3FAC] =	sst s4  }
0xd: {  	[smem:$0x3FAD] =	sst s5  }
0xe: {  	[smem:$0x3FAE] =	sst s6  }
0xf: {  	[smem:$0x3FAF] =	sst s7  }
0x10: {  	[smem:$0x3FB0] =	sst s8  }
0x11: {  	[smem:$0x3FB1] =	sst s9;
	s0 =	simm.s32 @!p0 $0x0  }
0x12: {  	s1 =	sld [smem:$0x3F97];
	s0 =	simm.s32 @p0 $0x1  }
0x13: {  	[smem:$0x3FB2] =	sst s0;
	s0 =	simm.s32 @!p1 $0x0  }
0x14: {  	s2 =	sld [smem:$0x3F96];
	s0 =	simm.s32 @p1 $0x1  }
0x15: {  	[smem:$0x3FB3] =	sst s0;
	s0 =	simm.s32 @!p2 $0x0  }
0x16: {  	s3 =	sld [smem:$0x3FDB];
	s0 =	simm.s32 @p2 $0x1  }
0x17: {  	s4 =	simm.s32 $0x1BF5;
	[smem:$0x3FB5] =	sst s0  }
0x18: {  	s0 =	sld [smem:$0x3F98];
	_ =	swait.ge [sflag:s4], $0x0  }
0x19: {  	s7 =	sld [smem:$0x3F99]  }
0x1a: {  	s8 =	sadd.s32 $0xFFFFE003, lr  }
0x1b: {  	s9 =	sadd.s32 $0xFFFFFEF7, lr;
	s5 =	simm.s32 $0xFFFFFFFF;
	p2 =	slt.u32 s8, $0xFFFFF086  }
0x1c: {  	p1 =	slt.u32 s9, $0xF7A;
	s5 =	simm.s32 @!p2 $0x0  }
0x1d: {  	s5 =	simm.s32 @p1 $0x1;
	p0 =	seq.s32 s7, s2  }
0x1e: {  	s7 =	smul.u32 @!p0 $0xF7A, s2;
	p2 =	seq.s32 @!p0 s5, $0x0  }
0x1f: {  	s9 =	smul.u32 $0xF7A, s1;
	s8 =	simm.s32 @!p0 $0x1BF5;
	p2 =	por !p2, p0  }
0x20: {  	[sflag:s8] =	ssyncset.s32 @!p0 $0xFFFFF086;
	s6 =	sadd.s32 @!p0 s3, s7;
	s7 =	simm.s32 @!p0 $0x108  }
0x21: {  	s3 =	sadd.s32 s3, s9;
	s6 =	sadd.s32 @!p0 $0x88, s6;
	s7 =	simm.s32 @p2 $0x1082  }
0x22: {  	[simem:s7], [sflag:s8] =	dma.local @!p0 [hbm:s6], $0xF7A  }
0x23: {  	s9 =	sor.u32 $0xD0000000, s2;
	s6 =	simm.s32 $0x108;
	_ =	swait.ge @!p0 [sflag:s8], $0x0  }
0x24: {  	s3 =	sadd.s32 $0x88, s3;
	s6 =	simm.s32 @!p1 $0x1082;
	[sflag:s4] =	ssyncset.s32 $0xFFFFF086  }
0x25: {  	[simem:s6], [sflag:s4] =	dma.local [hbm:s3], $0xF7A  }
0x26: {  	[smem:$0x3F99] =	sst s1;
	(tag) =	ssettag s2;
	_ =	strace s9  }
0x27: {  	s1 =	sld [smem:$0x3FA9]  }
0x28: {  	s2 =	sld [smem:$0x3FAA]  }
0x29: {  	s4 =	sld [smem:$0x3FAC]  }
0x2a: {  	p0 =	seq.s32 s5, $0x0;
	s5 =	sld [smem:$0x3FAD]  }
0x2b: {  	s6 =	sld [smem:$0x3FAE]  }
0x2c: {  	s7 =	sld [smem:$0x3FAF]  }
0x2d: {  	s3 =	simm.s32 $0x108;
	s8 =	sld [smem:$0x3FB0]  }
0x2e: {  	s3 =	simm.s32 @!p0 $0x1082;
	s9 =	sld [smem:$0x3FB1]  }
0x2f: {  	lr =	sadd.s32 s0, s3;
	s0 =	sld [smem:$0x3FA8]  }
0x30: {  	s3 =	sld [smem:$0x3FAB]  }
0x31: {  	[smem:$0x3FB4] =	sst s10  }
0x32: {  	s10 =	sld [smem:$0x3FB2];
	_ =	sdelay $0x3  }
0x33: {  	p0 =	seq.s32 s10, $0x1;
	s10 =	sld [smem:$0x3FB4];
	_ =	sdelay $0x3  }
0x34: {  	[smem:$0x3FB4] =	sst s10  }
0x35: {  	s10 =	sld [smem:$0x3FB3];
	_ =	sdelay $0x3  }
0x36: {  	p1 =	seq.s32 s10, $0x1;
	s10 =	sld [smem:$0x3FB4];
	_ =	sdelay $0x3  }
0x37: {  	[smem:$0x3FB4] =	sst s10  }
0x38: {  	s10 =	sld [smem:$0x3FB5]  }
0x39: {  	_ = 	snop;
	(pc) =	sbr.ind lr, $3  }
0x3a: {  	_ = 	snop  }
0x3b: {  	_ = 	snop  }
0x3c: {  	p2 =	seq.s32 s10, $0x1;
	s10 =	sld [smem:$0x3FB4]  }
0x3d: {  	_ =	shalt  }
0x3e: {  	_ =	shalt  }
0x3f: {  	_ =	shalt  }
0x40: {  	_ =	shalt  }
0x41: {  	_ =	shalt  }
0x42: {  	_ =	shalt  }
0x43: {  	_ =	shalt  }
0x44: {  	_ =	shalt  }
0x45: {  	_ =	shalt  }
0x46: {  	_ =	shalt  }
0x47: {  	_ =	shalt  }
0x48: {  	_ =	shalt  }
0x49: {  	_ =	shalt  }
0x4a: {  	_ =	shalt  }
0x4b: {  	_ =	shalt  }
0x4c: {  	_ =	shalt  }
0x4d: {  	_ =	shalt  }
0x4e: {  	_ =	shalt  }
0x4f: {  	_ =	shalt  }
0x50: {  	_ =	shalt  }
0x51: {  	_ =	shalt  }
0x52: {  	_ =	shalt  }
0x53: {  	_ =	shalt  }
0x54: {  	_ =	shalt  }
0x55: {  	_ =	shalt  }
0x56: {  	_ =	shalt  }
0x57: {  	_ =	shalt  }
0x58: {  	_ =	shalt  }
0x59: {  	_ =	shalt  }
0x5a: {  	_ =	shalt  }
0x5b: {  	_ =	shalt  }
0x5c: {  	_ =	shalt  }
0x5d: {  	_ =	shalt  }
0x5e: {  	_ =	shalt  }
0x5f: {  	_ =	shalt  }
0x60: {  	_ =	shalt  }
0x61: {  	_ =	shalt  }
0x62: {  	_ =	shalt  }
0x63: {  	_ =	shalt  }
0x64: {  	_ =	shalt  }
0x65: {  	_ =	shalt  }
0x66: {  	_ =	shalt  }
0x67: {  	_ =	shalt  }
0x68: {  	_ =	shalt  }
0x69: {  	_ =	shalt  }
0x6a: {  	_ =	shalt  }
0x6b: {  	_ =	shalt  }
0x6c: {  	_ =	shalt  }
0x6d: {  	_ =	shalt  }
0x6e: {  	_ =	shalt  }
0x6f: {  	_ =	shalt  }
0x70: {  	_ =	shalt  }
0x71: {  	_ =	shalt  }
0x72: {  	_ =	shalt  }
0x73: {  	_ =	shalt  }
0x74: {  	_ =	shalt  }
0x75: {  	_ =	shalt  }
0x76: {  	_ =	shalt  }
0x77: {  	_ =	shalt  }
0x78: {  	_ =	shalt  }
0x79: {  	_ =	shalt  }
0x7a: {  	_ =	shalt  }
0x7b: {  	_ =	shalt  }
0x7c: {  	_ =	shalt  }
0x7d: {  	_ =	shalt  }
0x7e: {  	_ =	shalt  }
0x7f: {  	_ =	shalt  }
0x80: {  	_ =	shalt  }
0x81: {  	_ =	shalt  }
0x82: {  	_ =	shalt  }
0x83: {  	_ =	shalt  }
0x84: {  	_ =	shalt  }
0x85: {  	_ =	shalt  }
0x86: {  	_ =	shalt  }
0x87: {  	_ =	shalt  }
.Lfunc_end0:
.L_simem_size_0:
called_computation.1_lowered:
.L_overlay_start_0:
0x88: {  	s2 =	sld [smem:$0x3FD9]  }
0x89: {  	s3 =	sld [smem:$0x3FFE];
	_ =	sdelay $0x1  }
0x8a: {  	s1 =	srdreg.scid  }
0x8b: {  	s0 =	sand.u32 $0x1, s1  }
0x8c: {  	s17 =	sshll.u32 s0, $0xA;
	s2 =	sadd.s32 s3, s2  }
0x8d: {  	s2 =	sadd.s32 s2, s17  }
0x8e: {  	[smem:$0x3FC0] =	sst s2  }
0x8f: {  	_ = 	snop  }
0x90: {  	s2 =	sld [smem:$0x3FD0];
	(tm) =	ssettm $0x1  }
0x91: {  	s18 =	sld [smem:$0x3FFB];
	_ =	sdelay $0x3  }
0x92: {  	_ =	strace s18  }
0x93: {  	s3 =	sld [smem:$0x3FFC];
	_ =	sdelay $0x3  }
0x94: {  	_ =	strace s3  }
0x95: {  	s3 =	sld [smem:$0x3FFD];
	_ =	sdelay $0x3  }
0x96: {  	_ =	strace s3  }
0x97: {  	_ =	strace $0x8FFFFFFF  }
0x98: {  	s19 =	sld [smem:$0x3FDB];
	_ =	sdelay $0x1  }
0x99: {  	s4 =	simm.s32 $_scs_section_size  }
0x9a: {  	s5 =	simm.s32 $_size__tile_overlayer_lowered;
	s6 =	simm.s32 $_tile_overlayer_lowered  }
0x9b: {  	s22 =	simm.s32 $0x1BFF;
	s21 =	sshll.u32 s6, $0x1;
	s3 =	sadd.s32 s4, s19  }
0x9c: {  	s7 =	simm.s32 $0x0;
	s20 =	sshll.u32 s5, $0x1;
	s5 =	sadd.s32 s21, s3  }
0x9d: {  	[timem:s7], [sflag:s22] =	dma.local [hbm:s5], s20  }
0x9e: {  	_ =	swait.ge [sflag:s22], s20  }
0x9f: {  	s4 =	ssub.s32 $0x0, s20;
	[sflag:s22] =	ssyncset.done $0x0  }
0xa0: {  	[sflag:s22] =	ssyncadd.s32 s4;
	_ =	sdelay $0x1  }
0xa1: {  	s23 =	simm.s32 $0x1B8B  }
0xa2: {  	_ =	swait.ge [sflag:s23], $0x1  }
0xa3: {  	[sflag:s23] =	ssyncset.done $0x0  }
0xa4: {  	s25 =	simm.s32 $0x1B8E;
	s24 =	sld [smem:$0x3FFE];
	[sflag:s23] =	ssyncadd.s32 $0xFFFFFFFF  }
0xa5: {  	s26 =	simm.s32 $execute0_lowered;
	[smem:$0x3FD2] =	sst s25  }
0xa6: {  	s5 =	sshll.u32 s26, $0x1;
	_ =	strace $0x80000049;
	[dreg:$0x1] =	wrdreg $0xFFFFFFFF  }
0xa7: {  	s28 =	simm.s32 $_size_execute0_lowered;
	s3 =	sadd.s32 s3, s5;
	[dreg:$0x0] =	wrdreg $0x0  }
0xa8: {  	s5 =	sshll.u32 s28, $0x1;
	[dreg:$0x2] =	wrdreg s3  }
0xa9: {  	[dreg:$0x3] =	wrdreg s5  }
0xaa: {  	[dreg:$0x4] =	wrdreg $0xC0  }
0xab: {  	_ =	task [dreg:s7], $0x5FFFF  }
0xac: {  	[dreg:$0x1] =	wrdreg $0xFFFFFFFF  }
0xad: {  	[dreg:$0x0] =	wrdreg $0x60  }
0xae: {  	[dreg:$0x2] =	wrdreg s24  }
0xaf: {  	[dreg:$0x3] =	wrdreg s2  }
0xb0: {  	[dreg:$0x4] =	wrdreg $0x14F000  }
0xb1: {  	[dreg:$0x5] =	wrdreg $0x9  }
0xb2: {  	_ =	task.clear_ibuf [dreg:s7], $0x6FFFF;
	_ =	strace $0x90000049  }
0xb3: {  	s29 =	simm.s32 $0x9;
	_ =	strace $0x8000004B  }
0xb4: {  	_ =	swait.ge [sflag:s29], $0x1  }
0xb5: {  	[sflag:s29] =	ssyncadd.s32 $0xFFFFFFFF  }
0xb6: {  	_ =	strace $0x9000004B  }
0xb7: {  	_ =	sfence  }
0xb8: {  	s30 =	sld [smem:$0x0];
	_ =	sdelay $0x2  }
0xb9: {  	s31 =	sshll.u32 s1, $0xD;
	s1 =	sshrl.u32 s1, $0x2  }
0xba: {  	s3 =	sand.u32 $0x4000, s31;
	s1 =	sadd.s32 s1, s30  }
0xbb: {  	s0 =	sor.u32 s3, s0;
	s1 =	sshll.u32 s1, $0x11  }
0xbc: {  	s0 =	sor.u32 s1, s0  }
0xbd: {  	s0 =	sadd.s32 $0x8F2B, s0  }
0xbe: {  	[sflag:s0] =	ssyncadd.remote.s32 $0x1  }
0xbf: {  	_ =	sfence.sel $0xFFFF  }
0xc0: {  	[dreg:$0x0] =	wrdreg $0xFFFFFFFF;
	(pc) =	sbr.abs _section_cstart, $3  }
0xc1: {  	[dreg:$0x1] =	wrdreg $0xFFFFFFFF  }
0xc2: {  	_ =	task.clear_ibuf [dreg:s7], $0x2FFFF;
	_ =	strace $0x9FFFFFFF  }
0xc3: {  	(tm) =	ssettm $0x7FFFFFFF  }
tec
execute0_lowered:
.L_overlay_start_1:
0x0: {  	(tag) =	ssettag $0x1  }
0x1: {  	s5 =	rddreg [dreg:$0x0]  }
0x2: {  	s0 =	srdreg.scid;
	s13 =	rddreg [dreg:$0x1]  }
0x3: {  	s8 =	stileid.u32;
	s2 =	rddreg [dreg:$0x2];
	s3 =	simm.s32 $0x0  }
0x4: {  	s18 =	simm.s32 $0x1;
	s19 =	simm.s32 $0x80;
	s21 =	simm.s32 $0xC700  }
0x5: {  	s22 =	simm.s32 $0x2;
	s23 =	simm.s32 $0x3;
	s24 =	simm.s32 $0x0  }
0x6: {  	s0 =	sand.u32 $0x1, s0;
	[smem:$0x7FF] =	sst s3;
	s15 =	smul.u32 $0x2800, s8  }
0x7: {  	s1 =	sshll.u32 s0, $0x4;
	s31 =	ssub.s32 $0x2, s0;
	_ =	strace $0x8000004A  }
0x8: {  	s0 =	smul.u32 $0x28000, s0;
	s1 =	sor.u32 s8, s1;
	s7 =	sshrl.u32 s31, $0x1  }
0x9: {  	s16 =	sadd.s32 s15, s2;
	s4 =	smul.u32 $0x4E, s1;
	s6 =	smin.u32 s1, $0x4  }
0xa: {  	s14 =	ssub.s32 s31, s7;
	p0 =	slt.u32 s1, $0x4;
	s7 =	sshll.u32 s8, $0x6  }
0xb: {  	s0 =	sadd.s32 s15, s0;
	s15 =	simm.s32 $0x3F;
	s16 =	sshrl.u32 s16, $0x3  }
0xc: {  	s8 =	sor.u32 $0x1C01, s7;
	s0 =	sshrl.u32 s0, $0x3;
	s15 =	simm.s32 @!p0 $0x3E  }
0xd: {  	s14 =	smax.u32 s14, $0x1;
	s4 =	sadd.s32 s6, s4;
	s6 =	simm.s32 $0x4F  }
0xe: {  	s13 =	sadd.s32 s13, s0;
	s4 =	sshll.u32 s4, $0x4;
	s6 =	simm.s32 @!p0 $0x4E  }
0xf: {  	p0 =	sgt.u32 s1, $0x3;
	s12 =	sadd.s32 s4, s5;
	s4 =	sadd.s32 $0x16200, s5  }
0x10: {  	s5 =	sadd.s32 $0x1B200, s5;
	s15 =	ssub.s32 s6, s15;
	s9 =	sadd.s32 $0x2800, s12  }
0x11: {  	s10 =	sadd.s32 $0xC440, s12;
	s11 =	sadd.s32 $0x2CE0, s12;
	s12 =	sadd.s32 $0xC920, s12  }
.LBB2_1:
0x12: {  	[spmem:s16], [sflag:s8] =	dma.local [hbm:s5], $0x500  }
0x13: {  	[tilespmem:s3], [sflag:$0x1] =	stream.linear.gather [hbm4b:s9+s3], $0x2700, $0x38;
	[tilespmem:$0x17700] =	vst v63  }
0x14: {  	s0 =	simm.s32 $0x2780  }
0x15: {  	[tilespmem:s0], [sflag:$0x1] =	stream.linear.gather [hbm4b:s10+s3], $0x2700, $0x38;
	[tilespmem:$0x17700] =	vst v63  }
0x16: {  	s25 =	simm.s32 @!p0 $0x0;
	s26 =	simm.s32 @!p0 $0x2700  }
0x17: {  	[tilespmem:s26], [sflag:$0x3] =	stream.linear.gather @!p0 [hbm4b:s11+s25], $0x80, $0x38;
	[tilespmem:$0x17700] =	vst v63  }
0x18: {  	s26 =	simm.s32 @!p0 $0x3  }
0x19: {  	_ =	swait.ge @!p0 [sflag:s26], $0x80  }
0x1a: {  	[sflag:s26] =	ssyncset.done @!p0 $0x0  }
0x1b: {  	s28 =	simm.s32 @!p0 $0x4E80;
	[sflag:s26] =	ssyncadd.s32 @!p0 $0xFFFFFF80  }
0x1c: {  	[tilespmem:s28], [sflag:$0x3] =	stream.linear.gather @!p0 [hbm4b:s12+s25], $0x80, $0x38;
	[tilespmem:$0x17700] =	vst v63  }
0x1d: {  	_ =	swait.ge @!p0 [sflag:s26], $0x80  }
0x1e: {  	[sflag:s26] =	ssyncset.done @!p0 $0x0  }
0x1f: {  	[sflag:s26] =	ssyncadd.s32 @!p0 $0xFFFFFF80  }
0x20: {  	_ =	swait.ge [sflag:s18], $0x500  }
0x21: {  	[sflag:s18] =	ssyncset.done $0x0  }
0x22: {  	[sflag:s18] =	ssyncadd.s32 $0xFFFFFB00  }
0x23: {  	_ =	swait.ge [sflag:s18], $0x2700  }
0x24: {  	[sflag:s18] =	ssyncset.done $0x0  }
0x25: {  	[sflag:s18] =	ssyncadd.s32 $0xFFFFD900  }
0x26: {  	_ =	swait.ge [sflag:s18], $0x2700  }
0x27: {  	[sflag:s18] =	ssyncset.done $0x0  }
0x28: {  	[sflag:s18] =	ssyncadd.s32 $0xFFFFD900  }
0x29: {  	s20 =	simm.s32 $0x4F00;
	[bflag:$0x0] =	sbarrier.arrive $0xFFFF  }
0x2a: {  	[tilespmem:s20], [sflag:$0x1] =	stream.indirect.gather [hbm4b:s4+s19], $0x10, s3, s19, $0xb8;
	[tilespmem:$0x17700] =	vst v63  }
0x2b: {  	s25 =	simm.s32 $0x5700  }
0x2c: {  	[tilespmem:s25], [sflag:$0x1] =	stream.indirect.gather [hbm4b:s4+s19], $0x10, s19, s19, $0xb8;
	[tilespmem:$0x17700] =	vst v63  }
0x2d: {  	s1 =	simm.s32 $0x5F00;
	s26 =	simm.s32 $0x100  }
0x2e: {  	[tilespmem:s1], [sflag:$0x1] =	stream.indirect.gather [hbm4b:s4+s19], $0x10, s26, s19, $0xb8;
	[tilespmem:$0x17700] =	vst v63  }
0x2f: {  	s17 =	simm.s32 $0x180;
	s20 =	simm.s32 $0x6700  }
0x30: {  	[tilespmem:s20], [sflag:$0x1] =	stream.indirect.gather [hbm4b:s4+s19], $0x10, s17, s19, $0xb8;
	[tilespmem:$0x17700] =	vst v63  }
0x31: {  	s25 =	simm.s32 $0x200;
	s26 =	simm.s32 $0x6F00  }
0x32: {  	[tilespmem:s26], [sflag:$0x1] =	stream.indirect.gather [hbm4b:s4+s19], $0x10, s25, s19, $0xb8;
	[tilespmem:$0x17700] =	vst v63  }
0x33: {  	s17 =	simm.s32 $0x280;
	s20 =	simm.s32 $0x7700  }
0x34: {  	[tilespmem:s20], [sflag:$0x1] =	stream.indirect.gather [hbm4b:s4+s19], $0x10, s17, s19, $0xb8;
	[tilespmem:$0x17700] =	vst v63  }
0x35: {  	s25 =	simm.s32 $0x300;
	s26 =	simm.s32 $0x7F00  }
0x36: {  	[tilespmem:s26], [sflag:$0x1] =	stream.indirect.gather [hbm4b:s4+s19], $0x10, s25, s19, $0xb8;
	[tilespmem:$0x17700] =	vst v63  }
0x37: {  	s17 =	simm.s32 $0x380;
	s20 =	simm.s32 $0x8700  }
0x38: {  	[tilespmem:s20], [sflag:$0x1] =	stream.indirect.gather [hbm4b:s4+s19], $0x10, s17, s19, $0xb8;
	[tilespmem:$0x17700] =	vst v63  }
0x39: {  	s25 =	simm.s32 $0x400;
	s26 =	simm.s32 $0x8F00  }
0x3a: {  	[tilespmem:s26], [sflag:$0x1] =	stream.indirect.gather [hbm4b:s4+s19], $0x10, s25, s19, $0xb8;
	[tilespmem:$0x17700] =	vst v63  }
0x3b: {  	s17 =	simm.s32 $0x480;
	s20 =	simm.s32 $0x9700  }
0x3c: {  	[tilespmem:s20], [sflag:$0x1] =	stream.indirect.gather [hbm4b:s4+s19], $0x10, s17, s19, $0xb8;
	[tilespmem:$0x17700] =	vst v63  }
0x3d: {  	s25 =	simm.s32 $0x500;
	s26 =	simm.s32 $0x9F00  }
0x3e: {  	[tilespmem:s26], [sflag:$0x1] =	stream.indirect.gather [hbm4b:s4+s19], $0x10, s25, s19, $0xb8;
	[tilespmem:$0x17700] =	vst v63  }
0x3f: {  	s17 =	simm.s32 $0x580;
	s20 =	simm.s32 $0xA700  }
0x40: {  	[tilespmem:s20], [sflag:$0x1] =	stream.indirect.gather [hbm4b:s4+s19], $0x10, s17, s19, $0xb8;
	[tilespmem:$0x17700] =	vst v63  }
0x41: {  	s25 =	simm.s32 $0x600;
	s26 =	simm.s32 $0xAF00  }
0x42: {  	[tilespmem:s26], [sflag:$0x1] =	stream.indirect.gather [hbm4b:s4+s19], $0x10, s25, s19, $0xb8;
	[tilespmem:$0x17700] =	vst v63  }
0x43: {  	s1 =	simm.s32 $0x680;
	s17 =	simm.s32 $0xB700  }
0x44: {  	[tilespmem:s17], [sflag:$0x1] =	stream.indirect.gather [hbm4b:s4+s19], $0x10, s1, s19, $0xb8;
	[tilespmem:$0x17700] =	vst v63  }
0x45: {  	s20 =	simm.s32 $0x700;
	s25 =	simm.s32 $0xBF00  }
0x46: {  	[tilespmem:s25], [sflag:$0x1] =	stream.indirect.gather [hbm4b:s4+s19], $0x10, s20, s19, $0xb8;
	[tilespmem:$0x17700] =	vst v63  }
0x47: {  	p1 =	por $0x1, $0x1;
	s26 =	simm.s32 $0x780  }
0x48: {  	[tilespmem:s21], [sflag:$0x1] =	stream.indirect.gather [hbm4b:s4+s19], $0x10, s26, s19, $0xb8;
	[tilespmem:$0x17700] =	vst v63  }
0x49: {  	p2 =	sle.u32 s6, $0x10;
	s25 =	simm.s32 $0x20000;
	s26 =	simm.s32 @!p1 $0x2  }
0x4a: {  	s30 =	simm.s32 @!p2 $0x80;
	s25 =	sand.u32 @!p2 $0x3E000, s25;
	_ =	swait.ge @!p1 [sflag:s26], $0x800  }
0x4b: {  	s28 =	simm.s32 $0x800;
	s25 =	sshrl.u32 @!p2 s25, $0x2;
	[sflag:s26] =	ssyncset.done @!p1 $0x0  }
0x4c: {  	s25 =	sadd.s32 @!p2 $0x4F00, s25;
	[sflag:s26] =	ssyncadd.s32 @!p1 $0xFFFFF800;
	p1 =	sne.s32 s6, $0x1  }
0x4d: {  	[tilespmem:s25], [sflag:$0x1] =	stream.indirect.gather @!p2 [hbm4b:s4+s30], $0x10, s28, s30, $0xb8;
	[tilespmem:$0x17700] =	vst v63  }
.Ltmp0:
0x4e: {  	_ = 	snop;
	(pc) =	sbr.rel @!p1 .LBB2_3-.Ltmp0, $4  }
0x4f: {  	s29 =	simm.s32 $0x0;
	s26 =	simm.s32 $0x1;
	s25 =	simm.s32 $0x880  }
0x50: {  	s28 =	sand.u32 $0x3E000, s29;
	s30 =	simm.s32 $0x2780;
	_ =	swait.ge [sflag:s18], $0x800  }
0x51: {  	s29 =	sshrl.u32 s28, $0x2;
	s28 =	simm.s32 $0x22000;
	[sflag:s18] =	ssyncset.done $0x0  }
0x52: {  	s31 =	sadd.s32 $0x4F00, s29;
	s29 =	simm.s32 $0x2800;
	[sflag:s18] =	ssyncadd.s32 $0xFFFFF800  }
.LBB2_2:
0x53: {  	[spmem:s2] =	stream.indirect.scatter.add.f32 [tilespmem:s31], [sflag:$0x2], $0x10, s30, s19, $0xb8;
	[tilespmem:$0x17700] =	vst v63  }
0x54: {  	s31 =	smov.u32 s25;
	s30 =	smov.u32 s29  }
0x55: {  	p1 =	slt.u32 s26, $0x10;
	s26 =	sadd.s32 $0x10, s26;
	s25 =	sadd.s32 $0x80, s25  }
0x56: {  	s1 =	simm.s32 @!p1 $0x2;
	p2 =	sge.u32 s26, s6;
	s26 =	sadd.s32 $0xFFFFFFF1, s26  }
0x57: {  	s17 =	sadd.s32 $0xFFFE0000, s28;
	s0 =	sand.u32 @!p2 $0x3E000, s28;
	_ =	swait.ge @!p1 [sflag:s1], $0x800  }
0x58: {  	s20 =	simm.s32 @!p2 $0x80;
	s0 =	sshrl.u32 @!p2 s0, $0x2;
	[sflag:s1] =	ssyncset.done @!p1 $0x0  }
0x59: {  	[sflag:s1] =	ssyncadd.s32 @!p1 $0xFFFFF800;
	p1 =	sne.s32 s26, s6  }
.Ltmp1:
0x5a: {  	s0 =	sadd.s32 @!p2 $0x4F00, s0;
	(pc) =	sbr.rel @p1 .LBB2_2-.Ltmp1, $4  }
0x5b: {  	[tilespmem:s0], [sflag:$0x1] =	stream.indirect.gather @!p2 [hbm4b:s4+s20], $0x10, s31, s20, $0xb8;
	[tilespmem:$0x17700] =	vst v63  }
0x5c: {  	s0 =	sand.u32 $0x3E000, s17;
	_ =	swait.ge [sflag:s18], $0x800  }
0x5d: {  	s28 =	sadd.s32 $0x2000, s28;
	s0 =	sshrl.u32 s0, $0x2;
	[sflag:s18] =	ssyncset.done $0x0  }
0x5e: {  	s29 =	sadd.s32 $0x80, s29;
	s31 =	sadd.s32 $0x4F00, s0;
	[sflag:s18] =	ssyncadd.s32 $0xFFFFF800  }
.LBB2_3:
0x5f: {  	p1 =	sne.s32 s15, $0x1  }
.Ltmp2:
0x60: {  	_ = 	snop;
	(pc) =	sbr.rel @!p1 .LBB2_5-.Ltmp2, $4  }
0x61: {  	_ = 	snop  }
0x62: {  	[spmem:s2] =	stream.indirect.scatter.add.f32 [tilespmem:s31], [sflag:$0x2], $0x10, s30, s19, $0xb8;
	[tilespmem:$0x17700] =	vst v63  }
0x63: {  	_ =	swait.ge [sflag:s22], $0x800  }
0x64: {  	s25 =	sadd.s32 $0xFFFFFFFF, s15;
	[sflag:s22] =	ssyncset.done $0x0  }
.LBB2_4:
0x65: {  	p1 =	sne.s32 s25, $0x1;
	s25 =	sadd.s32 $0xFFFFFFFF, s25;
	[sflag:s22] =	ssyncadd.s32 $0xFFFFF800  }
.Ltmp3:
0x66: {  	(pc) =	sbr.rel @p1 .LBB2_4-.Ltmp3, $3  }
0x67: {  	_ =	sdelay $0x1  }
0x68: {  	_ =	swait.ge [sflag:s22], $0x800  }
0x69: {  	[sflag:s22] =	ssyncset.done $0x0  }
.LBB2_5:
0x6a: {  	s24 =	sadd.s32 $0x1, s24  }
0x6b: {  	[sflag:s22] =	ssyncadd.s32 $0xFFFFF800;
	p1 =	sne.s32 s24, s14  }
.Ltmp4:
0x6c: {  	s0 =	sor.u32 $0x1C03, s7;
	[bflag:$0x0] =	sbarrier.arrive $0xFFFF;
	(pc) =	sbr.rel @p1 .LBB2_1-.Ltmp4, $4  }
0x6d: {  	[hbm:s13], [sflag:s0] =	dma.local [spmem:s16], $0x500  }
0x6e: {  	_ =	swait.ge [sflag:s23], $0x500  }
0x6f: {  	[sflag:s23] =	ssyncset.done $0x0  }
0x70: {  	[sflag:s23] =	ssyncadd.s32 $0xFFFFFB00  }
0x71: {  	_ =	sfence.sel $0x180000  }
0x72: {  	[bflag:$0x0] =	sbarrier.arrive $0xFFFF  }
0x73: {  	_ =	strace $0x9000004A  }
0x74: {  	s0 =	stileid.u32;
	[bflag:$0x2] =	sbarrier.arrive $0xFFFF  }
0x75: {  	p0 =	sne.s32 s0, $0x0;
	s0 =	rddreg [dreg:$0x3]  }
0x76: {  	s0 =	sadd.s32 @!p0 $0x100000, s0  }
0x77: {  	[sflag:s0] =	ssyncadd.tile.s32 @!p0 $0x1;
	_ =	shalt  }
.Lfunc_end2:
_tile_overlayer_lowered:
.L_overlay_start_2:
0x78: {  	(tag) =	ssettag $0x2  }
0x79: {  	s0 =	rddreg [dreg:$0x0];
	s2 =	stileid.u32  }
0x7a: {  	s1 =	rddreg [dreg:$0x1];
	p0 =	sne.s32 s2, $0x0  }
0x7b: {  	s3 =	rddreg [dreg:$0x2];
	[bflag:$0x3] =	sbarrier.arrive $0xFFFF;
	s2 =	simm.s32 @!p0 $0x1C03  }
0x7c: {  	[timem:s3], [sflag:s2] =	dma.local @!p0 [hbm:s0], s1  }
0x7d: {  	s0 =	simm.s32 @!p0 $0x3  }
0x7e: {  	_ =	swait.ge @!p0 [sflag:s0], s1  }
0x7f: {  	s1 =	ssub.s32 @!p0 $0x0, s1;
	[sflag:s0] =	ssyncset.done @!p0 $0x0  }
0x80: {  	[sflag:s0] =	ssyncadd.s32 @!p0 s1  }
0x81: {  	[bflag:$0x3] =	sbarrier.arrive $0xFFFF  }
0x82: {  	_ =	shalt  }

// kernel: kernel.7.cloned.1.call-start
scs
__scs_entry_jumppad:
0x0: {  	(pc) =	sbr.rel $0x88, $3  }
0x1: {  	(tag) =	ssettag $0x0;
	lr =	simm.s32 $0x1  }
0x2: {  	[smem:$0x3F99] =	sst lr;
	_ =	strace $0xD0000000  }
0x3: {  	_ = 	snop  }
0x4: {  	_ = 	snop  }
0x5: {  	_ = 	snop  }
0x6: {  	_ = 	snop  }
0x7: {  	_ = 	snop  }
__scs_overlays_trampoline_lowered:
0x8: {  	[smem:$0x3FA8] =	sst s0  }
0x9: {  	[smem:$0x3FA9] =	sst s1  }
0xa: {  	[smem:$0x3FAA] =	sst s2  }
0xb: {  	[smem:$0x3FAB] =	sst s3  }
0xc: {  	[smem:$0x3FAC] =	sst s4  }
0xd: {  	[smem:$0x3FAD] =	sst s5  }
0xe: {  	[smem:$0x3FAE] =	sst s6  }
0xf: {  	[smem:$0x3FAF] =	sst s7  }
0x10: {  	[smem:$0x3FB0] =	sst s8  }
0x11: {  	[smem:$0x3FB1] =	sst s9;
	s0 =	simm.s32 @!p0 $0x0  }
0x12: {  	s1 =	sld [smem:$0x3F97];
	s0 =	simm.s32 @p0 $0x1  }
0x13: {  	[smem:$0x3FB2] =	sst s0;
	s0 =	simm.s32 @!p1 $0x0  }
0x14: {  	s2 =	sld [smem:$0x3F96];
	s0 =	simm.s32 @p1 $0x1  }
0x15: {  	[smem:$0x3FB3] =	sst s0;
	s0 =	simm.s32 @!p2 $0x0  }
0x16: {  	s3 =	sld [smem:$0x3FDB];
	s0 =	simm.s32 @p2 $0x1  }
0x17: {  	s4 =	simm.s32 $0x1BF5;
	[smem:$0x3FB5] =	sst s0  }
0x18: {  	s0 =	sld [smem:$0x3F98];
	_ =	swait.ge [sflag:s4], $0x0  }
0x19: {  	s7 =	sld [smem:$0x3F99]  }
0x1a: {  	s8 =	sadd.s32 $0xFFFFE003, lr  }
0x1b: {  	s9 =	sadd.s32 $0xFFFFFEF7, lr;
	s5 =	simm.s32 $0xFFFFFFFF;
	p2 =	slt.u32 s8, $0xFFFFF086  }
0x1c: {  	p1 =	slt.u32 s9, $0xF7A;
	s5 =	simm.s32 @!p2 $0x0  }
0x1d: {  	s5 =	simm.s32 @p1 $0x1;
	p0 =	seq.s32 s7, s2  }
0x1e: {  	s7 =	smul.u32 @!p0 $0xF7A, s2;
	p2 =	seq.s32 @!p0 s5, $0x0  }
0x1f: {  	s9 =	smul.u32 $0xF7A, s1;
	s8 =	simm.s32 @!p0 $0x1BF5;
	p2 =	por !p2, p0  }
0x20: {  	[sflag:s8] =	ssyncset.s32 @!p0 $0xFFFFF086;
	s6 =	sadd.s32 @!p0 s3, s7;
	s7 =	simm.s32 @!p0 $0x108  }
0x21: {  	s3 =	sadd.s32 s3, s9;
	s6 =	sadd.s32 @!p0 $0x88, s6;
	s7 =	simm.s32 @p2 $0x1082  }
0x22: {  	[simem:s7], [sflag:s8] =	dma.local @!p0 [hbm:s6], $0xF7A  }
0x23: {  	s9 =	sor.u32 $0xD0000000, s2;
	s6 =	simm.s32 $0x108;
	_ =	swait.ge @!p0 [sflag:s8], $0x0  }
0x24: {  	s3 =	sadd.s32 $0x88, s3;
	s6 =	simm.s32 @!p1 $0x1082;
	[sflag:s4] =	ssyncset.s32 $0xFFFFF086  }
0x25: {  	[simem:s6], [sflag:s4] =	dma.local [hbm:s3], $0xF7A  }
0x26: {  	[smem:$0x3F99] =	sst s1;
	(tag) =	ssettag s2;
	_ =	strace s9  }
0x27: {  	s1 =	sld [smem:$0x3FA9]  }
0x28: {  	s2 =	sld [smem:$0x3FAA]  }
0x29: {  	s4 =	sld [smem:$0x3FAC]  }
0x2a: {  	p0 =	seq.s32 s5, $0x0;
	s5 =	sld [smem:$0x3FAD]  }
0x2b: {  	s6 =	sld [smem:$0x3FAE]  }
0x2c: {  	s7 =	sld [smem:$0x3FAF]  }
0x2d: {  	s3 =	simm.s32 $0x108;
	s8 =	sld [smem:$0x3FB0]  }
0x2e: {  	s3 =	simm.s32 @!p0 $0x1082;
	s9 =	sld [smem:$0x3FB1]  }
0x2f: {  	lr =	sadd.s32 s0, s3;
	s0 =	sld [smem:$0x3FA8]  }
0x30: {  	s3 =	sld [smem:$0x3FAB]  }
0x31: {  	[smem:$0x3FB4] =	sst s10  }
0x32: {  	s10 =	sld [smem:$0x3FB2];
	_ =	sdelay $0x3  }
0x33: {  	p0 =	seq.s32 s10, $0x1;
	s10 =	sld [smem:$0x3FB4];
	_ =	sdelay $0x3  }
0x34: {  	[smem:$0x3FB4] =	sst s10  }
0x35: {  	s10 =	sld [smem:$0x3FB3];
	_ =	sdelay $0x3  }
0x36: {  	p1 =	seq.s32 s10, $0x1;
	s10 =	sld [smem:$0x3FB4];
	_ =	sdelay $0x3  }
0x37: {  	[smem:$0x3FB4] =	sst s10  }
0x38: {  	s10 =	sld [smem:$0x3FB5]  }
0x39: {  	_ = 	snop;
	(pc) =	sbr.ind lr, $3  }
0x3a: {  	_ = 	snop  }
0x3b: {  	_ = 	snop  }
0x3c: {  	p2 =	seq.s32 s10, $0x1;
	s10 =	sld [smem:$0x3FB4]  }
0x3d: {  	_ =	shalt  }
0x3e: {  	_ =	shalt  }
0x3f: {  	_ =	shalt  }
0x40: {  	_ =	shalt  }
0x41: {  	_ =	shalt  }
0x42: {  	_ =	shalt  }
0x43: {  	_ =	shalt  }
0x44: {  	_ =	shalt  }
0x45: {  	_ =	shalt  }
0x46: {  	_ =	shalt  }
0x47: {  	_ =	shalt  }
0x48: {  	_ =	shalt  }
0x49: {  	_ =	shalt  }
0x4a: {  	_ =	shalt  }
0x4b: {  	_ =	shalt  }
0x4c: {  	_ =	shalt  }
0x4d: {  	_ =	shalt  }
0x4e: {  	_ =	shalt  }
0x4f: {  	_ =	shalt  }
0x50: {  	_ =	shalt  }
0x51: {  	_ =	shalt  }
0x52: {  	_ =	shalt  }
0x53: {  	_ =	shalt  }
0x54: {  	_ =	shalt  }
0x55: {  	_ =	shalt  }
0x56: {  	_ =	shalt  }
0x57: {  	_ =	shalt  }
0x58: {  	_ =	shalt  }
0x59: {  	_ =	shalt  }
0x5a: {  	_ =	shalt  }
0x5b: {  	_ =	shalt  }
0x5c: {  	_ =	shalt  }
0x5d: {  	_ =	shalt  }
0x5e: {  	_ =	shalt  }
0x5f: {  	_ =	shalt  }
0x60: {  	_ =	shalt  }
0x61: {  	_ =	shalt  }
0x62: {  	_ =	shalt  }
0x63: {  	_ =	shalt  }
0x64: {  	_ =	shalt  }
0x65: {  	_ =	shalt  }
0x66: {  	_ =	shalt  }
0x67: {  	_ =	shalt  }
0x68: {  	_ =	shalt  }
0x69: {  	_ =	shalt  }
0x6a: {  	_ =	shalt  }
0x6b: {  	_ =	shalt  }
0x6c: {  	_ =	shalt  }
0x6d: {  	_ =	shalt  }
0x6e: {  	_ =	shalt  }
0x6f: {  	_ =	shalt  }
0x70: {  	_ =	shalt  }
0x71: {  	_ =	shalt  }
0x72: {  	_ =	shalt  }
0x73: {  	_ =	shalt  }
0x74: {  	_ =	shalt  }
0x75: {  	_ =	shalt  }
0x76: {  	_ =	shalt  }
0x77: {  	_ =	shalt  }
0x78: {  	_ =	shalt  }
0x79: {  	_ =	shalt  }
0x7a: {  	_ =	shalt  }
0x7b: {  	_ =	shalt  }
0x7c: {  	_ =	shalt  }
0x7d: {  	_ =	shalt  }
0x7e: {  	_ =	shalt  }
0x7f: {  	_ =	shalt  }
0x80: {  	_ =	shalt  }
0x81: {  	_ =	shalt  }
0x82: {  	_ =	shalt  }
0x83: {  	_ =	shalt  }
0x84: {  	_ =	shalt  }
0x85: {  	_ =	shalt  }
0x86: {  	_ =	shalt  }
0x87: {  	_ =	shalt  }
.Lfunc_end0:
.L_simem_size_0:
called_computation_lowered:
.L_overlay_start_0:
0x88: {  	s2 =	sld [smem:$0x3FD9]  }
0x89: {  	s3 =	sld [smem:$0x3FFE];
	_ =	sdelay $0x1  }
0x8a: {  	s1 =	srdreg.scid  }
0x8b: {  	s0 =	sand.u32 $0x1, s1  }
0x8c: {  	s17 =	sshll.u32 s0, $0xA;
	s2 =	sadd.s32 s3, s2  }
0x8d: {  	s2 =	sadd.s32 s2, s17  }
0x8e: {  	[smem:$0x3FC0] =	sst s2  }
0x8f: {  	_ = 	snop  }
0x90: {  	s2 =	sld [smem:$0x3FD0];
	(tm) =	ssettm $0x1  }
0x91: {  	s18 =	sld [smem:$0x3FFB];
	_ =	sdelay $0x3  }
0x92: {  	_ =	strace s18  }
0x93: {  	s3 =	sld [smem:$0x3FFC];
	_ =	sdelay $0x3  }
0x94: {  	_ =	strace s3  }
0x95: {  	s3 =	sld [smem:$0x3FFD];
	_ =	sdelay $0x3  }
0x96: {  	_ =	strace s3  }
0x97: {  	_ =	strace $0x8FFFFFFF  }
0x98: {  	s19 =	sld [smem:$0x3FDB];
	_ =	sdelay $0x1  }
0x99: {  	s4 =	simm.s32 $_scs_section_size  }
0x9a: {  	s5 =	simm.s32 $_size__tile_overlayer_lowered;
	s6 =	simm.s32 $_tile_overlayer_lowered  }
0x9b: {  	s22 =	simm.s32 $0x1BFF;
	s21 =	sshll.u32 s6, $0x1;
	s3 =	sadd.s32 s4, s19  }
0x9c: {  	s7 =	simm.s32 $0x0;
	s20 =	sshll.u32 s5, $0x1;
	s5 =	sadd.s32 s21, s3  }
0x9d: {  	[timem:s7], [sflag:s22] =	dma.local [hbm:s5], s20  }
0x9e: {  	_ =	swait.ge [sflag:s22], s20  }
0x9f: {  	s4 =	ssub.s32 $0x0, s20;
	[sflag:s22] =	ssyncset.done $0x0  }
0xa0: {  	[sflag:s22] =	ssyncadd.s32 s4;
	_ =	sdelay $0x1  }
0xa1: {  	s23 =	simm.s32 $0x1B8B  }
0xa2: {  	_ =	swait.ge [sflag:s23], $0x1  }
0xa3: {  	[sflag:s23] =	ssyncset.done $0x0  }
0xa4: {  	s25 =	simm.s32 $0x1B8E;
	s24 =	sld [smem:$0x3FFE];
	[sflag:s23] =	ssyncadd.s32 $0xFFFFFFFF  }
0xa5: {  	s26 =	simm.s32 $execute0_lowered;
	[smem:$0x3FD2] =	sst s25  }
0xa6: {  	s5 =	sshll.u32 s26, $0x1;
	_ =	strace $0x80000046;
	[dreg:$0x1] =	wrdreg $0xFFFFFFFF  }
0xa7: {  	s28 =	simm.s32 $_size_execute0_lowered;
	s3 =	sadd.s32 s3, s5;
	[dreg:$0x0] =	wrdreg $0x0  }
0xa8: {  	s5 =	sshll.u32 s28, $0x1;
	[dreg:$0x2] =	wrdreg s3  }
0xa9: {  	[dreg:$0x3] =	wrdreg s5  }
0xaa: {  	[dreg:$0x4] =	wrdreg $0xC0  }
0xab: {  	_ =	task [dreg:s7], $0x5FFFF  }
0xac: {  	[dreg:$0x1] =	wrdreg $0xFFFFFFFF  }
0xad: {  	[dreg:$0x0] =	wrdreg $0x60  }
0xae: {  	[dreg:$0x2] =	wrdreg s24  }
0xaf: {  	[dreg:$0x3] =	wrdreg s2  }
0xb0: {  	[dreg:$0x4] =	wrdreg $0x17A000  }
0xb1: {  	[dreg:$0x5] =	wrdreg $0x1A2000  }
0xb2: {  	[dreg:$0x6] =	wrdreg $0x9  }
0xb3: {  	_ =	task.clear_ibuf [dreg:s7], $0x7FFFF;
	_ =	strace $0x90000046  }
0xb4: {  	s29 =	simm.s32 $0x9;
	_ =	strace $0x80000048  }
0xb5: {  	_ =	swait.ge [sflag:s29], $0x1  }
0xb6: {  	[sflag:s29] =	ssyncadd.s32 $0xFFFFFFFF  }
0xb7: {  	_ =	strace $0x90000048  }
0xb8: {  	_ =	sfence  }
0xb9: {  	s30 =	sld [smem:$0x0];
	_ =	sdelay $0x2  }
0xba: {  	s31 =	sshll.u32 s1, $0xD;
	s1 =	sshrl.u32 s1, $0x2  }
0xbb: {  	s3 =	sand.u32 $0x4000, s31;
	s1 =	sadd.s32 s1, s30  }
0xbc: {  	s0 =	sor.u32 s3, s0;
	s1 =	sshll.u32 s1, $0x11  }
0xbd: {  	s0 =	sor.u32 s1, s0  }
0xbe: {  	s0 =	sadd.s32 $0x8F2B, s0  }
0xbf: {  	[sflag:s0] =	ssyncadd.remote.s32 $0x1  }
0xc0: {  	_ =	sfence.sel $0xFFFF  }
0xc1: {  	[dreg:$0x0] =	wrdreg $0xFFFFFFFF;
	(pc) =	sbr.abs _section_cstart, $3  }
0xc2: {  	[dreg:$0x1] =	wrdreg $0xFFFFFFFF  }
0xc3: {  	_ =	task.clear_ibuf [dreg:s7], $0x2FFFF;
	_ =	strace $0x9FFFFFFF  }
0xc4: {  	(tm) =	ssettm $0x7FFFFFFF  }
0xc5: {  	_ =	shalt  }
tec
execute0_lowered:
.L_overlay_start_1:
0x0: {  	(tag) =	ssettag $0x1  }
0x1: {  	s1 =	rddreg [dreg:$0x0]  }
0x2: {  	s0 =	srdreg.scid;
	s6 =	rddreg [dreg:$0x1]  }
0x3: {  	s11 =	stileid.u32;
	s2 =	rddreg [dreg:$0x2]  }
0x4: {  	s4 =	simm.s32 $0x0;
	s20 =	simm.s32 $0x3F;
	s28 =	simm.s32 $0x2  }
0x5: {  	s29 =	simm.s32 $0x3;
	s30 =	simm.s32 $0x4;
	s0 =	sand.u32 $0x1, s0  }
0x6: {  	s21 =	smul.u32 $0x2800, s11;
	[smem:$0x7FF] =	sst s4;
	s3 =	sshll.u32 s0, $0x4  }
0x7: {  	s10 =	sadd.s32 $0x1B200, s1;
	s7 =	sor.u32 s11, s3;
	s3 =	rddreg [dreg:$0x3]  }
0x8: {  	s22 =	sadd.s32 $0x1B800, s1;
	_ =	strace $0x80000047;
	[dreg:$0x5] =	wrdreg s10  }
0x9: {  	s23 =	sadd.s32 $0x1BA00, s1;
	s12 =	smul.u32 $0xA00, s11;
	[dreg:$0x6] =	wrdreg s22  }
0xa: {  	s9 =	smul.u32 $0x28000, s0;
	s0 =	ssub.s32 $0x2, s0;
	[dreg:$0x7] =	wrdreg s23  }
0xb: {  	s24 =	sshrl.u32 s0, $0x1;
	s10 =	sshll.u32 s11, $0x6;
	s14 =	sshrl.u32 s12, $0x2  }
0xc: {  	s22 =	simm.s32 $0x2780;
	s5 =	smul.u32 $0x4E, s7;
	s8 =	smin.u32 s7, $0x4  }
0xd: {  	s9 =	sadd.s32 s21, s9;
	p0 =	slt.u32 s7, $0x4;
	s0 =	ssub.s32 s0, s24  }
0xe: {  	s11 =	sor.u32 $0x1C01, s10;
	s14 =	sadd.s32 s14, s3;
	s24 =	simm.s32 $0x14F00  }
0xf: {  	s17 =	sshrl.u32 s9, $0x3;
	s9 =	simm.s32 $0x4F;
	s20 =	simm.s32 @!p0 $0x3E  }
0x10: {  	s19 =	smax.u32 s0, $0x1;
	s23 =	sshrl.u32 s14, $0x3;
	s0 =	simm.s32 $0x0  }
0x11: {  	s5 =	sadd.s32 s8, s5;
	s9 =	simm.s32 @!p0 $0x4E;
	s8 =	sadd.s32 s21, s2  }
0x12: {  	p0 =	sgt.u32 s7, $0x3;
	s5 =	sshll.u32 s5, $0x4;
	s20 =	ssub.s32 s9, s20  }
0x13: {  	s21 =	sshrl.u32 s8, $0x3;
	s16 =	sadd.s32 s5, s1;
	s5 =	sadd.s32 $0x16200, s1  }
0x14: {  	s1 =	sadd.s32 s17, s1;
	s17 =	sadd.s32 s6, s17;
	s25 =	sadd.s32 $0x2800, s16  }
0x15: {  	s26 =	sadd.s32 $0xC440, s16;
	s31 =	sadd.s32 $0x2CE0, s16;
	[dreg:$0x8] =	wrdreg s25  }
0x16: {  	s16 =	sadd.s32 $0xC920, s16;
	s18 =	sadd.s32 $0x1BC00, s1;
	[dreg:$0x9] =	wrdreg s26  }
0x17: {  	[dreg:$0xa] =	wrdreg s31;
	s25 =	simm.s32 $0x1;
	s26 =	simm.s32 $0x80  }
.LBB2_1:
0x18: {  	s1 =	rddreg [dreg:$0x5]  }
0x19: {  	[spmem:s21], [sflag:s11] =	dma.local [hbm:s1], $0x500  }
0x1a: {  	s1 =	rddreg [dreg:$0x8]  }
0x1b: {  	s8 =	rddreg [dreg:$0x9]  }
0x1c: {  	[tilespmem:s4], [sflag:$0x1] =	stream.linear.gather [hbm4b:s1+s4], $0x2700, $0x38;
	[tilespmem:$0x1A480] =	vst v63  }
0x1d: {  	s12 =	rddreg [dreg:$0x6]  }
0x1e: {  	[tilespmem:s22], [sflag:$0x1] =	stream.linear.gather [hbm4b:s8+s4], $0x2700, $0x38;
	[tilespmem:$0x1A480] =	vst v63  }
0x1f: {  	[spmem:s23], [sflag:s11] =	dma.local [hbm:s12], $0x50  }
0x20: {  	s1 =	rddreg [dreg:$0x7]  }
0x21: {  	[tilespmem:s24], [sflag:$0x1] =	stream.linear.gather [hbm4b:s1+s4], $0x80, $0x38;
	[tilespmem:$0x1A480] =	vst v63  }
0x22: {  	s6 =	simm.s32 @!p0 $0x2700;
	s7 =	rddreg [dreg:$0xa];
	s1 =	simm.s32 @!p0 $0x0  }
0x23: {  	[tilespmem:s6], [sflag:$0x4] =	stream.linear.gather @!p0 [hbm4b:s7+s1], $0x80, $0x38;
	[tilespmem:$0x1A480] =	vst v63  }
0x24: {  	s6 =	simm.s32 @!p0 $0x4  }
0x25: {  	_ =	swait.ge @!p0 [sflag:s6], $0x80  }
0x26: {  	[sflag:s6] =	ssyncset.done @!p0 $0x0  }
0x27: {  	s7 =	simm.s32 @!p0 $0x4E80;
	[sflag:s6] =	ssyncadd.s32 @!p0 $0xFFFFFF80  }
0x28: {  	[tilespmem:s7], [sflag:$0x4] =	stream.linear.gather @!p0 [hbm4b:s16+s1], $0x80, $0x38;
	[tilespmem:$0x1A480] =	vst v63  }
0x29: {  	_ =	swait.ge @!p0 [sflag:s6], $0x80  }
0x2a: {  	[sflag:s6] =	ssyncset.done @!p0 $0x0  }
0x2b: {  	[sflag:s6] =	ssyncadd.s32 @!p0 $0xFFFFFF80  }
0x2c: {  	_ =	swait.ge [sflag:s25], $0x500  }
0x2d: {  	[sflag:s25] =	ssyncset.done $0x0  }
0x2e: {  	[sflag:s25] =	ssyncadd.s32 $0xFFFFFB00  }
0x2f: {  	_ =	swait.ge [sflag:s25], $0x2700  }
0x30: {  	[sflag:s25] =	ssyncset.done $0x0  }
0x31: {  	[sflag:s25] =	ssyncadd.s32 $0xFFFFD900  }
0x32: {  	_ =	swait.ge [sflag:s25], $0x2700  }
0x33: {  	[sflag:s25] =	ssyncset.done $0x0  }
0x34: {  	[sflag:s25] =	ssyncadd.s32 $0xFFFFD900  }
0x35: {  	_ =	swait.ge [sflag:s25], $0x50  }
0x36: {  	[sflag:s25] =	ssyncset.done $0x0  }
0x37: {  	[sflag:s25] =	ssyncadd.s32 $0xFFFFFFB0  }
0x38: {  	_ =	swait.ge [sflag:s25], $0x80  }
0x39: {  	[sflag:s25] =	ssyncset.done $0x0  }
0x3a: {  	[sflag:s25] =	ssyncadd.s32 $0xFFFFFF80  }
0x3b: {  	s13 =	simm.s32 $0x4F00;
	[bflag:$0x0] =	sbarrier.arrive $0xFFFF  }
0x3c: {  	[tilespmem:s13], [sflag:$0x1] =	stream.indirect.gather [hbm4b:s5+s26], $0x10, s4, s26, $0xb8;
	[tilespmem:$0x1A480] =	vst v63  }
0x3d: {  	s15 =	simm.s32 $0x5700  }
0x3e: {  	[tilespmem:s15], [sflag:$0x1] =	stream.indirect.gather [hbm4b:s5+s26], $0x10, s26, s26, $0xb8;
	[tilespmem:$0x1A480] =	vst v63  }
0x3f: {  	s7 =	simm.s32 $0x5F00;
	s6 =	simm.s32 $0x100  }
0x40: {  	[tilespmem:s7], [sflag:$0x1] =	stream.indirect.gather [hbm4b:s5+s26], $0x10, s6, s26, $0xb8;
	[tilespmem:$0x1A480] =	vst v63  }
0x41: {  	s8 =	simm.s32 $0x180;
	s12 =	simm.s32 $0x6700  }
0x42: {  	[tilespmem:s12], [sflag:$0x1] =	stream.indirect.gather [hbm4b:s5+s26], $0x10, s8, s26, $0xb8;
	[tilespmem:$0x1A480] =	vst v63  }
0x43: {  	s13 =	simm.s32 $0x200;
	s15 =	simm.s32 $0x6F00  }
0x44: {  	[tilespmem:s15], [sflag:$0x1] =	stream.indirect.gather [hbm4b:s5+s26], $0x10, s13, s26, $0xb8;
	[tilespmem:$0x1A480] =	vst v63  }
0x45: {  	s6 =	simm.s32 $0x280;
	s7 =	simm.s32 $0x7700  }
0x46: {  	[tilespmem:s7], [sflag:$0x1] =	stream.indirect.gather [hbm4b:s5+s26], $0x10, s6, s26, $0xb8;
	[tilespmem:$0x1A480] =	vst v63  }
0x47: {  	s8 =	simm.s32 $0x300;
	s12 =	simm.s32 $0x7F00  }
0x48: {  	[tilespmem:s12], [sflag:$0x1] =	stream.indirect.gather [hbm4b:s5+s26], $0x10, s8, s26, $0xb8;
	[tilespmem:$0x1A480] =	vst v63  }
0x49: {  	s13 =	simm.s32 $0x380;
	s15 =	simm.s32 $0x8700  }
0x4a: {  	[tilespmem:s15], [sflag:$0x1] =	stream.indirect.gather [hbm4b:s5+s26], $0x10, s13, s26, $0xb8;
	[tilespmem:$0x1A480] =	vst v63  }
0x4b: {  	s6 =	simm.s32 $0x400;
	s7 =	simm.s32 $0x8F00  }
0x4c: {  	[tilespmem:s7], [sflag:$0x1] =	stream.indirect.gather [hbm4b:s5+s26], $0x10, s6, s26, $0xb8;
	[tilespmem:$0x1A480] =	vst v63  }
0x4d: {  	s8 =	simm.s32 $0x480;
	s12 =	simm.s32 $0x9700  }
0x4e: {  	[tilespmem:s12], [sflag:$0x1] =	stream.indirect.gather [hbm4b:s5+s26], $0x10, s8, s26, $0xb8;
	[tilespmem:$0x1A480] =	vst v63  }
0x4f: {  	s13 =	simm.s32 $0x500;
	s15 =	simm.s32 $0x9F00  }
0x50: {  	[tilespmem:s15], [sflag:$0x1] =	stream.indirect.gather [hbm4b:s5+s26], $0x10, s13, s26, $0xb8;
	[tilespmem:$0x1A480] =	vst v63  }
0x51: {  	s6 =	simm.s32 $0x580;
	s7 =	simm.s32 $0xA700  }
0x52: {  	[tilespmem:s7], [sflag:$0x1] =	stream.indirect.gather [hbm4b:s5+s26], $0x10, s6, s26, $0xb8;
	[tilespmem:$0x1A480] =	vst v63  }
0x53: {  	s8 =	simm.s32 $0x600;
	s12 =	simm.s32 $0xAF00  }
0x54: {  	[tilespmem:s12], [sflag:$0x1] =	stream.indirect.gather [hbm4b:s5+s26], $0x10, s8, s26, $0xb8;
	[tilespmem:$0x1A480] =	vst v63  }
0x55: {  	s13 =	simm.s32 $0x680;
	s15 =	simm.s32 $0xB700  }
0x56: {  	[tilespmem:s15], [sflag:$0x1] =	stream.indirect.gather [hbm4b:s5+s26], $0x10, s13, s26, $0xb8;
	[tilespmem:$0x1A480] =	vst v63  }
0x57: {  	p1 =	por $0x1, $0x1;
	s7 =	simm.s32 $0x700;
	s8 =	simm.s32 $0xBF00  }
0x58: {  	[tilespmem:s8], [sflag:$0x1] =	stream.indirect.gather [hbm4b:s5+s26], $0x10, s7, s26, $0xb8;
	[tilespmem:$0x1A480] =	vst v63  }
0x59: {  	s1 =	simm.s32 @!p1 $0x2;
	s12 =	simm.s32 $0x780;
	s13 =	simm.s32 $0xC700  }
0x5a: {  	[tilespmem:s13], [sflag:$0x1] =	stream.indirect.gather [hbm4b:s5+s26], $0x10, s12, s26, $0xb8;
	[tilespmem:$0x1A480] =	vst v63  }
0x5b: {  	_ =	swait.ge @!p1 [sflag:s1], $0x800  }
0x5c: {  	p2 =	sle.u32 s9, $0x10;
	[sflag:s1] =	ssyncset.done @!p1 $0x0  }
0x5d: {  	s6 =	simm.s32 $0x20000;
	[sflag:s1] =	ssyncadd.s32 @!p1 $0xFFFFF800;
	s1 =	simm.s32 @!p1 $0x3  }
0x5e: {  	s6 =	sand.u32 @!p2 $0x3E000, s6;
	_ =	swait.ge @!p1 [sflag:s1], $0x80  }
0x5f: {  	s6 =	sshrl.u32 @!p2 s6, $0x2;
	[sflag:s1] =	ssyncset.done @!p1 $0x0  }
0x60: {  	s7 =	simm.s32 $0x800;
	s8 =	simm.s32 $0x0;
	[sflag:s1] =	ssyncadd.s32 @!p1 $0xFFFFFF80  }
0x61: {  	s1 =	sadd.s32 @!p2 $0x4F00, s6;
	s6 =	simm.s32 @!p2 $0x80;
	p1 =	sne.s32 s9, $0x1  }
0x62: {  	[tilespmem:s1], [sflag:$0x1] =	stream.indirect.gather @!p2 [hbm4b:s5+s6], $0x10, s7, s6, $0xb8;
	[tilespmem:$0x1A480] =	vst v63  }
.Ltmp0:
0x63: {  	s15 =	sand.u32 $0x3E000, s8;
	_ =	swait.ge [sflag:s25], $0x800;
	(pc) =	sbr.rel @!p1 .LBB2_3-.Ltmp0, $4  }
0x64: {  	s31 =	simm.s32 $0x22000;
	s1 =	sshrl.u32 s15, $0x2;
	[sflag:s25] =	ssyncset.done $0x0  }
0x65: {  	s8 =	simm.s32 $0x1;
	s1 =	sadd.s32 $0x4F00, s1;
	[sflag:s25] =	ssyncadd.s32 $0xFFFFF800  }
0x66: {  	[spmem:s2] =	stream.indirect.scatter.add.f32 [tilespmem:s1], [sflag:$0x2], $0x10, s22, s26, $0xb8;
	[tilespmem:$0x1A480] =	vst v63  }
0x67: {  	s6 =	simm.s32 $0x880;
	s7 =	simm.s32 $0x2780;
	s1 =	simm.s32 $0x2800  }
.LBB2_2:
0x68: {  	[spmem:s3] =	stream.indirect.scatter.add.f32 [tilespmem:s24], [sflag:$0x3], $0x1, s7, s26, $0xb8;
	[tilespmem:$0x1A480] =	vst v63  }
0x69: {  	p1 =	slt.u32 s8, $0x10;
	s7 =	smov.u32 s1  }
0x6a: {  	s12 =	simm.s32 @!p1 $0x2  }
0x6b: {  	_ =	swait.ge @!p1 [sflag:s12], $0x800  }
0x6c: {  	s8 =	sadd.s32 $0x10, s8;
	[sflag:s12] =	ssyncset.done @!p1 $0x0  }
0x6d: {  	p2 =	sge.u32 s8, s9;
	[sflag:s12] =	ssyncadd.s32 @!p1 $0xFFFFF800;
	s12 =	simm.s32 @!p1 $0x3  }
0x6e: {  	s8 =	sadd.s32 $0xFFFFFFF1, s8;
	s13 =	sand.u32 @!p2 $0x3E000, s31;
	_ =	swait.ge @!p1 [sflag:s12], $0x80  }
0x6f: {  	s15 =	sadd.s32 $0xFFFE0000, s31;
	s13 =	sshrl.u32 @!p2 s13, $0x2;
	[sflag:s12] =	ssyncset.done @!p1 $0x0  }
0x70: {  	[sflag:s12] =	ssyncadd.s32 @!p1 $0xFFFFFF80  }
0x71: {  	s12 =	sadd.s32 @!p2 $0x4F00, s13;
	s13 =	simm.s32 @!p2 $0x80;
	p1 =	sne.s32 s8, s9  }
0x72: {  	[tilespmem:s12], [sflag:$0x1] =	stream.indirect.gather @!p2 [hbm4b:s5+s13], $0x10, s6, s13, $0xb8;
	[tilespmem:$0x1A480] =	vst v63  }
.Ltmp1:
0x73: {  	s12 =	sand.u32 $0x3E000, s15;
	_ =	swait.ge [sflag:s25], $0x800;
	(pc) =	sbr.rel @p1 .LBB2_2-.Ltmp1, $4  }
0x74: {  	s12 =	sshrl.u32 s12, $0x2;
	[sflag:s25] =	ssyncset.done $0x0  }
0x75: {  	s12 =	sadd.s32 $0x4F00, s12;
	[sflag:s25] =	ssyncadd.s32 $0xFFFFF800  }
0x76: {  	[spmem:s2] =	stream.indirect.scatter.add.f32 [tilespmem:s12], [sflag:$0x2], $0x10, s1, s26, $0xb8;
	[tilespmem:$0x1A480] =	vst v63  }
0x77: {  	s31 =	sadd.s32 $0x2000, s31;
	s6 =	sadd.s32 $0x80, s6;
	s1 =	sadd.s32 $0x80, s1  }
.LBB2_3:
0x78: {  	[spmem:s3] =	stream.indirect.scatter.add.f32 [tilespmem:s24], [sflag:$0x3], $0x1, s7, s26, $0xb8;
	[tilespmem:$0x1A480] =	vst v63  }
0x79: {  	p1 =	sne.s32 s20, $0x1  }
.Ltmp2:
0x7a: {  	_ =	swait.ge [sflag:s28], $0x800;
	(pc) =	sbr.rel @!p1 .LBB2_5-.Ltmp2, $4  }
0x7b: {  	[sflag:s28] =	ssyncset.done $0x0  }
0x7c: {  	[sflag:s28] =	ssyncadd.s32 $0xFFFFF800  }
0x7d: {  	_ =	swait.ge [sflag:s29], $0x80  }
0x7e: {  	s1 =	sadd.s32 $0xFFFFFFFF, s20;
	[sflag:s29] =	ssyncset.done $0x0  }
.LBB2_4:
0x7f: {  	p1 =	sne.s32 s1, $0x1;
	s1 =	sadd.s32 $0xFFFFFFFF, s1;
	[sflag:s29] =	ssyncadd.s32 $0xFFFFFF80  }
.Ltmp3:
0x80: {  	_ =	swait.ge [sflag:s28], $0x800;
	(pc) =	sbr.rel @p1 .LBB2_4-.Ltmp3, $4  }
0x81: {  	[sflag:s28] =	ssyncset.done $0x0  }
0x82: {  	[sflag:s28] =	ssyncadd.s32 $0xFFFFF800  }
0x83: {  	_ =	swait.ge [sflag:s29], $0x80  }
0x84: {  	[sflag:s29] =	ssyncset.done $0x0  }
.LBB2_5:
0x85: {  	[sflag:s29] =	ssyncadd.s32 $0xFFFFFF80  }
0x86: {  	s1 =	sor.u32 $0x1C04, s10;
	[bflag:$0x0] =	sbarrier.arrive $0xFFFF  }
0x87: {  	[hbm:s17], [sflag:s1] =	dma.local [spmem:s21], $0x500  }
0x88: {  	_ =	swait.ge [sflag:s30], $0x500  }
0x89: {  	[sflag:s30] =	ssyncset.done $0x0  }
0x8a: {  	s13 =	simm.s32 $0x14F80;
	[sflag:s30] =	ssyncadd.s32 $0xFFFFFB00  }
0x8b: {  	[tilespmem:s13], [sflag:$0x4] =	stream.linear.gather [spmem:s14], $0x280, $0x38;
	[tilespmem:$0x1A480] =	vst v63  }
0x8c: {  	_ =	swait.ge [sflag:s30], $0x280  }
0x8d: {  	[sflag:s30] =	ssyncset.done $0x0  }
0x8e: {  	s15 =	simm.s32 $0x0;
	[sflag:s30] =	ssyncadd.s32 $0xFFFFFD80  }
0x8f: {  	v0 =	vld [tilespmem:s15+$0x14F80];
	_ =	sdelay $0x4  }
0x90: {  	v1 =	vbroadcast v0, $0x0  }
0x91: {  	s31 =	simm.s32 $0x15280;
	v2 =	vbroadcast v0, $0x1  }
0x92: {  	v3 =	vbroadcast v0, $0x2;
	[tilespmem:s31+$0xFFFFFF80] =	vst v1  }
0x93: {  	v52 =	vbroadcast v0, $0x3;
	[tilespmem:s31+$0xFFFFFF90] =	vst v2  }
0x94: {  	v53 =	vbroadcast v0, $0x4;
	[tilespmem:s31+$0xFFFFFFA0] =	vst v3  }
0x95: {  	v54 =	vbroadcast v0, $0x5;
	[tilespmem:s31+$0xFFFFFFB0] =	vst v52  }
0x96: {  	v55 =	vbroadcast v0, $0x6;
	[tilespmem:s31+$0xFFFFFFC0] =	vst v53  }
0x97: {  	v56 =	vbroadcast v0, $0x7;
	[tilespmem:s31+$0xFFFFFFD0] =	vst v54  }
0x98: {  	v57 =	vbroadcast v0, $0x8;
	[tilespmem:s31+$0xFFFFFFE0] =	vst v55  }
0x99: {  	v58 =	vbroadcast v0, $0x9;
	[tilespmem:s31+$0xFFFFFFF0] =	vst v56  }
0x9a: {  	v59 =	vbroadcast v0, $0xA;
	[tilespmem:s31+$0x0] =	vst v57  }
0x9b: {  	v60 =	vbroadcast v0, $0xB;
	[tilespmem:s31+$0x10] =	vst v58  }
0x9c: {  	v61 =	vbroadcast v0, $0xC;
	[tilespmem:s31+$0x20] =	vst v59  }
0x9d: {  	v62 =	vbroadcast v0, $0xD;
	[tilespmem:s31+$0x30] =	vst v60  }
0x9e: {  	v63 =	vbroadcast v0, $0xE;
	[tilespmem:s31+$0x40] =	vst v61  }
0x9f: {  	v0 =	vbroadcast v0, $0xF;
	[tilespmem:s31+$0x50] =	vst v62  }
0xa0: {  	[tilespmem:s31+$0x60] =	vst v63  }
0xa1: {  	s6 =	simm.s32 $0x10;
	s1 =	simm.s32 $0x80;
	[tilespmem:s31+$0x70] =	vst v0  }
.LBB2_6:
0xa2: {  	p1 =	sne.s32 s1, $0x9C0;
	v0 =	vld [tilespmem:s6+$0x14F80];
	_ =	sdelay $0x4  }
0xa3: {  	v1 =	vbroadcast v0, $0x0;
	v2 =	vbroadcast v0, $0x1  }
0xa4: {  	s31 =	sadd.s32 $0x100, s31;
	v3 =	vbroadcast v0, $0x2;
	v4 =	vbroadcast v0, $0x3  }
0xa5: {  	v5 =	vbroadcast v0, $0x5;
	[tilespmem:s31+$0xFFFFFF80] =	vst v1;
	v1 =	vbroadcast v0, $0x4  }
0xa6: {  	v6 =	vbroadcast v0, $0x7;
	[tilespmem:s31+$0xFFFFFF90] =	vst v2;
	v2 =	vbroadcast v0, $0x6  }
0xa7: {  	v7 =	vbroadcast v0, $0x9;
	[tilespmem:s31+$0xFFFFFFA0] =	vst v3;
	v3 =	vbroadcast v0, $0x8  }
0xa8: {  	v8 =	vbroadcast v0, $0xB;
	[tilespmem:s31+$0xFFFFFFB0] =	vst v4;
	v4 =	vbroadcast v0, $0xA  }
0xa9: {  	v9 =	vbroadcast v0, $0xD;
	[tilespmem:s31+$0xFFFFFFC0] =	vst v1;
	v1 =	vbroadcast v0, $0xC  }
0xaa: {  	[tilespmem:s31+$0xFFFFFFD0] =	vst v5;
	v5 =	vbroadcast v0, $0xE;
	v0 =	vbroadcast v0, $0xF  }
0xab: {  	[tilespmem:s31+$0xFFFFFFE0] =	vst v2  }
0xac: {  	[tilespmem:s31+$0xFFFFFFF0] =	vst v6  }
0xad: {  	[tilespmem:s31+$0x0] =	vst v3  }
0xae: {  	[tilespmem:s31+$0x10] =	vst v7  }
0xaf: {  	[tilespmem:s31+$0x20] =	vst v4  }
.Ltmp4:
0xb0: {  	[tilespmem:s31+$0x30] =	vst v8;
	(pc) =	sbr.rel @p1 .LBB2_6-.Ltmp4, $4  }
0xb1: {  	[tilespmem:s31+$0x40] =	vst v1  }
0xb2: {  	[tilespmem:s31+$0x50] =	vst v9  }
0xb3: {  	[tilespmem:s31+$0x60] =	vst v5  }
0xb4: {  	s6 =	sshra.s32 s1, $0x2;
	s1 =	sadd.s32 $0x40, s1;
	[tilespmem:s31+$0x70] =	vst v0  }
0xb5: {  	v0 =	vld [tilespmem:s6+$0x14F80];
	_ =	sdelay $0x4  }
0xb6: {  	v1 =	vbroadcast v0, $0x0  }
0xb7: {  	s1 =	sadd.s32 $0x100, s31;
	v2 =	vbroadcast v0, $0x1  }
0xb8: {  	v3 =	vbroadcast v0, $0x2;
	[tilespmem:s1+$0xFFFFFF80] =	vst v1  }
0xb9: {  	v52 =	vbroadcast v0, $0x3;
	[tilespmem:s1+$0xFFFFFF90] =	vst v2  }
0xba: {  	v53 =	vbroadcast v0, $0x4;
	[tilespmem:s1+$0xFFFFFFA0] =	vst v3  }
0xbb: {  	v54 =	vbroadcast v0, $0x5;
	[tilespmem:s1+$0xFFFFFFB0] =	vst v52  }
0xbc: {  	v55 =	vbroadcast v0, $0x6;
	[tilespmem:s1+$0xFFFFFFC0] =	vst v53  }
0xbd: {  	v56 =	vbroadcast v0, $0x7;
	[tilespmem:s1+$0xFFFFFFD0] =	vst v54  }
0xbe: {  	v57 =	vbroadcast v0, $0x8;
	[tilespmem:s1+$0xFFFFFFE0] =	vst v55  }
0xbf: {  	v58 =	vbroadcast v0, $0x9;
	[tilespmem:s1+$0xFFFFFFF0] =	vst v56  }
0xc0: {  	v59 =	vbroadcast v0, $0xA;
	[tilespmem:s1+$0x0] =	vst v57  }
0xc1: {  	v60 =	vbroadcast v0, $0xB;
	[tilespmem:s1+$0x10] =	vst v58  }
0xc2: {  	v61 =	vbroadcast v0, $0xC;
	[tilespmem:s1+$0x20] =	vst v59  }
0xc3: {  	v62 =	vbroadcast v0, $0xD;
	[tilespmem:s1+$0x30] =	vst v60  }
0xc4: {  	v63 =	vbroadcast v0, $0xE;
	[tilespmem:s1+$0x40] =	vst v61  }
0xc5: {  	s0 =	sadd.s32 $0x1, s0;
	v0 =	vbroadcast v0, $0xF;
	[tilespmem:s1+$0x50] =	vst v62  }
0xc6: {  	p1 =	sne.s32 s0, s19;
	[tilespmem:s1+$0x60] =	vst v63  }
.Ltmp5:
0xc7: {  	s31 =	simm.s32 $0x15200;
	[tilespmem:s1+$0x70] =	vst v0;
	(pc) =	sbr.rel @p1 .LBB2_1-.Ltmp5, $4  }
0xc8: {  	[hbm4b:s18+s4] =	stream.linear.scatter [tilespmem:s31], [sflag:$0x4], $0x2800, $0x38;
	[tilespmem:$0x1A480] =	vst v63  }
0xc9: {  	_ =	swait.ge [sflag:s30], $0x2800  }
0xca: {  	[sflag:s30] =	ssyncset.done $0x0  }
0xcb: {  	[sflag:s30] =	ssyncadd.s32 $0xFFFFD800  }
0xcc: {  	_ =	sfence.sel $0x180000  }
0xcd: {  	[bflag:$0x0] =	sbarrier.arrive $0xFFFF  }
0xce: {  	_ =	strace $0x90000047  }
0xcf: {  	s0 =	stileid.u32;
	[bflag:$0x2] =	sbarrier.arrive $0xFFFF  }
0xd0: {  	p0 =	sne.s32 s0, $0x0;
	s0 =	rddreg [dreg:$0x4]  }
0xd1: {  	s0 =	sadd.s32 @!p0 $0x100000, s0  }
0xd2: {  	[sflag:s0] =	ssyncadd.tile.s32 @!p0 $0x1;
	_ =	shalt  }
.Lfunc_end2:
_tile_overlayer_lowered:
.L_overlay_start_2:
0xd3: {  	(tag) =	ssettag $0x2  }
0xd4: {  	s0 =	rddreg [dreg:$0x0];
	s2 =	stileid.u32  }
0xd5: {  	s1 =	rddreg [dreg:$0x1];
	p0 =	sne.s32 s2, $0x0  }
0xd6: {  	s3 =	rddreg [dreg:$0x2];
	[bflag:$0x3] =	sbarrier.arrive $0xFFFF;
	s2 =	simm.s32 @!p0 $0x1C04  }
0xd7: {  	[timem:s3], [sflag:s2] =	dma.local @!p0 [hbm:s0], s1  }
0xd8: {  	s0 =	simm.s32 @!p0 $0x4  }
0xd9: {  	_ =	swait.ge @!p0 [sflag:s0], s1  }
0xda: {  	s1 =	ssub.s32 @!p0 $0x0, s1;
	[sflag:s0] =	ssyncset.done @!p0 $0x0  }
0xdb: {  	[sflag:s0] =	ssyncadd.s32 @!p0 s1  }
0xdc: {  	[bflag:$0x3] =	sbarrier.arrive $0xFFFF  }
0xdd: {  	_ =	shalt  }

</sc_bundles>
